<compile_context>
chip_gen: v7x
topology: tpu7x:2x2x1
jax: 0.10.2.dev20260603
libtpu: 0.0.44.dev20260713+nightly
codegen_flags: <defaults>
</compile_context>

<pallas_src>
import functools

import jax
import jax.numpy as jnp
from jax import lax
from jax.experimental import pallas as pl
from jax.experimental.pallas import tpu as pltpu
from jax.experimental.pallas import tpu_sc as plsc

ROWS = 8192
DIM = 4096
HALF = DIM // 2
NC = 2
NS = 16
NW = NC * NS
ROWS_PER_W = ROWS // NW
R = 4
NBLK = ROWS_PER_W // R
HCHUNK = HALF // 16


def _body(x_hbm, perm_hbm, out_hbm, perm_v,
          x0, x1, x2, x3, o0, o1, o2, o3,
          sx0, sx1, sx2, sx3, so0, so1, so2, so3):
    xbufs = (x0, x1, x2, x3)
    obufs = (o0, o1, o2, o3)
    sxs = (sx0, sx1, sx2, sx3)
    sos = (so0, so1, so2, so3)
    wid = lax.axis_index("s") * NC + lax.axis_index("c")
    row0 = wid * ROWS_PER_W
    pltpu.sync_copy(perm_hbm, perm_v)

    for p in range(3):
        pltpu.async_copy(x_hbm.at[pl.ds(row0 + p * R, R)], xbufs[p], sxs[p])

    rowvecs = [jnp.full((16,), i, dtype=jnp.int32) for i in range(R)]

    @pl.loop(0, NBLK)
    def _blocks(b):
        base = row0 + b * R
        p4 = lax.rem(b, 4)
        for k in range(4):
            @pl.when(p4 == k)
            def _parity(k=k):
                xv = xbufs[k]
                pltpu.make_async_copy(
                    x_hbm.at[pl.ds(base, R)], xv, sxs[k]).wait()

                @pl.when(b + 3 < NBLK)
                def _prefetch():
                    pltpu.async_copy(
                        x_hbm.at[pl.ds(base + 3 * R, R)],
                        xbufs[(k + 3) % 4], sxs[(k + 3) % 4])

                for h in range(2):
                    hb = (2 * k + h) % 4
                    ov, so = obufs[hb], sos[hb]
                    dst = out_hbm.at[pl.ds(base, R), pl.ds(h * HALF, HALF)]

                    @pl.when(b >= 2)
                    def _wait_out():
                        pltpu.make_async_copy(ov, dst, so).wait()

                    @plsc.parallel_loop(0, HCHUNK, unroll=4)
                    def _chunk(jg):
                        col = jg * 16
                        pv = perm_v[pl.ds(h * HALF + col, 16)]
                        for i in range(R):
                            ov[i, pl.ds(col, 16)] = plsc.load_gather(
                                xv, [rowvecs[i], pv])

                    pltpu.async_copy(ov, dst, so)

    for hb in range(4):
        pltpu.make_async_copy(
            obufs[hb], out_hbm.at[pl.ds(row0, R), pl.ds(0, HALF)],
            sos[hb]).wait()


@jax.jit
def kernel(x, perm):
    perm32 = perm.astype(jnp.int32)
    mesh = plsc.VectorSubcoreMesh(core_axis_name="c", subcore_axis_name="s")
    f = pl.kernel(
        _body,
        out_type=jax.ShapeDtypeStruct((ROWS, DIM), jnp.float32),
        mesh=mesh,
        scratch_types=[
            pltpu.VMEM((DIM,), jnp.int32),
            pltpu.VMEM((R, DIM), jnp.float32),
            pltpu.VMEM((R, DIM), jnp.float32),
            pltpu.VMEM((R, DIM), jnp.float32),
            pltpu.VMEM((R, DIM), jnp.float32),
            pltpu.VMEM((R, HALF), jnp.float32),
            pltpu.VMEM((R, HALF), jnp.float32),
            pltpu.VMEM((R, HALF), jnp.float32),
            pltpu.VMEM((R, HALF), jnp.float32),
            pltpu.SemaphoreType.DMA,
            pltpu.SemaphoreType.DMA,
            pltpu.SemaphoreType.DMA,
            pltpu.SemaphoreType.DMA,
            pltpu.SemaphoreType.DMA,
            pltpu.SemaphoreType.DMA,
            pltpu.SemaphoreType.DMA,
            pltpu.SemaphoreType.DMA,
        ],
        compiler_params=pltpu.CompilerParams(needs_layout_passes=False),
    )
    return f(x, perm32)

# --- scband reference (transcript-rebuilt; emitter-appended) ---
"""Pipeline reference for scband-invertible-permutation-31722628448863 (READ-ONLY COPY).

The authoritative reference and input builder live on the scoring server;
editing this copy changes nothing except your own understanding.
"""

import jax, jax.numpy as jnp
import numpy as np

DIM = 4096
SEED = 0

def _make_perm():
    rng = np.random.RandomState(SEED)
    perm = rng.permutation(DIM).astype(np.int64)
    return jnp.asarray(perm)

def setup_inputs(seed: int = 0) -> dict:
    key = jax.random.key(seed)
    x = jax.random.normal(key, (8192, DIM), dtype=jnp.float32)
    perm = _make_perm()
    return {"x": x, "perm": perm}

def reference(x, perm):
    # x[:, perm] — gather columns according to the fixed permutation
    return jnp.take(x, perm, axis=1)

if __name__ == "__main__":
    import jax
    _d = setup_inputs()
    print(jax.jit(kernel)(*tuple(_d.values())))

</pallas_src>

<mosaic_0001>
#map = affine_map<(d0, d1) -> (0, 0)>
#map1 = affine_map<(d0, d1) -> (0)>
module attributes {stable_mosaic.version = 14 : i64} {
  func.func @_body(%arg0: i32, %arg1: i32, %arg2: memref<8192x4096xf32, #tpu.memory_space<hbm>>, %arg3: memref<4096xi32, #tpu.memory_space<hbm>>, %arg4: memref<8192x4096xf32, #tpu.memory_space<hbm>>, %arg5: memref<4096xi32, #tpu.memory_space<vmem>>, %arg6: memref<4x4096xf32, #tpu.memory_space<vmem>>, %arg7: memref<4x4096xf32, #tpu.memory_space<vmem>>, %arg8: memref<4x4096xf32, #tpu.memory_space<vmem>>, %arg9: memref<4x4096xf32, #tpu.memory_space<vmem>>, %arg10: memref<4x2048xf32, #tpu.memory_space<vmem>>, %arg11: memref<4x2048xf32, #tpu.memory_space<vmem>>, %arg12: memref<4x2048xf32, #tpu.memory_space<vmem>>, %arg13: memref<4x2048xf32, #tpu.memory_space<vmem>>, %arg14: memref<!tpu.dma_semaphore, #tpu.memory_space<semaphore_mem>>, %arg15: memref<!tpu.dma_semaphore, #tpu.memory_space<semaphore_mem>>, %arg16: memref<!tpu.dma_semaphore, #tpu.memory_space<semaphore_mem>>, %arg17: memref<!tpu.dma_semaphore, #tpu.memory_space<semaphore_mem>>, %arg18: memref<!tpu.dma_semaphore, #tpu.memory_space<semaphore_mem>>, %arg19: memref<!tpu.dma_semaphore, #tpu.memory_space<semaphore_mem>>, %arg20: memref<!tpu.dma_semaphore, #tpu.memory_space<semaphore_mem>>, %arg21: memref<!tpu.dma_semaphore, #tpu.memory_space<semaphore_mem>>) attributes {dimension_semantics = [#tpu.dimension_semantics<core_parallel>, #tpu.dimension_semantics<subcore_parallel>], iteration_bounds = array<i64: 2, 16>, scalar_prefetch = 0 : i64, scratch_operands = 17 : i64, tpu.core_type = #tpu.core_type<sc_vector_subcore>, window_params = [{transform_indices = #map}, {transform_indices = #map1}, {transform_indices = #map}]} {
    %mul3A = arith.constant 2 : i32
    %mul3A_0 = arith.muli %arg1, %mul3A : i32
    %add3A = arith.addi %mul3A_0, %arg0 : i32
    %mul3A_1 = arith.constant 256 : i32
    %mul3A_2 = arith.muli %add3A, %mul3A_1 : i32
    "tpu.region"() ({
      %run_scoped3A = tpu.sem_alloc : memref<!tpu.dma_semaphore, #tpu.memory_space<semaphore_mem>>
      tpu.enqueue_dma source(%arg3 : memref<4096xi32, #tpu.memory_space<hbm>>) target(%arg5 : memref<4096xi32, #tpu.memory_space<vmem>>) target_semaphore(%run_scoped3A : memref<!tpu.dma_semaphore, #tpu.memory_space<semaphore_mem>>)
      tpu.wait_dma2 semaphore(%run_scoped3A : memref<!tpu.dma_semaphore, #tpu.memory_space<semaphore_mem>>) src(%arg3 : memref<4096xi32, #tpu.memory_space<hbm>>) dst(%arg5 : memref<4096xi32, #tpu.memory_space<vmem>>)
      tpu.yield
    }) : () -> ()
    %add3A_3 = arith.constant 0 : i32
    %add3A_4 = arith.addi %mul3A_2, %add3A_3 : i32
    %dma_start3A = arith.constant 0 : i32
    %dma_start3A_5 = tpu.memref_slice %arg2[%add3A_4, %dma_start3A] : memref<8192x4096xf32, #tpu.memory_space<hbm>> -> memref<4x4096xf32, #tpu.memory_space<hbm>>
    %dma_start3A_6 = arith.constant 0 : i32
    %dma_start3A_7 = tpu.memref_slice %arg2[%add3A_4, %dma_start3A_6] : memref<8192x4096xf32, #tpu.memory_space<hbm>> -> memref<4x4096xf32, #tpu.memory_space<hbm>>
    tpu.enqueue_dma source(%dma_start3A_7 : memref<4x4096xf32, #tpu.memory_space<hbm>>) target(%arg6 : memref<4x4096xf32, #tpu.memory_space<vmem>>) target_semaphore(%arg14 : memref<!tpu.dma_semaphore, #tpu.memory_space<semaphore_mem>>)
    %add3A_8 = arith.constant 4 : i32
    %add3A_9 = arith.addi %mul3A_2, %add3A_8 : i32
    %dma_start3A_10 = arith.constant 0 : i32
    %dma_start3A_11 = tpu.memref_slice %arg2[%add3A_9, %dma_start3A_10] : memref<8192x4096xf32, #tpu.memory_space<hbm>> -> memref<4x4096xf32, #tpu.memory_space<hbm>>
    %dma_start3A_12 = arith.constant 0 : i32
    %dma_start3A_13 = tpu.memref_slice %arg2[%add3A_9, %dma_start3A_12] : memref<8192x4096xf32, #tpu.memory_space<hbm>> -> memref<4x4096xf32, #tpu.memory_space<hbm>>
    tpu.enqueue_dma source(%dma_start3A_13 : memref<4x4096xf32, #tpu.memory_space<hbm>>) target(%arg7 : memref<4x4096xf32, #tpu.memory_space<vmem>>) target_semaphore(%arg15 : memref<!tpu.dma_semaphore, #tpu.memory_space<semaphore_mem>>)
    %add3A_14 = arith.constant 8 : i32
    %add3A_15 = arith.addi %mul3A_2, %add3A_14 : i32
    %dma_start3A_16 = arith.constant 0 : i32
    %dma_start3A_17 = tpu.memref_slice %arg2[%add3A_15, %dma_start3A_16] : memref<8192x4096xf32, #tpu.memory_space<hbm>> -> memref<4x4096xf32, #tpu.memory_space<hbm>>
    %dma_start3A_18 = arith.constant 0 : i32
    %dma_start3A_19 = tpu.memref_slice %arg2[%add3A_15, %dma_start3A_18] : memref<8192x4096xf32, #tpu.memory_space<hbm>> -> memref<4x4096xf32, #tpu.memory_space<hbm>>
    tpu.enqueue_dma source(%dma_start3A_19 : memref<4x4096xf32, #tpu.memory_space<hbm>>) target(%arg8 : memref<4x4096xf32, #tpu.memory_space<vmem>>) target_semaphore(%arg16 : memref<!tpu.dma_semaphore, #tpu.memory_space<semaphore_mem>>)
    %broadcast_in_dim3A = arith.constant 0 : i32
    %broadcast_in_dim3A_20 = vector.broadcast %broadcast_in_dim3A : i32 to vector<16xi32>
    %broadcast_in_dim3A_21 = arith.constant 1 : i32
    %broadcast_in_dim3A_22 = vector.broadcast %broadcast_in_dim3A_21 : i32 to vector<16xi32>
    %broadcast_in_dim3A_23 = arith.constant 2 : i32
    %broadcast_in_dim3A_24 = vector.broadcast %broadcast_in_dim3A_23 : i32 to vector<16xi32>
    %broadcast_in_dim3A_25 = arith.constant 3 : i32
    %broadcast_in_dim3A_26 = vector.broadcast %broadcast_in_dim3A_25 : i32 to vector<16xi32>
    %scan3A = arith.constant 0 : i32
    %scan3A_27 = arith.constant 64 : i32
    %scan3A_28 = arith.addi %scan3A, %scan3A_27 : i32
    %scan3A_29 = arith.constant 1 : i32
    scf.for %scan3A_46 = %scan3A to %scan3A_28 step %scan3A_29  : i32 {
      %mul3A_47 = arith.constant 1 : i32
      %mul3A_48 = arith.muli %scan3A_46, %mul3A_47 : i32
      %add3A_49 = arith.constant 0 : i32
      %add3A_50 = arith.addi %add3A_49, %mul3A_48 : i32
      %mul3A_51 = arith.constant 4 : i32
      %mul3A_52 = arith.muli %add3A_50, %mul3A_51 : i32
      %add3A_53 = arith.addi %mul3A_2, %mul3A_52 : i32
      %rem3A = arith.constant 4 : i32
      %rem3A_54 = arith.remsi %add3A_50, %rem3A : i32
      %eq3A = arith.constant 0 : i32
      %eq3A_55 = arith.cmpi eq, %rem3A_54, %eq3A : i32
      %convert_element_type3A = arith.extui %eq3A_55 : i1 to i32
      %cond3A = arith.constant 0 : i32
      %cond3A_56 = arith.cmpi ne, %convert_element_type3A, %cond3A : i32
      scf.if %cond3A_56 {
        %dma_wait3A_72 = arith.constant 0 : i32
        %dma_wait3A_73 = tpu.memref_slice %arg2[%add3A_53, %dma_wait3A_72] : memref<8192x4096xf32, #tpu.memory_space<hbm>> -> memref<4x4096xf32, #tpu.memory_space<hbm>>
        %dma_wait3A_74 = arith.constant 0 : i32
        %dma_wait3A_75 = tpu.memref_slice %arg2[%add3A_53, %dma_wait3A_74] : memref<8192x4096xf32, #tpu.memory_space<hbm>> -> memref<4x4096xf32, #tpu.memory_space<hbm>>
        tpu.wait_dma2 semaphore(%arg14 : memref<!tpu.dma_semaphore, #tpu.memory_space<semaphore_mem>>) src(%dma_wait3A_75 : memref<4x4096xf32, #tpu.memory_space<hbm>>) dst(%arg6 : memref<4x4096xf32, #tpu.memory_space<vmem>>)
        %add3A_76 = arith.constant 3 : i32
        %add3A_77 = arith.addi %add3A_50, %add3A_76 : i32
        %lt3A = arith.constant 64 : i32
        %lt3A_78 = arith.cmpi slt, %add3A_77, %lt3A : i32
        %convert_element_type3A_79 = arith.extui %lt3A_78 : i1 to i32
        %cond3A_80 = arith.constant 0 : i32
        %cond3A_81 = arith.cmpi ne, %convert_element_type3A_79, %cond3A_80 : i32
        scf.if %cond3A_81 {
          %add3A_104 = arith.constant 12 : i32
          %add3A_105 = arith.addi %add3A_53, %add3A_104 : i32
          %dma_start3A_106 = arith.constant 0 : i32
          %dma_start3A_107 = tpu.memref_slice %arg2[%add3A_105, %dma_start3A_106] : memref<8192x4096xf32, #tpu.memory_space<hbm>> -> memref<4x4096xf32, #tpu.memory_space<hbm>>
          %dma_start3A_108 = arith.constant 0 : i32
          %dma_start3A_109 = tpu.memref_slice %arg2[%add3A_105, %dma_start3A_108] : memref<8192x4096xf32, #tpu.memory_space<hbm>> -> memref<4x4096xf32, #tpu.memory_space<hbm>>
          tpu.enqueue_dma source(%dma_start3A_109 : memref<4x4096xf32, #tpu.memory_space<hbm>>) target(%arg9 : memref<4x4096xf32, #tpu.memory_space<vmem>>) target_semaphore(%arg17 : memref<!tpu.dma_semaphore, #tpu.memory_space<semaphore_mem>>)
        } else {
        }
        %ge3A = arith.constant 2 : i32
        %ge3A_82 = arith.cmpi sge, %add3A_50, %ge3A : i32
        %convert_element_type3A_83 = arith.extui %ge3A_82 : i1 to i32
        %cond3A_84 = arith.constant 0 : i32
        %cond3A_85 = arith.cmpi ne, %convert_element_type3A_83, %cond3A_84 : i32
        scf.if %cond3A_85 {
          %dma_wait3A_104 = arith.constant 0 : i32
          %dma_wait3A_105 = tpu.memref_slice %arg4[%add3A_53, %dma_wait3A_104] : memref<8192x4096xf32, #tpu.memory_space<hbm>> -> memref<4x2048xf32, #tpu.memory_space<hbm>>
          %dma_wait3A_106 = arith.constant 0 : i32
          %dma_wait3A_107 = tpu.memref_slice %arg4[%add3A_53, %dma_wait3A_106] : memref<8192x4096xf32, #tpu.memory_space<hbm>> -> memref<4x2048xf32, #tpu.memory_space<hbm>>
          tpu.wait_dma2 semaphore(%arg18 : memref<!tpu.dma_semaphore, #tpu.memory_space<semaphore_mem>>) src(%arg10 : memref<4x2048xf32, #tpu.memory_space<vmem>>) dst(%dma_wait3A_107 : memref<4x2048xf32, #tpu.memory_space<hbm>>)
        } else {
        }
        %parallel_loop3A = arith.constant 0 : i32
        %parallel_loop3A_86 = arith.constant 128 : i32
        %parallel_loop3A_87 = arith.constant 1 : i32
        scf.for %parallel_loop3A_104 = %parallel_loop3A to %parallel_loop3A_86 step %parallel_loop3A_87  : i32 {
          %parallel_loop3A_105 = arith.constant 16 : i32
          %parallel_loop3A_106 = arith.muli %parallel_loop3A_104, %parallel_loop3A_105 : i32
          %parallel_loop3A_107 = arith.constant 0 : i32
          %parallel_loop3A_108 = arith.addi %parallel_loop3A_107, %parallel_loop3A_106 : i32
          %parallel_loop3A_109 = arith.index_cast %parallel_loop3A_108 : i32 to index
          %parallel_loop3A_110 = tpu.vector_load %arg5[%parallel_loop3A_109] {strides = array<i32>} : memref<4096xi32, #tpu.memory_space<vmem>>, vector<16xi32>,
          %parallel_loop3A_111 = tpu.vector_load_idx %arg6[%broadcast_in_dim3A_20, %parallel_loop3A_110] : memref<4x4096xf32, #tpu.memory_space<vmem>>[vector<16xi32>, vector<16xi32>], vector<16xf32>,
          %parallel_loop3A_112 = arith.constant 0 : i32
          %parallel_loop3A_113 = arith.index_cast %parallel_loop3A_112 : i32 to index
          %parallel_loop3A_114 = arith.index_cast %parallel_loop3A_106 : i32 to index
          %parallel_loop3A_115 = tpu.vector_load %arg10[%parallel_loop3A_113, %parallel_loop3A_114] {strides = array<i32>} : memref<4x2048xf32, #tpu.memory_space<vmem>>, vector<16xf32>,
          tpu.vector_store %arg10[%parallel_loop3A_113, %parallel_loop3A_114], %parallel_loop3A_111 {strides = array<i32>} : memref<4x2048xf32, #tpu.memory_space<vmem>>, vector<16xf32>,
          %parallel_loop3A_116 = tpu.vector_load_idx %arg6[%broadcast_in_dim3A_22, %parallel_loop3A_110] : memref<4x4096xf32, #tpu.memory_space<vmem>>[vector<16xi32>, vector<16xi32>], vector<16xf32>,
          %parallel_loop3A_117 = arith.constant 1 : i32
          %parallel_loop3A_118 = arith.index_cast %parallel_loop3A_117 : i32 to index
          %parallel_loop3A_119 = arith.index_cast %parallel_loop3A_106 : i32 to index
          %parallel_loop3A_120 = tpu.vector_load %arg10[%parallel_loop3A_118, %parallel_loop3A_119] {strides = array<i32>} : memref<4x2048xf32, #tpu.memory_space<vmem>>, vector<16xf32>,
          tpu.vector_store %arg10[%parallel_loop3A_118, %parallel_loop3A_119], %parallel_loop3A_116 {strides = array<i32>} : memref<4x2048xf32, #tpu.memory_space<vmem>>, vector<16xf32>,
          %parallel_loop3A_121 = tpu.vector_load_idx %arg6[%broadcast_in_dim3A_24, %parallel_loop3A_110] : memref<4x4096xf32, #tpu.memory_space<vmem>>[vector<16xi32>, vector<16xi32>], vector<16xf32>,
          %parallel_loop3A_122 = arith.constant 2 : i32
          %parallel_loop3A_123 = arith.index_cast %parallel_loop3A_122 : i32 to index
          %parallel_loop3A_124 = arith.index_cast %parallel_loop3A_106 : i32 to index
          %parallel_loop3A_125 = tpu.vector_load %arg10[%parallel_loop3A_123, %parallel_loop3A_124] {strides = array<i32>} : memref<4x2048xf32, #tpu.memory_space<vmem>>, vector<16xf32>,
          tpu.vector_store %arg10[%parallel_loop3A_123, %parallel_loop3A_124], %parallel_loop3A_121 {strides = array<i32>} : memref<4x2048xf32, #tpu.memory_space<vmem>>, vector<16xf32>,
          %parallel_loop3A_126 = tpu.vector_load_idx %arg6[%broadcast_in_dim3A_26, %parallel_loop3A_110] : memref<4x4096xf32, #tpu.memory_space<vmem>>[vector<16xi32>, vector<16xi32>], vector<16xf32>,
          %parallel_loop3A_127 = arith.constant 3 : i32
          %parallel_loop3A_128 = arith.index_cast %parallel_loop3A_127 : i32 to index
          %parallel_loop3A_129 = arith.index_cast %parallel_loop3A_106 : i32 to index
          %parallel_loop3A_130 = tpu.vector_load %arg10[%parallel_loop3A_128, %parallel_loop3A_129] {strides = array<i32>} : memref<4x2048xf32, #tpu.memory_space<vmem>>, vector<16xf32>,
          tpu.vector_store %arg10[%parallel_loop3A_128, %parallel_loop3A_129], %parallel_loop3A_126 {strides = array<i32>} : memref<4x2048xf32, #tpu.memory_space<vmem>>, vector<16xf32>,
        } {sc.loop_unroll_factor = 4 : i64, sc.parallel_access}
        %dma_start3A_88 = arith.constant 0 : i32
        %dma_start3A_89 = tpu.memref_slice %arg4[%add3A_53, %dma_start3A_88] : memref<8192x4096xf32, #tpu.memory_space<hbm>> -> memref<4x2048xf32, #tpu.memory_space<hbm>>
        %dma_start3A_90 = arith.constant 0 : i32
        %dma_start3A_91 = tpu.memref_slice %arg4[%add3A_53, %dma_start3A_90] : memref<8192x4096xf32, #tpu.memory_space<hbm>> -> memref<4x2048xf32, #tpu.memory_space<hbm>>
        tpu.enqueue_dma source(%arg10 : memref<4x2048xf32, #tpu.memory_space<vmem>>) target(%dma_start3A_91 : memref<4x2048xf32, #tpu.memory_space<hbm>>) target_semaphore(%arg18 : memref<!tpu.dma_semaphore, #tpu.memory_space<semaphore_mem>>)
        %ge3A_92 = arith.constant 2 : i32
        %ge3A_93 = arith.cmpi sge, %add3A_50, %ge3A_92 : i32
        %convert_element_type3A_94 = arith.extui %ge3A_93 : i1 to i32
        %cond3A_95 = arith.constant 0 : i32
        %cond3A_96 = arith.cmpi ne, %convert_element_type3A_94, %cond3A_95 : i32
        scf.if %cond3A_96 {
          %dma_wait3A_104 = arith.constant 2048 : i32
          %dma_wait3A_105 = tpu.memref_slice %arg4[%add3A_53, %dma_wait3A_104] : memref<8192x4096xf32, #tpu.memory_space<hbm>> -> memref<4x2048xf32, #tpu.memory_space<hbm>>
          %dma_wait3A_106 = arith.constant 2048 : i32
          %dma_wait3A_107 = tpu.memref_slice %arg4[%add3A_53, %dma_wait3A_106] : memref<8192x4096xf32, #tpu.memory_space<hbm>> -> memref<4x2048xf32, #tpu.memory_space<hbm>>
          tpu.wait_dma2 semaphore(%arg19 : memref<!tpu.dma_semaphore, #tpu.memory_space<semaphore_mem>>) src(%arg11 : memref<4x2048xf32, #tpu.memory_space<vmem>>) dst(%dma_wait3A_107 : memref<4x2048xf32, #tpu.memory_space<hbm>>)
        } else {
        }
        %parallel_loop3A_97 = arith.constant 0 : i32
        %parallel_loop3A_98 = arith.constant 128 : i32
        %parallel_loop3A_99 = arith.constant 1 : i32
        scf.for %parallel_loop3A_104 = %parallel_loop3A_97 to %parallel_loop3A_98 step %parallel_loop3A_99  : i32 {
          %parallel_loop3A_105 = arith.constant 16 : i32
          %parallel_loop3A_106 = arith.muli %parallel_loop3A_104, %parallel_loop3A_105 : i32
          %parallel_loop3A_107 = arith.constant 2048 : i32
          %parallel_loop3A_108 = arith.addi %parallel_loop3A_107, %parallel_loop3A_106 : i32
          %parallel_loop3A_109 = arith.index_cast %parallel_loop3A_108 : i32 to index
          %parallel_loop3A_110 = tpu.vector_load %arg5[%parallel_loop3A_109] {strides = array<i32>} : memref<4096xi32, #tpu.memory_space<vmem>>, vector<16xi32>,
          %parallel_loop3A_111 = tpu.vector_load_idx %arg6[%broadcast_in_dim3A_20, %parallel_loop3A_110] : memref<4x4096xf32, #tpu.memory_space<vmem>>[vector<16xi32>, vector<16xi32>], vector<16xf32>,
          %parallel_loop3A_112 = arith.constant 0 : i32
          %parallel_loop3A_113 = arith.index_cast %parallel_loop3A_112 : i32 to index
          %parallel_loop3A_114 = arith.index_cast %parallel_loop3A_106 : i32 to index
          %parallel_loop3A_115 = tpu.vector_load %arg11[%parallel_loop3A_113, %parallel_loop3A_114] {strides = array<i32>} : memref<4x2048xf32, #tpu.memory_space<vmem>>, vector<16xf32>,
          tpu.vector_store %arg11[%parallel_loop3A_113, %parallel_loop3A_114], %parallel_loop3A_111 {strides = array<i32>} : memref<4x2048xf32, #tpu.memory_space<vmem>>, vector<16xf32>,
          %parallel_loop3A_116 = tpu.vector_load_idx %arg6[%broadcast_in_dim3A_22, %parallel_loop3A_110] : memref<4x4096xf32, #tpu.memory_space<vmem>>[vector<16xi32>, vector<16xi32>], vector<16xf32>,
          %parallel_loop3A_117 = arith.constant 1 : i32
          %parallel_loop3A_118 = arith.index_cast %parallel_loop3A_117 : i32 to index
          %parallel_loop3A_119 = arith.index_cast %parallel_loop3A_106 : i32 to index
          %parallel_loop3A_120 = tpu.vector_load %arg11[%parallel_loop3A_118, %parallel_loop3A_119] {strides = array<i32>} : memref<4x2048xf32, #tpu.memory_space<vmem>>, vector<16xf32>,
          tpu.vector_store %arg11[%parallel_loop3A_118, %parallel_loop3A_119], %parallel_loop3A_116 {strides = array<i32>} : memref<4x2048xf32, #tpu.memory_space<vmem>>, vector<16xf32>,
          %parallel_loop3A_121 = tpu.vector_load_idx %arg6[%broadcast_in_dim3A_24, %parallel_loop3A_110] : memref<4x4096xf32, #tpu.memory_space<vmem>>[vector<16xi32>, vector<16xi32>], vector<16xf32>,
          %parallel_loop3A_122 = arith.constant 2 : i32
          %parallel_loop3A_123 = arith.index_cast %parallel_loop3A_122 : i32 to index
          %parallel_loop3A_124 = arith.index_cast %parallel_loop3A_106 : i32 to index
          %parallel_loop3A_125 = tpu.vector_load %arg11[%parallel_loop3A_123, %parallel_loop3A_124] {strides = array<i32>} : memref<4x2048xf32, #tpu.memory_space<vmem>>, vector<16xf32>,
          tpu.vector_store %arg11[%parallel_loop3A_123, %parallel_loop3A_124], %parallel_loop3A_121 {strides = array<i32>} : memref<4x2048xf32, #tpu.memory_space<vmem>>, vector<16xf32>,
          %parallel_loop3A_126 = tpu.vector_load_idx %arg6[%broadcast_in_dim3A_26, %parallel_loop3A_110] : memref<4x4096xf32, #tpu.memory_space<vmem>>[vector<16xi32>, vector<16xi32>], vector<16xf32>,
          %parallel_loop3A_127 = arith.constant 3 : i32
          %parallel_loop3A_128 = arith.index_cast %parallel_loop3A_127 : i32 to index
          %parallel_loop3A_129 = arith.index_cast %parallel_loop3A_106 : i32 to index
          %parallel_loop3A_130 = tpu.vector_load %arg11[%parallel_loop3A_128, %parallel_loop3A_129] {strides = array<i32>} : memref<4x2048xf32, #tpu.memory_space<vmem>>, vector<16xf32>,
          tpu.vector_store %arg11[%parallel_loop3A_128, %parallel_loop3A_129], %parallel_loop3A_126 {strides = array<i32>} : memref<4x2048xf32, #tpu.memory_space<vmem>>, vector<16xf32>,
        } {sc.loop_unroll_factor = 4 : i64, sc.parallel_access}
        %dma_start3A_100 = arith.constant 2048 : i32
        %dma_start3A_101 = tpu.memref_slice %arg4[%add3A_53, %dma_start3A_100] : memref<8192x4096xf32, #tpu.memory_space<hbm>> -> memref<4x2048xf32, #tpu.memory_space<hbm>>
        %dma_start3A_102 = arith.constant 2048 : i32
        %dma_start3A_103 = tpu.memref_slice %arg4[%add3A_53, %dma_start3A_102] : memref<8192x4096xf32, #tpu.memory_space<hbm>> -> memref<4x2048xf32, #tpu.memory_space<hbm>>
        tpu.enqueue_dma source(%arg11 : memref<4x2048xf32, #tpu.memory_space<vmem>>) target(%dma_start3A_103 : memref<4x2048xf32, #tpu.memory_space<hbm>>) target_semaphore(%arg19 : memref<!tpu.dma_semaphore, #tpu.memory_space<semaphore_mem>>)
      } else {
      }
      %eq3A_57 = arith.constant 1 : i32
      %eq3A_58 = arith.cmpi eq, %rem3A_54, %eq3A_57 : i32
      %convert_element_type3A_59 = arith.extui %eq3A_58 : i1 to i32
      %cond3A_60 = arith.constant 0 : i32
      %cond3A_61 = arith.cmpi ne, %convert_element_type3A_59, %cond3A_60 : i32
      scf.if %cond3A_61 {
        %dma_wait3A_72 = arith.constant 0 : i32
        %dma_wait3A_73 = tpu.memref_slice %arg2[%add3A_53, %dma_wait3A_72] : memref<8192x4096xf32, #tpu.memory_space<hbm>> -> memref<4x4096xf32, #tpu.memory_space<hbm>>
        %dma_wait3A_74 = arith.constant 0 : i32
        %dma_wait3A_75 = tpu.memref_slice %arg2[%add3A_53, %dma_wait3A_74] : memref<8192x4096xf32, #tpu.memory_space<hbm>> -> memref<4x4096xf32, #tpu.memory_space<hbm>>
        tpu.wait_dma2 semaphore(%arg15 : memref<!tpu.dma_semaphore, #tpu.memory_space<semaphore_mem>>) src(%dma_wait3A_75 : memref<4x4096xf32, #tpu.memory_space<hbm>>) dst(%arg7 : memref<4x4096xf32, #tpu.memory_space<vmem>>)
        %add3A_76 = arith.constant 3 : i32
        %add3A_77 = arith.addi %add3A_50, %add3A_76 : i32
        %lt3A = arith.constant 64 : i32
        %lt3A_78 = arith.cmpi slt, %add3A_77, %lt3A : i32
        %convert_element_type3A_79 = arith.extui %lt3A_78 : i1 to i32
        %cond3A_80 = arith.constant 0 : i32
        %cond3A_81 = arith.cmpi ne, %convert_element_type3A_79, %cond3A_80 : i32
        scf.if %cond3A_81 {
          %add3A_104 = arith.constant 12 : i32
          %add3A_105 = arith.addi %add3A_53, %add3A_104 : i32
          %dma_start3A_106 = arith.constant 0 : i32
          %dma_start3A_107 = tpu.memref_slice %arg2[%add3A_105, %dma_start3A_106] : memref<8192x4096xf32, #tpu.memory_space<hbm>> -> memref<4x4096xf32, #tpu.memory_space<hbm>>
          %dma_start3A_108 = arith.constant 0 : i32
          %dma_start3A_109 = tpu.memref_slice %arg2[%add3A_105, %dma_start3A_108] : memref<8192x4096xf32, #tpu.memory_space<hbm>> -> memref<4x4096xf32, #tpu.memory_space<hbm>>
          tpu.enqueue_dma source(%dma_start3A_109 : memref<4x4096xf32, #tpu.memory_space<hbm>>) target(%arg6 : memref<4x4096xf32, #tpu.memory_space<vmem>>) target_semaphore(%arg14 : memref<!tpu.dma_semaphore, #tpu.memory_space<semaphore_mem>>)
        } else {
        }
        %ge3A = arith.constant 2 : i32
        %ge3A_82 = arith.cmpi sge, %add3A_50, %ge3A : i32
        %convert_element_type3A_83 = arith.extui %ge3A_82 : i1 to i32
        %cond3A_84 = arith.constant 0 : i32
        %cond3A_85 = arith.cmpi ne, %convert_element_type3A_83, %cond3A_84 : i32
        scf.if %cond3A_85 {
          %dma_wait3A_104 = arith.constant 0 : i32
          %dma_wait3A_105 = tpu.memref_slice %arg4[%add3A_53, %dma_wait3A_104] : memref<8192x4096xf32, #tpu.memory_space<hbm>> -> memref<4x2048xf32, #tpu.memory_space<hbm>>
          %dma_wait3A_106 = arith.constant 0 : i32
          %dma_wait3A_107 = tpu.memref_slice %arg4[%add3A_53, %dma_wait3A_106] : memref<8192x4096xf32, #tpu.memory_space<hbm>> -> memref<4x2048xf32, #tpu.memory_space<hbm>>
          tpu.wait_dma2 semaphore(%arg20 : memref<!tpu.dma_semaphore, #tpu.memory_space<semaphore_mem>>) src(%arg12 : memref<4x2048xf32, #tpu.memory_space<vmem>>) dst(%dma_wait3A_107 : memref<4x2048xf32, #tpu.memory_space<hbm>>)
        } else {
        }
        %parallel_loop3A = arith.constant 0 : i32
        %parallel_loop3A_86 = arith.constant 128 : i32
        %parallel_loop3A_87 = arith.constant 1 : i32
        scf.for %parallel_loop3A_104 = %parallel_loop3A to %parallel_loop3A_86 step %parallel_loop3A_87  : i32 {
          %parallel_loop3A_105 = arith.constant 16 : i32
          %parallel_loop3A_106 = arith.muli %parallel_loop3A_104, %parallel_loop3A_105 : i32
          %parallel_loop3A_107 = arith.constant 0 : i32
          %parallel_loop3A_108 = arith.addi %parallel_loop3A_107, %parallel_loop3A_106 : i32
          %parallel_loop3A_109 = arith.index_cast %parallel_loop3A_108 : i32 to index
          %parallel_loop3A_110 = tpu.vector_load %arg5[%parallel_loop3A_109] {strides = array<i32>} : memref<4096xi32, #tpu.memory_space<vmem>>, vector<16xi32>,
          %parallel_loop3A_111 = tpu.vector_load_idx %arg7[%broadcast_in_dim3A_20, %parallel_loop3A_110] : memref<4x4096xf32, #tpu.memory_space<vmem>>[vector<16xi32>, vector<16xi32>], vector<16xf32>,
          %parallel_loop3A_112 = arith.constant 0 : i32
          %parallel_loop3A_113 = arith.index_cast %parallel_loop3A_112 : i32 to index
          %parallel_loop3A_114 = arith.index_cast %parallel_loop3A_106 : i32 to index
          %parallel_loop3A_115 = tpu.vector_load %arg12[%parallel_loop3A_113, %parallel_loop3A_114] {strides = array<i32>} : memref<4x2048xf32, #tpu.memory_space<vmem>>, vector<16xf32>,
          tpu.vector_store %arg12[%parallel_loop3A_113, %parallel_loop3A_114], %parallel_loop3A_111 {strides = array<i32>} : memref<4x2048xf32, #tpu.memory_space<vmem>>, vector<16xf32>,
          %parallel_loop3A_116 = tpu.vector_load_idx %arg7[%broadcast_in_dim3A_22, %parallel_loop3A_110] : memref<4x4096xf32, #tpu.memory_space<vmem>>[vector<16xi32>, vector<16xi32>], vector<16xf32>,
          %parallel_loop3A_117 = arith.constant 1 : i32
          %parallel_loop3A_118 = arith.index_cast %parallel_loop3A_117 : i32 to index
          %parallel_loop3A_119 = arith.index_cast %parallel_loop3A_106 : i32 to index
          %parallel_loop3A_120 = tpu.vector_load %arg12[%parallel_loop3A_118, %parallel_loop3A_119] {strides = array<i32>} : memref<4x2048xf32, #tpu.memory_space<vmem>>, vector<16xf32>,
          tpu.vector_store %arg12[%parallel_loop3A_118, %parallel_loop3A_119], %parallel_loop3A_116 {strides = array<i32>} : memref<4x2048xf32, #tpu.memory_space<vmem>>, vector<16xf32>,
          %parallel_loop3A_121 = tpu.vector_load_idx %arg7[%broadcast_in_dim3A_24, %parallel_loop3A_110] : memref<4x4096xf32, #tpu.memory_space<vmem>>[vector<16xi32>, vector<16xi32>], vector<16xf32>,
          %parallel_loop3A_122 = arith.constant 2 : i32
          %parallel_loop3A_123 = arith.index_cast %parallel_loop3A_122 : i32 to index
          %parallel_loop3A_124 = arith.index_cast %parallel_loop3A_106 : i32 to index
          %parallel_loop3A_125 = tpu.vector_load %arg12[%parallel_loop3A_123, %parallel_loop3A_124] {strides = array<i32>} : memref<4x2048xf32, #tpu.memory_space<vmem>>, vector<16xf32>,
          tpu.vector_store %arg12[%parallel_loop3A_123, %parallel_loop3A_124], %parallel_loop3A_121 {strides = array<i32>} : memref<4x2048xf32, #tpu.memory_space<vmem>>, vector<16xf32>,
          %parallel_loop3A_126 = tpu.vector_load_idx %arg7[%broadcast_in_dim3A_26, %parallel_loop3A_110] : memref<4x4096xf32, #tpu.memory_space<vmem>>[vector<16xi32>, vector<16xi32>], vector<16xf32>,
          %parallel_loop3A_127 = arith.constant 3 : i32
          %parallel_loop3A_128 = arith.index_cast %parallel_loop3A_127 : i32 to index
          %parallel_loop3A_129 = arith.index_cast %parallel_loop3A_106 : i32 to index
          %parallel_loop3A_130 = tpu.vector_load %arg12[%parallel_loop3A_128, %parallel_loop3A_129] {strides = array<i32>} : memref<4x2048xf32, #tpu.memory_space<vmem>>, vector<16xf32>,
          tpu.vector_store %arg12[%parallel_loop3A_128, %parallel_loop3A_129], %parallel_loop3A_126 {strides = array<i32>} : memref<4x2048xf32, #tpu.memory_space<vmem>>, vector<16xf32>,
        } {sc.loop_unroll_factor = 4 : i64, sc.parallel_access}
        %dma_start3A_88 = arith.constant 0 : i32
        %dma_start3A_89 = tpu.memref_slice %arg4[%add3A_53, %dma_start3A_88] : memref<8192x4096xf32, #tpu.memory_space<hbm>> -> memref<4x2048xf32, #tpu.memory_space<hbm>>
        %dma_start3A_90 = arith.constant 0 : i32
        %dma_start3A_91 = tpu.memref_slice %arg4[%add3A_53, %dma_start3A_90] : memref<8192x4096xf32, #tpu.memory_space<hbm>> -> memref<4x2048xf32, #tpu.memory_space<hbm>>
        tpu.enqueue_dma source(%arg12 : memref<4x2048xf32, #tpu.memory_space<vmem>>) target(%dma_start3A_91 : memref<4x2048xf32, #tpu.memory_space<hbm>>) target_semaphore(%arg20 : memref<!tpu.dma_semaphore, #tpu.memory_space<semaphore_mem>>)
        %ge3A_92 = arith.constant 2 : i32
        %ge3A_93 = arith.cmpi sge, %add3A_50, %ge3A_92 : i32
        %convert_element_type3A_94 = arith.extui %ge3A_93 : i1 to i32
        %cond3A_95 = arith.constant 0 : i32
        %cond3A_96 = arith.cmpi ne, %convert_element_type3A_94, %cond3A_95 : i32
        scf.if %cond3A_96 {
          %dma_wait3A_104 = arith.constant 2048 : i32
          %dma_wait3A_105 = tpu.memref_slice %arg4[%add3A_53, %dma_wait3A_104] : memref<8192x4096xf32, #tpu.memory_space<hbm>> -> memref<4x2048xf32, #tpu.memory_space<hbm>>
          %dma_wait3A_106 = arith.constant 2048 : i32
          %dma_wait3A_107 = tpu.memref_slice %arg4[%add3A_53, %dma_wait3A_106] : memref<8192x4096xf32, #tpu.memory_space<hbm>> -> memref<4x2048xf32, #tpu.memory_space<hbm>>
          tpu.wait_dma2 semaphore(%arg21 : memref<!tpu.dma_semaphore, #tpu.memory_space<semaphore_mem>>) src(%arg13 : memref<4x2048xf32, #tpu.memory_space<vmem>>) dst(%dma_wait3A_107 : memref<4x2048xf32, #tpu.memory_space<hbm>>)
        } else {
        }
        %parallel_loop3A_97 = arith.constant 0 : i32
        %parallel_loop3A_98 = arith.constant 128 : i32
        %parallel_loop3A_99 = arith.constant 1 : i32
        scf.for %parallel_loop3A_104 = %parallel_loop3A_97 to %parallel_loop3A_98 step %parallel_loop3A_99  : i32 {
          %parallel_loop3A_105 = arith.constant 16 : i32
          %parallel_loop3A_106 = arith.muli %parallel_loop3A_104, %parallel_loop3A_105 : i32
          %parallel_loop3A_107 = arith.constant 2048 : i32
          %parallel_loop3A_108 = arith.addi %parallel_loop3A_107, %parallel_loop3A_106 : i32
          %parallel_loop3A_109 = arith.index_cast %parallel_loop3A_108 : i32 to index
          %parallel_loop3A_110 = tpu.vector_load %arg5[%parallel_loop3A_109] {strides = array<i32>} : memref<4096xi32, #tpu.memory_space<vmem>>, vector<16xi32>,
          %parallel_loop3A_111 = tpu.vector_load_idx %arg7[%broadcast_in_dim3A_20, %parallel_loop3A_110] : memref<4x4096xf32, #tpu.memory_space<vmem>>[vector<16xi32>, vector<16xi32>], vector<16xf32>,
          %parallel_loop3A_112 = arith.constant 0 : i32
          %parallel_loop3A_113 = arith.index_cast %parallel_loop3A_112 : i32 to index
          %parallel_loop3A_114 = arith.index_cast %parallel_loop3A_106 : i32 to index
          %parallel_loop3A_115 = tpu.vector_load %arg13[%parallel_loop3A_113, %parallel_loop3A_114] {strides = array<i32>} : memref<4x2048xf32, #tpu.memory_space<vmem>>, vector<16xf32>,
          tpu.vector_store %arg13[%parallel_loop3A_113, %parallel_loop3A_114], %parallel_loop3A_111 {strides = array<i32>} : memref<4x2048xf32, #tpu.memory_space<vmem>>, vector<16xf32>,
          %parallel_loop3A_116 = tpu.vector_load_idx %arg7[%broadcast_in_dim3A_22, %parallel_loop3A_110] : memref<4x4096xf32, #tpu.memory_space<vmem>>[vector<16xi32>, vector<16xi32>], vector<16xf32>,
          %parallel_loop3A_117 = arith.constant 1 : i32
          %parallel_loop3A_118 = arith.index_cast %parallel_loop3A_117 : i32 to index
          %parallel_loop3A_119 = arith.index_cast %parallel_loop3A_106 : i32 to index
          %parallel_loop3A_120 = tpu.vector_load %arg13[%parallel_loop3A_118, %parallel_loop3A_119] {strides = array<i32>} : memref<4x2048xf32, #tpu.memory_space<vmem>>, vector<16xf32>,
          tpu.vector_store %arg13[%parallel_loop3A_118, %parallel_loop3A_119], %parallel_loop3A_116 {strides = array<i32>} : memref<4x2048xf32, #tpu.memory_space<vmem>>, vector<16xf32>,
          %parallel_loop3A_121 = tpu.vector_load_idx %arg7[%broadcast_in_dim3A_24, %parallel_loop3A_110] : memref<4x4096xf32, #tpu.memory_space<vmem>>[vector<16xi32>, vector<16xi32>], vector<16xf32>,
          %parallel_loop3A_122 = arith.constant 2 : i32
          %parallel_loop3A_123 = arith.index_cast %parallel_loop3A_122 : i32 to index
          %parallel_loop3A_124 = arith.index_cast %parallel_loop3A_106 : i32 to index
          %parallel_loop3A_125 = tpu.vector_load %arg13[%parallel_loop3A_123, %parallel_loop3A_124] {strides = array<i32>} : memref<4x2048xf32, #tpu.memory_space<vmem>>, vector<16xf32>,
          tpu.vector_store %arg13[%parallel_loop3A_123, %parallel_loop3A_124], %parallel_loop3A_121 {strides = array<i32>} : memref<4x2048xf32, #tpu.memory_space<vmem>>, vector<16xf32>,
          %parallel_loop3A_126 = tpu.vector_load_idx %arg7[%broadcast_in_dim3A_26, %parallel_loop3A_110] : memref<4x4096xf32, #tpu.memory_space<vmem>>[vector<16xi32>, vector<16xi32>], vector<16xf32>,
          %parallel_loop3A_127 = arith.constant 3 : i32
          %parallel_loop3A_128 = arith.index_cast %parallel_loop3A_127 : i32 to index
          %parallel_loop3A_129 = arith.index_cast %parallel_loop3A_106 : i32 to index
          %parallel_loop3A_130 = tpu.vector_load %arg13[%parallel_loop3A_128, %parallel_loop3A_129] {strides = array<i32>} : memref<4x2048xf32, #tpu.memory_space<vmem>>, vector<16xf32>,
          tpu.vector_store %arg13[%parallel_loop3A_128, %parallel_loop3A_129], %parallel_loop3A_126 {strides = array<i32>} : memref<4x2048xf32, #tpu.memory_space<vmem>>, vector<16xf32>,
        } {sc.loop_unroll_factor = 4 : i64, sc.parallel_access}
        %dma_start3A_100 = arith.constant 2048 : i32
        %dma_start3A_101 = tpu.memref_slice %arg4[%add3A_53, %dma_start3A_100] : memref<8192x4096xf32, #tpu.memory_space<hbm>> -> memref<4x2048xf32, #tpu.memory_space<hbm>>
        %dma_start3A_102 = arith.constant 2048 : i32
        %dma_start3A_103 = tpu.memref_slice %arg4[%add3A_53, %dma_start3A_102] : memref<8192x4096xf32, #tpu.memory_space<hbm>> -> memref<4x2048xf32, #tpu.memory_space<hbm>>
        tpu.enqueue_dma source(%arg13 : memref<4x2048xf32, #tpu.memory_space<vmem>>) target(%dma_start3A_103 : memref<4x2048xf32, #tpu.memory_space<hbm>>) target_semaphore(%arg21 : memref<!tpu.dma_semaphore, #tpu.memory_space<semaphore_mem>>)
      } else {
      }
      %eq3A_62 = arith.constant 2 : i32
      %eq3A_63 = arith.cmpi eq, %rem3A_54, %eq3A_62 : i32
      %convert_element_type3A_64 = arith.extui %eq3A_63 : i1 to i32
      %cond3A_65 = arith.constant 0 : i32
      %cond3A_66 = arith.cmpi ne, %convert_element_type3A_64, %cond3A_65 : i32
      scf.if %cond3A_66 {
        %dma_wait3A_72 = arith.constant 0 : i32
        %dma_wait3A_73 = tpu.memref_slice %arg2[%add3A_53, %dma_wait3A_72] : memref<8192x4096xf32, #tpu.memory_space<hbm>> -> memref<4x4096xf32, #tpu.memory_space<hbm>>
        %dma_wait3A_74 = arith.constant 0 : i32
        %dma_wait3A_75 = tpu.memref_slice %arg2[%add3A_53, %dma_wait3A_74] : memref<8192x4096xf32, #tpu.memory_space<hbm>> -> memref<4x4096xf32, #tpu.memory_space<hbm>>
        tpu.wait_dma2 semaphore(%arg16 : memref<!tpu.dma_semaphore, #tpu.memory_space<semaphore_mem>>) src(%dma_wait3A_75 : memref<4x4096xf32, #tpu.memory_space<hbm>>) dst(%arg8 : memref<4x4096xf32, #tpu.memory_space<vmem>>)
        %add3A_76 = arith.constant 3 : i32
        %add3A_77 = arith.addi %add3A_50, %add3A_76 : i32
        %lt3A = arith.constant 64 : i32
        %lt3A_78 = arith.cmpi slt, %add3A_77, %lt3A : i32
        %convert_element_type3A_79 = arith.extui %lt3A_78 : i1 to i32
        %cond3A_80 = arith.constant 0 : i32
        %cond3A_81 = arith.cmpi ne, %convert_element_type3A_79, %cond3A_80 : i32
        scf.if %cond3A_81 {
          %add3A_104 = arith.constant 12 : i32
          %add3A_105 = arith.addi %add3A_53, %add3A_104 : i32
          %dma_start3A_106 = arith.constant 0 : i32
          %dma_start3A_107 = tpu.memref_slice %arg2[%add3A_105, %dma_start3A_106] : memref<8192x4096xf32, #tpu.memory_space<hbm>> -> memref<4x4096xf32, #tpu.memory_space<hbm>>
          %dma_start3A_108 = arith.constant 0 : i32
          %dma_start3A_109 = tpu.memref_slice %arg2[%add3A_105, %dma_start3A_108] : memref<8192x4096xf32, #tpu.memory_space<hbm>> -> memref<4x4096xf32, #tpu.memory_space<hbm>>
          tpu.enqueue_dma source(%dma_start3A_109 : memref<4x4096xf32, #tpu.memory_space<hbm>>) target(%arg7 : memref<4x4096xf32, #tpu.memory_space<vmem>>) target_semaphore(%arg15 : memref<!tpu.dma_semaphore, #tpu.memory_space<semaphore_mem>>)
        } else {
        }
        %ge3A = arith.constant 2 : i32
        %ge3A_82 = arith.cmpi sge, %add3A_50, %ge3A : i32
        %convert_element_type3A_83 = arith.extui %ge3A_82 : i1 to i32
        %cond3A_84 = arith.constant 0 : i32
        %cond3A_85 = arith.cmpi ne, %convert_element_type3A_83, %cond3A_84 : i32
        scf.if %cond3A_85 {
          %dma_wait3A_104 = arith.constant 0 : i32
          %dma_wait3A_105 = tpu.memref_slice %arg4[%add3A_53, %dma_wait3A_104] : memref<8192x4096xf32, #tpu.memory_space<hbm>> -> memref<4x2048xf32, #tpu.memory_space<hbm>>
          %dma_wait3A_106 = arith.constant 0 : i32
          %dma_wait3A_107 = tpu.memref_slice %arg4[%add3A_53, %dma_wait3A_106] : memref<8192x4096xf32, #tpu.memory_space<hbm>> -> memref<4x2048xf32, #tpu.memory_space<hbm>>
          tpu.wait_dma2 semaphore(%arg18 : memref<!tpu.dma_semaphore, #tpu.memory_space<semaphore_mem>>) src(%arg10 : memref<4x2048xf32, #tpu.memory_space<vmem>>) dst(%dma_wait3A_107 : memref<4x2048xf32, #tpu.memory_space<hbm>>)
        } else {
        }
        %parallel_loop3A = arith.constant 0 : i32
        %parallel_loop3A_86 = arith.constant 128 : i32
        %parallel_loop3A_87 = arith.constant 1 : i32
        scf.for %parallel_loop3A_104 = %parallel_loop3A to %parallel_loop3A_86 step %parallel_loop3A_87  : i32 {
          %parallel_loop3A_105 = arith.constant 16 : i32
          %parallel_loop3A_106 = arith.muli %parallel_loop3A_104, %parallel_loop3A_105 : i32
          %parallel_loop3A_107 = arith.constant 0 : i32
          %parallel_loop3A_108 = arith.addi %parallel_loop3A_107, %parallel_loop3A_106 : i32
          %parallel_loop3A_109 = arith.index_cast %parallel_loop3A_108 : i32 to index
          %parallel_loop3A_110 = tpu.vector_load %arg5[%parallel_loop3A_109] {strides = array<i32>} : memref<4096xi32, #tpu.memory_space<vmem>>, vector<16xi32>,
          %parallel_loop3A_111 = tpu.vector_load_idx %arg8[%broadcast_in_dim3A_20, %parallel_loop3A_110] : memref<4x4096xf32, #tpu.memory_space<vmem>>[vector<16xi32>, vector<16xi32>], vector<16xf32>,
          %parallel_loop3A_112 = arith.constant 0 : i32
          %parallel_loop3A_113 = arith.index_cast %parallel_loop3A_112 : i32 to index
          %parallel_loop3A_114 = arith.index_cast %parallel_loop3A_106 : i32 to index
          %parallel_loop3A_115 = tpu.vector_load %arg10[%parallel_loop3A_113, %parallel_loop3A_114] {strides = array<i32>} : memref<4x2048xf32, #tpu.memory_space<vmem>>, vector<16xf32>,
          tpu.vector_store %arg10[%parallel_loop3A_113, %parallel_loop3A_114], %parallel_loop3A_111 {strides = array<i32>} : memref<4x2048xf32, #tpu.memory_space<vmem>>, vector<16xf32>,
          %parallel_loop3A_116 = tpu.vector_load_idx %arg8[%broadcast_in_dim3A_22, %parallel_loop3A_110] : memref<4x4096xf32, #tpu.memory_space<vmem>>[vector<16xi32>, vector<16xi32>], vector<16xf32>,
          %parallel_loop3A_117 = arith.constant 1 : i32
          %parallel_loop3A_118 = arith.index_cast %parallel_loop3A_117 : i32 to index
          %parallel_loop3A_119 = arith.index_cast %parallel_loop3A_106 : i32 to index
          %parallel_loop3A_120 = tpu.vector_load %arg10[%parallel_loop3A_118, %parallel_loop3A_119] {strides = array<i32>} : memref<4x2048xf32, #tpu.memory_space<vmem>>, vector<16xf32>,
          tpu.vector_store %arg10[%parallel_loop3A_118, %parallel_loop3A_119], %parallel_loop3A_116 {strides = array<i32>} : memref<4x2048xf32, #tpu.memory_space<vmem>>, vector<16xf32>,
          %parallel_loop3A_121 = tpu.vector_load_idx %arg8[%broadcast_in_dim3A_24, %parallel_loop3A_110] : memref<4x4096xf32, #tpu.memory_space<vmem>>[vector<16xi32>, vector<16xi32>], vector<16xf32>,
          %parallel_loop3A_122 = arith.constant 2 : i32
          %parallel_loop3A_123 = arith.index_cast %parallel_loop3A_122 : i32 to index
          %parallel_loop3A_124 = arith.index_cast %parallel_loop3A_106 : i32 to index
          %parallel_loop3A_125 = tpu.vector_load %arg10[%parallel_loop3A_123, %parallel_loop3A_124] {strides = array<i32>} : memref<4x2048xf32, #tpu.memory_space<vmem>>, vector<16xf32>,
          tpu.vector_store %arg10[%parallel_loop3A_123, %parallel_loop3A_124], %parallel_loop3A_121 {strides = array<i32>} : memref<4x2048xf32, #tpu.memory_space<vmem>>, vector<16xf32>,
          %parallel_loop3A_126 = tpu.vector_load_idx %arg8[%broadcast_in_dim3A_26, %parallel_loop3A_110] : memref<4x4096xf32, #tpu.memory_space<vmem>>[vector<16xi32>, vector<16xi32>], vector<16xf32>,
          %parallel_loop3A_127 = arith.constant 3 : i32
          %parallel_loop3A_128 = arith.index_cast %parallel_loop3A_127 : i32 to index
          %parallel_loop3A_129 = arith.index_cast %parallel_loop3A_106 : i32 to index
          %parallel_loop3A_130 = tpu.vector_load %arg10[%parallel_loop3A_128, %parallel_loop3A_129] {strides = array<i32>} : memref<4x2048xf32, #tpu.memory_space<vmem>>, vector<16xf32>,
          tpu.vector_store %arg10[%parallel_loop3A_128, %parallel_loop3A_129], %parallel_loop3A_126 {strides = array<i32>} : memref<4x2048xf32, #tpu.memory_space<vmem>>, vector<16xf32>,
        } {sc.loop_unroll_factor = 4 : i64, sc.parallel_access}
        %dma_start3A_88 = arith.constant 0 : i32
        %dma_start3A_89 = tpu.memref_slice %arg4[%add3A_53, %dma_start3A_88] : memref<8192x4096xf32, #tpu.memory_space<hbm>> -> memref<4x2048xf32, #tpu.memory_space<hbm>>
        %dma_start3A_90 = arith.constant 0 : i32
        %dma_start3A_91 = tpu.memref_slice %arg4[%add3A_53, %dma_start3A_90] : memref<8192x4096xf32, #tpu.memory_space<hbm>> -> memref<4x2048xf32, #tpu.memory_space<hbm>>
        tpu.enqueue_dma source(%arg10 : memref<4x2048xf32, #tpu.memory_space<vmem>>) target(%dma_start3A_91 : memref<4x2048xf32, #tpu.memory_space<hbm>>) target_semaphore(%arg18 : memref<!tpu.dma_semaphore, #tpu.memory_space<semaphore_mem>>)
        %ge3A_92 = arith.constant 2 : i32
        %ge3A_93 = arith.cmpi sge, %add3A_50, %ge3A_92 : i32
        %convert_element_type3A_94 = arith.extui %ge3A_93 : i1 to i32
        %cond3A_95 = arith.constant 0 : i32
        %cond3A_96 = arith.cmpi ne, %convert_element_type3A_94, %cond3A_95 : i32
        scf.if %cond3A_96 {
          %dma_wait3A_104 = arith.constant 2048 : i32
          %dma_wait3A_105 = tpu.memref_slice %arg4[%add3A_53, %dma_wait3A_104] : memref<8192x4096xf32, #tpu.memory_space<hbm>> -> memref<4x2048xf32, #tpu.memory_space<hbm>>
          %dma_wait3A_106 = arith.constant 2048 : i32
          %dma_wait3A_107 = tpu.memref_slice %arg4[%add3A_53, %dma_wait3A_106] : memref<8192x4096xf32, #tpu.memory_space<hbm>> -> memref<4x2048xf32, #tpu.memory_space<hbm>>
          tpu.wait_dma2 semaphore(%arg19 : memref<!tpu.dma_semaphore, #tpu.memory_space<semaphore_mem>>) src(%arg11 : memref<4x2048xf32, #tpu.memory_space<vmem>>) dst(%dma_wait3A_107 : memref<4x2048xf32, #tpu.memory_space<hbm>>)
        } else {
        }
        %parallel_loop3A_97 = arith.constant 0 : i32
        %parallel_loop3A_98 = arith.constant 128 : i32
        %parallel_loop3A_99 = arith.constant 1 : i32
        scf.for %parallel_loop3A_104 = %parallel_loop3A_97 to %parallel_loop3A_98 step %parallel_loop3A_99  : i32 {
          %parallel_loop3A_105 = arith.constant 16 : i32
          %parallel_loop3A_106 = arith.muli %parallel_loop3A_104, %parallel_loop3A_105 : i32
          %parallel_loop3A_107 = arith.constant 2048 : i32
          %parallel_loop3A_108 = arith.addi %parallel_loop3A_107, %parallel_loop3A_106 : i32
          %parallel_loop3A_109 = arith.index_cast %parallel_loop3A_108 : i32 to index
          %parallel_loop3A_110 = tpu.vector_load %arg5[%parallel_loop3A_109] {strides = array<i32>} : memref<4096xi32, #tpu.memory_space<vmem>>, vector<16xi32>,
          %parallel_loop3A_111 = tpu.vector_load_idx %arg8[%broadcast_in_dim3A_20, %parallel_loop3A_110] : memref<4x4096xf32, #tpu.memory_space<vmem>>[vector<16xi32>, vector<16xi32>], vector<16xf32>,
          %parallel_loop3A_112 = arith.constant 0 : i32
          %parallel_loop3A_113 = arith.index_cast %parallel_loop3A_112 : i32 to index
          %parallel_loop3A_114 = arith.index_cast %parallel_loop3A_106 : i32 to index
          %parallel_loop3A_115 = tpu.vector_load %arg11[%parallel_loop3A_113, %parallel_loop3A_114] {strides = array<i32>} : memref<4x2048xf32, #tpu.memory_space<vmem>>, vector<16xf32>,
          tpu.vector_store %arg11[%parallel_loop3A_113, %parallel_loop3A_114], %parallel_loop3A_111 {strides = array<i32>} : memref<4x2048xf32, #tpu.memory_space<vmem>>, vector<16xf32>,
          %parallel_loop3A_116 = tpu.vector_load_idx %arg8[%broadcast_in_dim3A_22, %parallel_loop3A_110] : memref<4x4096xf32, #tpu.memory_space<vmem>>[vector<16xi32>, vector<16xi32>], vector<16xf32>,
          %parallel_loop3A_117 = arith.constant 1 : i32
          %parallel_loop3A_118 = arith.index_cast %parallel_loop3A_117 : i32 to index
          %parallel_loop3A_119 = arith.index_cast %parallel_loop3A_106 : i32 to index
          %parallel_loop3A_120 = tpu.vector_load %arg11[%parallel_loop3A_118, %parallel_loop3A_119] {strides = array<i32>} : memref<4x2048xf32, #tpu.memory_space<vmem>>, vector<16xf32>,
          tpu.vector_store %arg11[%parallel_loop3A_118, %parallel_loop3A_119], %parallel_loop3A_116 {strides = array<i32>} : memref<4x2048xf32, #tpu.memory_space<vmem>>, vector<16xf32>,
          %parallel_loop3A_121 = tpu.vector_load_idx %arg8[%broadcast_in_dim3A_24, %parallel_loop3A_110] : memref<4x4096xf32, #tpu.memory_space<vmem>>[vector<16xi32>, vector<16xi32>], vector<16xf32>,
          %parallel_loop3A_122 = arith.constant 2 : i32
          %parallel_loop3A_123 = arith.index_cast %parallel_loop3A_122 : i32 to index
          %parallel_loop3A_124 = arith.index_cast %parallel_loop3A_106 : i32 to index
          %parallel_loop3A_125 = tpu.vector_load %arg11[%parallel_loop3A_123, %parallel_loop3A_124] {strides = array<i32>} : memref<4x2048xf32, #tpu.memory_space<vmem>>, vector<16xf32>,
          tpu.vector_store %arg11[%parallel_loop3A_123, %parallel_loop3A_124], %parallel_loop3A_121 {strides = array<i32>} : memref<4x2048xf32, #tpu.memory_space<vmem>>, vector<16xf32>,
          %parallel_loop3A_126 = tpu.vector_load_idx %arg8[%broadcast_in_dim3A_26, %parallel_loop3A_110] : memref<4x4096xf32, #tpu.memory_space<vmem>>[vector<16xi32>, vector<16xi32>], vector<16xf32>,
          %parallel_loop3A_127 = arith.constant 3 : i32
          %parallel_loop3A_128 = arith.index_cast %parallel_loop3A_127 : i32 to index
          %parallel_loop3A_129 = arith.index_cast %parallel_loop3A_106 : i32 to index
          %parallel_loop3A_130 = tpu.vector_load %arg11[%parallel_loop3A_128, %parallel_loop3A_129] {strides = array<i32>} : memref<4x2048xf32, #tpu.memory_space<vmem>>, vector<16xf32>,
          tpu.vector_store %arg11[%parallel_loop3A_128, %parallel_loop3A_129], %parallel_loop3A_126 {strides = array<i32>} : memref<4x2048xf32, #tpu.memory_space<vmem>>, vector<16xf32>,
        } {sc.loop_unroll_factor = 4 : i64, sc.parallel_access}
        %dma_start3A_100 = arith.constant 2048 : i32
        %dma_start3A_101 = tpu.memref_slice %arg4[%add3A_53, %dma_start3A_100] : memref<8192x4096xf32, #tpu.memory_space<hbm>> -> memref<4x2048xf32, #tpu.memory_space<hbm>>
        %dma_start3A_102 = arith.constant 2048 : i32
        %dma_start3A_103 = tpu.memref_slice %arg4[%add3A_53, %dma_start3A_102] : memref<8192x4096xf32, #tpu.memory_space<hbm>> -> memref<4x2048xf32, #tpu.memory_space<hbm>>
        tpu.enqueue_dma source(%arg11 : memref<4x2048xf32, #tpu.memory_space<vmem>>) target(%dma_start3A_103 : memref<4x2048xf32, #tpu.memory_space<hbm>>) target_semaphore(%arg19 : memref<!tpu.dma_semaphore, #tpu.memory_space<semaphore_mem>>)
      } else {
      }
      %eq3A_67 = arith.constant 3 : i32
      %eq3A_68 = arith.cmpi eq, %rem3A_54, %eq3A_67 : i32
      %convert_element_type3A_69 = arith.extui %eq3A_68 : i1 to i32
      %cond3A_70 = arith.constant 0 : i32
      %cond3A_71 = arith.cmpi ne, %convert_element_type3A_69, %cond3A_70 : i32
      scf.if %cond3A_71 {
        %dma_wait3A_72 = arith.constant 0 : i32
        %dma_wait3A_73 = tpu.memref_slice %arg2[%add3A_53, %dma_wait3A_72] : memref<8192x4096xf32, #tpu.memory_space<hbm>> -> memref<4x4096xf32, #tpu.memory_space<hbm>>
        %dma_wait3A_74 = arith.constant 0 : i32
        %dma_wait3A_75 = tpu.memref_slice %arg2[%add3A_53, %dma_wait3A_74] : memref<8192x4096xf32, #tpu.memory_space<hbm>> -> memref<4x4096xf32, #tpu.memory_space<hbm>>
        tpu.wait_dma2 semaphore(%arg17 : memref<!tpu.dma_semaphore, #tpu.memory_space<semaphore_mem>>) src(%dma_wait3A_75 : memref<4x4096xf32, #tpu.memory_space<hbm>>) dst(%arg9 : memref<4x4096xf32, #tpu.memory_space<vmem>>)
        %add3A_76 = arith.constant 3 : i32
        %add3A_77 = arith.addi %add3A_50, %add3A_76 : i32
        %lt3A = arith.constant 64 : i32
        %lt3A_78 = arith.cmpi slt, %add3A_77, %lt3A : i32
        %convert_element_type3A_79 = arith.extui %lt3A_78 : i1 to i32
        %cond3A_80 = arith.constant 0 : i32
        %cond3A_81 = arith.cmpi ne, %convert_element_type3A_79, %cond3A_80 : i32
        scf.if %cond3A_81 {
          %add3A_104 = arith.constant 12 : i32
          %add3A_105 = arith.addi %add3A_53, %add3A_104 : i32
          %dma_start3A_106 = arith.constant 0 : i32
          %dma_start3A_107 = tpu.memref_slice %arg2[%add3A_105, %dma_start3A_106] : memref<8192x4096xf32, #tpu.memory_space<hbm>> -> memref<4x4096xf32, #tpu.memory_space<hbm>>
          %dma_start3A_108 = arith.constant 0 : i32
          %dma_start3A_109 = tpu.memref_slice %arg2[%add3A_105, %dma_start3A_108] : memref<8192x4096xf32, #tpu.memory_space<hbm>> -> memref<4x4096xf32, #tpu.memory_space<hbm>>
          tpu.enqueue_dma source(%dma_start3A_109 : memref<4x4096xf32, #tpu.memory_space<hbm>>) target(%arg8 : memref<4x4096xf32, #tpu.memory_space<vmem>>) target_semaphore(%arg16 : memref<!tpu.dma_semaphore, #tpu.memory_space<semaphore_mem>>)
        } else {
        }
        %ge3A = arith.constant 2 : i32
        %ge3A_82 = arith.cmpi sge, %add3A_50, %ge3A : i32
        %convert_element_type3A_83 = arith.extui %ge3A_82 : i1 to i32
        %cond3A_84 = arith.constant 0 : i32
        %cond3A_85 = arith.cmpi ne, %convert_element_type3A_83, %cond3A_84 : i32
        scf.if %cond3A_85 {
          %dma_wait3A_104 = arith.constant 0 : i32
          %dma_wait3A_105 = tpu.memref_slice %arg4[%add3A_53, %dma_wait3A_104] : memref<8192x4096xf32, #tpu.memory_space<hbm>> -> memref<4x2048xf32, #tpu.memory_space<hbm>>
          %dma_wait3A_106 = arith.constant 0 : i32
          %dma_wait3A_107 = tpu.memref_slice %arg4[%add3A_53, %dma_wait3A_106] : memref<8192x4096xf32, #tpu.memory_space<hbm>> -> memref<4x2048xf32, #tpu.memory_space<hbm>>
          tpu.wait_dma2 semaphore(%arg20 : memref<!tpu.dma_semaphore, #tpu.memory_space<semaphore_mem>>) src(%arg12 : memref<4x2048xf32, #tpu.memory_space<vmem>>) dst(%dma_wait3A_107 : memref<4x2048xf32, #tpu.memory_space<hbm>>)
        } else {
        }
        %parallel_loop3A = arith.constant 0 : i32
        %parallel_loop3A_86 = arith.constant 128 : i32
        %parallel_loop3A_87 = arith.constant 1 : i32
        scf.for %parallel_loop3A_104 = %parallel_loop3A to %parallel_loop3A_86 step %parallel_loop3A_87  : i32 {
          %parallel_loop3A_105 = arith.constant 16 : i32
          %parallel_loop3A_106 = arith.muli %parallel_loop3A_104, %parallel_loop3A_105 : i32
          %parallel_loop3A_107 = arith.constant 0 : i32
          %parallel_loop3A_108 = arith.addi %parallel_loop3A_107, %parallel_loop3A_106 : i32
          %parallel_loop3A_109 = arith.index_cast %parallel_loop3A_108 : i32 to index
          %parallel_loop3A_110 = tpu.vector_load %arg5[%parallel_loop3A_109] {strides = array<i32>} : memref<4096xi32, #tpu.memory_space<vmem>>, vector<16xi32>,
          %parallel_loop3A_111 = tpu.vector_load_idx %arg9[%broadcast_in_dim3A_20, %parallel_loop3A_110] : memref<4x4096xf32, #tpu.memory_space<vmem>>[vector<16xi32>, vector<16xi32>], vector<16xf32>,
          %parallel_loop3A_112 = arith.constant 0 : i32
          %parallel_loop3A_113 = arith.index_cast %parallel_loop3A_112 : i32 to index
          %parallel_loop3A_114 = arith.index_cast %parallel_loop3A_106 : i32 to index
          %parallel_loop3A_115 = tpu.vector_load %arg12[%parallel_loop3A_113, %parallel_loop3A_114] {strides = array<i32>} : memref<4x2048xf32, #tpu.memory_space<vmem>>, vector<16xf32>,
          tpu.vector_store %arg12[%parallel_loop3A_113, %parallel_loop3A_114], %parallel_loop3A_111 {strides = array<i32>} : memref<4x2048xf32, #tpu.memory_space<vmem>>, vector<16xf32>,
          %parallel_loop3A_116 = tpu.vector_load_idx %arg9[%broadcast_in_dim3A_22, %parallel_loop3A_110] : memref<4x4096xf32, #tpu.memory_space<vmem>>[vector<16xi32>, vector<16xi32>], vector<16xf32>,
          %parallel_loop3A_117 = arith.constant 1 : i32
          %parallel_loop3A_118 = arith.index_cast %parallel_loop3A_117 : i32 to index
          %parallel_loop3A_119 = arith.index_cast %parallel_loop3A_106 : i32 to index
          %parallel_loop3A_120 = tpu.vector_load %arg12[%parallel_loop3A_118, %parallel_loop3A_119] {strides = array<i32>} : memref<4x2048xf32, #tpu.memory_space<vmem>>, vector<16xf32>,
          tpu.vector_store %arg12[%parallel_loop3A_118, %parallel_loop3A_119], %parallel_loop3A_116 {strides = array<i32>} : memref<4x2048xf32, #tpu.memory_space<vmem>>, vector<16xf32>,
          %parallel_loop3A_121 = tpu.vector_load_idx %arg9[%broadcast_in_dim3A_24, %parallel_loop3A_110] : memref<4x4096xf32, #tpu.memory_space<vmem>>[vector<16xi32>, vector<16xi32>], vector<16xf32>,
          %parallel_loop3A_122 = arith.constant 2 : i32
          %parallel_loop3A_123 = arith.index_cast %parallel_loop3A_122 : i32 to index
          %parallel_loop3A_124 = arith.index_cast %parallel_loop3A_106 : i32 to index
          %parallel_loop3A_125 = tpu.vector_load %arg12[%parallel_loop3A_123, %parallel_loop3A_124] {strides = array<i32>} : memref<4x2048xf32, #tpu.memory_space<vmem>>, vector<16xf32>,
          tpu.vector_store %arg12[%parallel_loop3A_123, %parallel_loop3A_124], %parallel_loop3A_121 {strides = array<i32>} : memref<4x2048xf32, #tpu.memory_space<vmem>>, vector<16xf32>,
          %parallel_loop3A_126 = tpu.vector_load_idx %arg9[%broadcast_in_dim3A_26, %parallel_loop3A_110] : memref<4x4096xf32, #tpu.memory_space<vmem>>[vector<16xi32>, vector<16xi32>], vector<16xf32>,
          %parallel_loop3A_127 = arith.constant 3 : i32
          %parallel_loop3A_128 = arith.index_cast %parallel_loop3A_127 : i32 to index
          %parallel_loop3A_129 = arith.index_cast %parallel_loop3A_106 : i32 to index
          %parallel_loop3A_130 = tpu.vector_load %arg12[%parallel_loop3A_128, %parallel_loop3A_129] {strides = array<i32>} : memref<4x2048xf32, #tpu.memory_space<vmem>>, vector<16xf32>,
          tpu.vector_store %arg12[%parallel_loop3A_128, %parallel_loop3A_129], %parallel_loop3A_126 {strides = array<i32>} : memref<4x2048xf32, #tpu.memory_space<vmem>>, vector<16xf32>,
        } {sc.loop_unroll_factor = 4 : i64, sc.parallel_access}
        %dma_start3A_88 = arith.constant 0 : i32
        %dma_start3A_89 = tpu.memref_slice %arg4[%add3A_53, %dma_start3A_88] : memref<8192x4096xf32, #tpu.memory_space<hbm>> -> memref<4x2048xf32, #tpu.memory_space<hbm>>
        %dma_start3A_90 = arith.constant 0 : i32
        %dma_start3A_91 = tpu.memref_slice %arg4[%add3A_53, %dma_start3A_90] : memref<8192x4096xf32, #tpu.memory_space<hbm>> -> memref<4x2048xf32, #tpu.memory_space<hbm>>
        tpu.enqueue_dma source(%arg12 : memref<4x2048xf32, #tpu.memory_space<vmem>>) target(%dma_start3A_91 : memref<4x2048xf32, #tpu.memory_space<hbm>>) target_semaphore(%arg20 : memref<!tpu.dma_semaphore, #tpu.memory_space<semaphore_mem>>)
        %ge3A_92 = arith.constant 2 : i32
        %ge3A_93 = arith.cmpi sge, %add3A_50, %ge3A_92 : i32
        %convert_element_type3A_94 = arith.extui %ge3A_93 : i1 to i32
        %cond3A_95 = arith.constant 0 : i32
        %cond3A_96 = arith.cmpi ne, %convert_element_type3A_94, %cond3A_95 : i32
        scf.if %cond3A_96 {
          %dma_wait3A_104 = arith.constant 2048 : i32
          %dma_wait3A_105 = tpu.memref_slice %arg4[%add3A_53, %dma_wait3A_104] : memref<8192x4096xf32, #tpu.memory_space<hbm>> -> memref<4x2048xf32, #tpu.memory_space<hbm>>
          %dma_wait3A_106 = arith.constant 2048 : i32
          %dma_wait3A_107 = tpu.memref_slice %arg4[%add3A_53, %dma_wait3A_106] : memref<8192x4096xf32, #tpu.memory_space<hbm>> -> memref<4x2048xf32, #tpu.memory_space<hbm>>
          tpu.wait_dma2 semaphore(%arg21 : memref<!tpu.dma_semaphore, #tpu.memory_space<semaphore_mem>>) src(%arg13 : memref<4x2048xf32, #tpu.memory_space<vmem>>) dst(%dma_wait3A_107 : memref<4x2048xf32, #tpu.memory_space<hbm>>)
        } else {
        }
        %parallel_loop3A_97 = arith.constant 0 : i32
        %parallel_loop3A_98 = arith.constant 128 : i32
        %parallel_loop3A_99 = arith.constant 1 : i32
        scf.for %parallel_loop3A_104 = %parallel_loop3A_97 to %parallel_loop3A_98 step %parallel_loop3A_99  : i32 {
          %parallel_loop3A_105 = arith.constant 16 : i32
          %parallel_loop3A_106 = arith.muli %parallel_loop3A_104, %parallel_loop3A_105 : i32
          %parallel_loop3A_107 = arith.constant 2048 : i32
          %parallel_loop3A_108 = arith.addi %parallel_loop3A_107, %parallel_loop3A_106 : i32
          %parallel_loop3A_109 = arith.index_cast %parallel_loop3A_108 : i32 to index
          %parallel_loop3A_110 = tpu.vector_load %arg5[%parallel_loop3A_109] {strides = array<i32>} : memref<4096xi32, #tpu.memory_space<vmem>>, vector<16xi32>,
          %parallel_loop3A_111 = tpu.vector_load_idx %arg9[%broadcast_in_dim3A_20, %parallel_loop3A_110] : memref<4x4096xf32, #tpu.memory_space<vmem>>[vector<16xi32>, vector<16xi32>], vector<16xf32>,
          %parallel_loop3A_112 = arith.constant 0 : i32
          %parallel_loop3A_113 = arith.index_cast %parallel_loop3A_112 : i32 to index
          %parallel_loop3A_114 = arith.index_cast %parallel_loop3A_106 : i32 to index
          %parallel_loop3A_115 = tpu.vector_load %arg13[%parallel_loop3A_113, %parallel_loop3A_114] {strides = array<i32>} : memref<4x2048xf32, #tpu.memory_space<vmem>>, vector<16xf32>,
          tpu.vector_store %arg13[%parallel_loop3A_113, %parallel_loop3A_114], %parallel_loop3A_111 {strides = array<i32>} : memref<4x2048xf32, #tpu.memory_space<vmem>>, vector<16xf32>,
          %parallel_loop3A_116 = tpu.vector_load_idx %arg9[%broadcast_in_dim3A_22, %parallel_loop3A_110] : memref<4x4096xf32, #tpu.memory_space<vmem>>[vector<16xi32>, vector<16xi32>], vector<16xf32>,
          %parallel_loop3A_117 = arith.constant 1 : i32
          %parallel_loop3A_118 = arith.index_cast %parallel_loop3A_117 : i32 to index
          %parallel_loop3A_119 = arith.index_cast %parallel_loop3A_106 : i32 to index
          %parallel_loop3A_120 = tpu.vector_load %arg13[%parallel_loop3A_118, %parallel_loop3A_119] {strides = array<i32>} : memref<4x2048xf32, #tpu.memory_space<vmem>>, vector<16xf32>,
          tpu.vector_store %arg13[%parallel_loop3A_118, %parallel_loop3A_119], %parallel_loop3A_116 {strides = array<i32>} : memref<4x2048xf32, #tpu.memory_space<vmem>>, vector<16xf32>,
          %parallel_loop3A_121 = tpu.vector_load_idx %arg9[%broadcast_in_dim3A_24, %parallel_loop3A_110] : memref<4x4096xf32, #tpu.memory_space<vmem>>[vector<16xi32>, vector<16xi32>], vector<16xf32>,
          %parallel_loop3A_122 = arith.constant 2 : i32
          %parallel_loop3A_123 = arith.index_cast %parallel_loop3A_122 : i32 to index
          %parallel_loop3A_124 = arith.index_cast %parallel_loop3A_106 : i32 to index
          %parallel_loop3A_125 = tpu.vector_load %arg13[%parallel_loop3A_123, %parallel_loop3A_124] {strides = array<i32>} : memref<4x2048xf32, #tpu.memory_space<vmem>>, vector<16xf32>,
          tpu.vector_store %arg13[%parallel_loop3A_123, %parallel_loop3A_124], %parallel_loop3A_121 {strides = array<i32>} : memref<4x2048xf32, #tpu.memory_space<vmem>>, vector<16xf32>,
          %parallel_loop3A_126 = tpu.vector_load_idx %arg9[%broadcast_in_dim3A_26, %parallel_loop3A_110] : memref<4x4096xf32, #tpu.memory_space<vmem>>[vector<16xi32>, vector<16xi32>], vector<16xf32>,
          %parallel_loop3A_127 = arith.constant 3 : i32
          %parallel_loop3A_128 = arith.index_cast %parallel_loop3A_127 : i32 to index
          %parallel_loop3A_129 = arith.index_cast %parallel_loop3A_106 : i32 to index
          %parallel_loop3A_130 = tpu.vector_load %arg13[%parallel_loop3A_128, %parallel_loop3A_129] {strides = array<i32>} : memref<4x2048xf32, #tpu.memory_space<vmem>>, vector<16xf32>,
          tpu.vector_store %arg13[%parallel_loop3A_128, %parallel_loop3A_129], %parallel_loop3A_126 {strides = array<i32>} : memref<4x2048xf32, #tpu.memory_space<vmem>>, vector<16xf32>,
        } {sc.loop_unroll_factor = 4 : i64, sc.parallel_access}
        %dma_start3A_100 = arith.constant 2048 : i32
        %dma_start3A_101 = tpu.memref_slice %arg4[%add3A_53, %dma_start3A_100] : memref<8192x4096xf32, #tpu.memory_space<hbm>> -> memref<4x2048xf32, #tpu.memory_space<hbm>>
        %dma_start3A_102 = arith.constant 2048 : i32
        %dma_start3A_103 = tpu.memref_slice %arg4[%add3A_53, %dma_start3A_102] : memref<8192x4096xf32, #tpu.memory_space<hbm>> -> memref<4x2048xf32, #tpu.memory_space<hbm>>
        tpu.enqueue_dma source(%arg13 : memref<4x2048xf32, #tpu.memory_space<vmem>>) target(%dma_start3A_103 : memref<4x2048xf32, #tpu.memory_space<hbm>>) target_semaphore(%arg21 : memref<!tpu.dma_semaphore, #tpu.memory_space<semaphore_mem>>)
      } else {
      }
    }
    %scan3A_30 = arith.constant 64 : i32
    %dma_wait3A = arith.constant 0 : i32
    %dma_wait3A_31 = tpu.memref_slice %arg4[%mul3A_2, %dma_wait3A] : memref<8192x4096xf32, #tpu.memory_space<hbm>> -> memref<4x2048xf32, #tpu.memory_space<hbm>>
    %dma_wait3A_32 = arith.constant 0 : i32
    %dma_wait3A_33 = tpu.memref_slice %arg4[%mul3A_2, %dma_wait3A_32] : memref<8192x4096xf32, #tpu.memory_space<hbm>> -> memref<4x2048xf32, #tpu.memory_space<hbm>>
    tpu.wait_dma2 semaphore(%arg18 : memref<!tpu.dma_semaphore, #tpu.memory_space<semaphore_mem>>) src(%arg10 : memref<4x2048xf32, #tpu.memory_space<vmem>>) dst(%dma_wait3A_33 : memref<4x2048xf32, #tpu.memory_space<hbm>>)
    %dma_wait3A_34 = arith.constant 0 : i32
    %dma_wait3A_35 = tpu.memref_slice %arg4[%mul3A_2, %dma_wait3A_34] : memref<8192x4096xf32, #tpu.memory_space<hbm>> -> memref<4x2048xf32, #tpu.memory_space<hbm>>
    %dma_wait3A_36 = arith.constant 0 : i32
    %dma_wait3A_37 = tpu.memref_slice %arg4[%mul3A_2, %dma_wait3A_36] : memref<8192x4096xf32, #tpu.memory_space<hbm>> -> memref<4x2048xf32, #tpu.memory_space<hbm>>
    tpu.wait_dma2 semaphore(%arg19 : memref<!tpu.dma_semaphore, #tpu.memory_space<semaphore_mem>>) src(%arg11 : memref<4x2048xf32, #tpu.memory_space<vmem>>) dst(%dma_wait3A_37 : memref<4x2048xf32, #tpu.memory_space<hbm>>)
    %dma_wait3A_38 = arith.constant 0 : i32
    %dma_wait3A_39 = tpu.memref_slice %arg4[%mul3A_2, %dma_wait3A_38] : memref<8192x4096xf32, #tpu.memory_space<hbm>> -> memref<4x2048xf32, #tpu.memory_space<hbm>>
    %dma_wait3A_40 = arith.constant 0 : i32
    %dma_wait3A_41 = tpu.memref_slice %arg4[%mul3A_2, %dma_wait3A_40] : memref<8192x4096xf32, #tpu.memory_space<hbm>> -> memref<4x2048xf32, #tpu.memory_space<hbm>>
    tpu.wait_dma2 semaphore(%arg20 : memref<!tpu.dma_semaphore, #tpu.memory_space<semaphore_mem>>) src(%arg12 : memref<4x2048xf32, #tpu.memory_space<vmem>>) dst(%dma_wait3A_41 : memref<4x2048xf32, #tpu.memory_space<hbm>>)
    %dma_wait3A_42 = arith.constant 0 : i32
    %dma_wait3A_43 = tpu.memref_slice %arg4[%mul3A_2, %dma_wait3A_42] : memref<8192x4096xf32, #tpu.memory_space<hbm>> -> memref<4x2048xf32, #tpu.memory_space<hbm>>
    %dma_wait3A_44 = arith.constant 0 : i32
    %dma_wait3A_45 = tpu.memref_slice %arg4[%mul3A_2, %dma_wait3A_44] : memref<8192x4096xf32, #tpu.memory_space<hbm>> -> memref<4x2048xf32, #tpu.memory_space<hbm>>
    tpu.wait_dma2 semaphore(%arg21 : memref<!tpu.dma_semaphore, #tpu.memory_space<semaphore_mem>>) src(%arg13 : memref<4x2048xf32, #tpu.memory_space<vmem>>) dst(%dma_wait3A_45 : memref<4x2048xf32, #tpu.memory_space<hbm>>)
    return
  }
}

</mosaic_0001>

<sc_bundles>
// kernel: kernel.3.cloned.1.call-start
scs
__scs_entry_jumppad:
0x0: {  	(pc) =	sbr.rel $0x88, $3  }
0x1: {  	(tag) =	ssettag $0x0;
	lr =	simm.s32 $0x1  }
0x2: {  	[smem:$0x3F9F] =	sst lr;
	_ =	strace $0xD0000000  }
0x3: {  	_ = 	snop  }
0x4: {  	_ = 	snop  }
0x5: {  	_ = 	snop  }
0x6: {  	_ = 	snop  }
0x7: {  	_ = 	snop  }
__scs_overlays_trampoline_lowered:
0x8: {  	[smem:$0x3FAE] =	sst s0  }
0x9: {  	[smem:$0x3FAF] =	sst s1  }
0xa: {  	[smem:$0x3FB0] =	sst s2  }
0xb: {  	[smem:$0x3FB1] =	sst s3  }
0xc: {  	[smem:$0x3FB2] =	sst s4  }
0xd: {  	[smem:$0x3FB3] =	sst s5  }
0xe: {  	[smem:$0x3FB4] =	sst s6  }
0xf: {  	[smem:$0x3FB5] =	sst s7  }
0x10: {  	[smem:$0x3FB6] =	sst s8  }
0x11: {  	[smem:$0x3FB7] =	sst s9;
	s0 =	simm.s32 @!p0 $0x0  }
0x12: {  	s1 =	sld [smem:$0x3F9D];
	s0 =	simm.s32 @p0 $0x1  }
0x13: {  	[smem:$0x3FB8] =	sst s0;
	s0 =	simm.s32 @!p1 $0x0  }
0x14: {  	s2 =	sld [smem:$0x3F9C];
	s0 =	simm.s32 @p1 $0x1  }
0x15: {  	[smem:$0x3FB9] =	sst s0;
	s0 =	simm.s32 @!p2 $0x0  }
0x16: {  	s3 =	sld [smem:$0x3FDB];
	s0 =	simm.s32 @p2 $0x1  }
0x17: {  	s4 =	simm.s32 $0x1BF5;
	[smem:$0x3FBB] =	sst s0  }
0x18: {  	s0 =	sld [smem:$0x3F9E];
	_ =	swait.ge [sflag:s4], $0x0  }
0x19: {  	s7 =	sld [smem:$0x3F9F]  }
0x1a: {  	s8 =	sadd.s32 $0xFFFFE003, lr  }
0x1b: {  	s9 =	sadd.s32 $0xFFFFFEF7, lr;
	s5 =	simm.s32 $0xFFFFFFFF;
	p2 =	slt.u32 s8, $0xFFFFF086  }
0x1c: {  	p1 =	slt.u32 s9, $0xF7A;
	s5 =	simm.s32 @!p2 $0x0  }
0x1d: {  	s5 =	simm.s32 @p1 $0x1;
	p0 =	seq.s32 s7, s2  }
0x1e: {  	s7 =	smul.u32 @!p0 $0xF7A, s2;
	p2 =	seq.s32 @!p0 s5, $0x0  }
0x1f: {  	s9 =	smul.u32 $0xF7A, s1;
	s8 =	simm.s32 @!p0 $0x1BF5;
	p2 =	por !p2, p0  }
0x20: {  	[sflag:s8] =	ssyncset.s32 @!p0 $0xFFFFF086;
	s6 =	sadd.s32 @!p0 s3, s7;
	s7 =	simm.s32 @!p0 $0x108  }
0x21: {  	s3 =	sadd.s32 s3, s9;
	s6 =	sadd.s32 @!p0 $0x88, s6;
	s7 =	simm.s32 @p2 $0x1082  }
0x22: {  	[simem:s7], [sflag:s8] =	dma.local @!p0 [hbm:s6], $0xF7A  }
0x23: {  	s9 =	sor.u32 $0xD0000000, s2;
	s6 =	simm.s32 $0x108;
	_ =	swait.ge @!p0 [sflag:s8], $0x0  }
0x24: {  	s3 =	sadd.s32 $0x88, s3;
	s6 =	simm.s32 @!p1 $0x1082;
	[sflag:s4] =	ssyncset.s32 $0xFFFFF086  }
0x25: {  	[simem:s6], [sflag:s4] =	dma.local [hbm:s3], $0xF7A  }
0x26: {  	[smem:$0x3F9F] =	sst s1;
	(tag) =	ssettag s2;
	_ =	strace s9  }
0x27: {  	s1 =	sld [smem:$0x3FAF]  }
0x28: {  	s2 =	sld [smem:$0x3FB0]  }
0x29: {  	s4 =	sld [smem:$0x3FB2]  }
0x2a: {  	p0 =	seq.s32 s5, $0x0;
	s5 =	sld [smem:$0x3FB3]  }
0x2b: {  	s6 =	sld [smem:$0x3FB4]  }
0x2c: {  	s7 =	sld [smem:$0x3FB5]  }
0x2d: {  	s3 =	simm.s32 $0x108;
	s8 =	sld [smem:$0x3FB6]  }
0x2e: {  	s3 =	simm.s32 @!p0 $0x1082;
	s9 =	sld [smem:$0x3FB7]  }
0x2f: {  	lr =	sadd.s32 s0, s3;
	s0 =	sld [smem:$0x3FAE]  }
0x30: {  	s3 =	sld [smem:$0x3FB1]  }
0x31: {  	[smem:$0x3FBA] =	sst s10  }
0x32: {  	s10 =	sld [smem:$0x3FB8];
	_ =	sdelay $0x3  }
0x33: {  	p0 =	seq.s32 s10, $0x1;
	s10 =	sld [smem:$0x3FBA];
	_ =	sdelay $0x3  }
0x34: {  	[smem:$0x3FBA] =	sst s10  }
0x35: {  	s10 =	sld [smem:$0x3FB9];
	_ =	sdelay $0x3  }
0x36: {  	p1 =	seq.s32 s10, $0x1;
	s10 =	sld [smem:$0x3FBA];
	_ =	sdelay $0x3  }
0x37: {  	[smem:$0x3FBA] =	sst s10  }
0x38: {  	s10 =	sld [smem:$0x3FBB]  }
0x39: {  	_ = 	snop;
	(pc) =	sbr.ind lr, $3  }
0x3a: {  	_ = 	snop  }
0x3b: {  	_ = 	snop  }
0x3c: {  	p2 =	seq.s32 s10, $0x1;
	s10 =	sld [smem:$0x3FBA]  }
0x3d: {  	_ =	shalt  }
0x3e: {  	_ =	shalt  }
0x3f: {  	_ =	shalt  }
0x40: {  	_ =	shalt  }
0x41: {  	_ =	shalt  }
0x42: {  	_ =	shalt  }
0x43: {  	_ =	shalt  }
0x44: {  	_ =	shalt  }
0x45: {  	_ =	shalt  }
0x46: {  	_ =	shalt  }
0x47: {  	_ =	shalt  }
0x48: {  	_ =	shalt  }
0x49: {  	_ =	shalt  }
0x4a: {  	_ =	shalt  }
0x4b: {  	_ =	shalt  }
0x4c: {  	_ =	shalt  }
0x4d: {  	_ =	shalt  }
0x4e: {  	_ =	shalt  }
0x4f: {  	_ =	shalt  }
0x50: {  	_ =	shalt  }
0x51: {  	_ =	shalt  }
0x52: {  	_ =	shalt  }
0x53: {  	_ =	shalt  }
0x54: {  	_ =	shalt  }
0x55: {  	_ =	shalt  }
0x56: {  	_ =	shalt  }
0x57: {  	_ =	shalt  }
0x58: {  	_ =	shalt  }
0x59: {  	_ =	shalt  }
0x5a: {  	_ =	shalt  }
0x5b: {  	_ =	shalt  }
0x5c: {  	_ =	shalt  }
0x5d: {  	_ =	shalt  }
0x5e: {  	_ =	shalt  }
0x5f: {  	_ =	shalt  }
0x60: {  	_ =	shalt  }
0x61: {  	_ =	shalt  }
0x62: {  	_ =	shalt  }
0x63: {  	_ =	shalt  }
0x64: {  	_ =	shalt  }
0x65: {  	_ =	shalt  }
0x66: {  	_ =	shalt  }
0x67: {  	_ =	shalt  }
0x68: {  	_ =	shalt  }
0x69: {  	_ =	shalt  }
0x6a: {  	_ =	shalt  }
0x6b: {  	_ =	shalt  }
0x6c: {  	_ =	shalt  }
0x6d: {  	_ =	shalt  }
0x6e: {  	_ =	shalt  }
0x6f: {  	_ =	shalt  }
0x70: {  	_ =	shalt  }
0x71: {  	_ =	shalt  }
0x72: {  	_ =	shalt  }
0x73: {  	_ =	shalt  }
0x74: {  	_ =	shalt  }
0x75: {  	_ =	shalt  }
0x76: {  	_ =	shalt  }
0x77: {  	_ =	shalt  }
0x78: {  	_ =	shalt  }
0x79: {  	_ =	shalt  }
0x7a: {  	_ =	shalt  }
0x7b: {  	_ =	shalt  }
0x7c: {  	_ =	shalt  }
0x7d: {  	_ =	shalt  }
0x7e: {  	_ =	shalt  }
0x7f: {  	_ =	shalt  }
0x80: {  	_ =	shalt  }
0x81: {  	_ =	shalt  }
0x82: {  	_ =	shalt  }
0x83: {  	_ =	shalt  }
0x84: {  	_ =	shalt  }
0x85: {  	_ =	shalt  }
0x86: {  	_ =	shalt  }
0x87: {  	_ =	shalt  }
.Lfunc_end0:
.L_simem_size_0:
called_computation_lowered:
.L_overlay_start_0:
0x88: {  	s2 =	sld [smem:$0x3FD9]  }
0x89: {  	s3 =	sld [smem:$0x3FFE];
	_ =	sdelay $0x1  }
0x8a: {  	s1 =	srdreg.scid  }
0x8b: {  	s0 =	sand.u32 $0x1, s1  }
0x8c: {  	s18 =	sshll.u32 s0, $0xA;
	s2 =	sadd.s32 s3, s2  }
0x8d: {  	s2 =	sadd.s32 s2, s18  }
0x8e: {  	[smem:$0x3FC6] =	sst s2  }
0x8f: {  	_ = 	snop  }
0x90: {  	s2 =	sld [smem:$0x3FC9]  }
0x91: {  	s19 =	sld [smem:$0x3FC8]  }
0x92: {  	s4 =	sld [smem:$0x3FD0];
	(tm) =	ssettm $0x1  }
0x93: {  	s5 =	sld [smem:$0x3FFB];
	_ =	sdelay $0x3  }
0x94: {  	_ =	strace s5  }
0x95: {  	s5 =	sld [smem:$0x3FFC];
	_ =	sdelay $0x3  }
0x96: {  	_ =	strace s5  }
0x97: {  	s5 =	sld [smem:$0x3FFD];
	_ =	sdelay $0x3  }
0x98: {  	_ =	strace s5  }
0x99: {  	_ =	strace $0x8FFFFFFF  }
0x9a: {  	s20 =	sld [smem:$0x3FDB];
	_ =	sdelay $0x1  }
0x9b: {  	s6 =	simm.s32 $_scs_section_size  }
0x9c: {  	s7 =	simm.s32 $_size__tile_overlayer_lowered;
	s8 =	simm.s32 $_tile_overlayer_lowered  }
0x9d: {  	s23 =	simm.s32 $0x1BFF;
	s22 =	sshll.u32 s8, $0x1;
	s5 =	sadd.s32 s6, s20  }
0x9e: {  	s9 =	simm.s32 $0x0;
	s21 =	sshll.u32 s7, $0x1;
	s7 =	sadd.s32 s22, s5  }
0x9f: {  	[timem:s9], [sflag:s23] =	dma.local [hbm:s7], s21  }
0xa0: {  	_ =	swait.ge [sflag:s23], s21  }
0xa1: {  	s6 =	ssub.s32 $0x0, s21;
	[sflag:s23] =	ssyncset.done $0x0  }
0xa2: {  	[sflag:s23] =	ssyncadd.s32 s6;
	_ =	sdelay $0x1  }
0xa3: {  	s24 =	simm.s32 $0x1B8B  }
0xa4: {  	_ =	swait.ge [sflag:s24], $0x1  }
0xa5: {  	[sflag:s24] =	ssyncset.done $0x0  }
0xa6: {  	s25 =	simm.s32 $0x1B8E;
	[sflag:s24] =	ssyncadd.s32 $0xFFFFFFFF  }
0xa7: {  	s26 =	simm.s32 $execute0_lowered;
	[smem:$0x3FD2] =	sst s25  }
0xa8: {  	s6 =	sshll.u32 s26, $0x1;
	_ =	strace $0x80000046;
	[dreg:$0x1] =	wrdreg $0xFFFFFFFF  }
0xa9: {  	s28 =	simm.s32 $_size_execute0_lowered;
	s5 =	sadd.s32 s5, s6;
	[dreg:$0x0] =	wrdreg $0x0  }
0xaa: {  	s6 =	sshll.u32 s28, $0x1;
	[dreg:$0x2] =	wrdreg s5  }
0xab: {  	[dreg:$0x3] =	wrdreg s6  }
0xac: {  	[dreg:$0x4] =	wrdreg $0xC0  }
0xad: {  	_ =	task [dreg:s9], $0x5FFFF  }
0xae: {  	[dreg:$0x1] =	wrdreg $0xFFFFFFFF  }
0xaf: {  	[dreg:$0x0] =	wrdreg $0x60  }
0xb0: {  	[dreg:$0x2] =	wrdreg s2  }
0xb1: {  	[dreg:$0x3] =	wrdreg s19  }
0xb2: {  	[dreg:$0x4] =	wrdreg s4  }
0xb3: {  	[dreg:$0x5] =	wrdreg $0x9  }
0xb4: {  	_ =	task.clear_ibuf [dreg:s9], $0x6FFFF;
	_ =	strace $0x90000046  }
0xb5: {  	s29 =	simm.s32 $0x9;
	_ =	strace $0x80000048  }
0xb6: {  	_ =	swait.ge [sflag:s29], $0x1  }
0xb7: {  	[sflag:s29] =	ssyncadd.s32 $0xFFFFFFFF  }
0xb8: {  	_ =	strace $0x90000048  }
0xb9: {  	_ =	sfence  }
0xba: {  	s30 =	sld [smem:$0x0];
	_ =	sdelay $0x2  }
0xbb: {  	s31 =	sshll.u32 s1, $0xD;
	s1 =	sshrl.u32 s1, $0x2  }
0xbc: {  	s3 =	sand.u32 $0x4000, s31;
	s1 =	sadd.s32 s1, s30  }
0xbd: {  	s0 =	sor.u32 s3, s0;
	s1 =	sshll.u32 s1, $0x11  }
0xbe: {  	s0 =	sor.u32 s1, s0  }
0xbf: {  	s0 =	sadd.s32 $0x8F2B, s0  }
0xc0: {  	[sflag:s0] =	ssyncadd.remote.s32 $0x1  }
0xc1: {  	_ =	sfence.sel $0xFFFF  }
0xc2: {  	[dreg:$0x0] =	wrdreg $0xFFFFFFFF;
	(pc) =	sbr.abs _section_cstart, $3  }
0xc3: {  	[dreg:$0x1] =	wrdreg $0xFFFFFFFF  }
0xc4: {  	_ =	task.clear_ibuf [dreg:s9], $0x2FFFF;
	_ =	strace $0x9FFFFFFF  }
0xc5: {  	(tm) =	ssettm $0x7FFFFFFF  }
tec
execute0_lowered:
.L_overlay_start_1:
0x0: {  	(tag) =	ssettag $0x1  }
0x1: {  	s3 =	rddreg [dreg:$0x0]  }
0x2: {  	s0 =	srdreg.scid;
	s1 =	stileid.u32;
	s4 =	simm.s32 $0x0  }
0x3: {  	s12 =	simm.s32 $0x200;
	s13 =	simm.s32 $0x400;
	s0 =	sand.u32 $0x1, s0  }
0x4: {  	s14 =	simm.s32 $0x1000;
	s1 =	sshll.u32 s1, $0x9;
	s2 =	sshll.u32 s0, $0x8  }
0x5: {  	[smem:$0x7FF] =	sst s4;
	s0 =	ssub.s32 $0x2, s0;
	s1 =	sor.u32 s2, s1  }
0x6: {  	s29 =	sshrl.u32 s0, $0x1;
	[dreg:$0x4] =	wrdreg s1;
	s1 =	sshll.u32 s1, $0x9  }
.Ltmp0:
0x7: {  	s0 =	ssub.s32 s0, s29;
	s1 =	sadd.s32 s3, s1;
	(pc) =	sbr.rel .LBB2_1-.Ltmp0, $4  }
0x8: {  	_ =	strace $0x80000047;
	s0 =	smax.u32 s0, $0x1;
	[dreg:$0x5] =	wrdreg s1  }
0x9: {  	s15 =	simm.s32 $0x5000;
	s31 =	sadd.s32 $0x40, s1;
	[dreg:$0x8] =	wrdreg s0  }
0xa: {  	s16 =	simm.s32 $0x9000;
	s1 =	sadd.s32 $0x1000, s1;
	[dreg:$0x6] =	wrdreg s31  }
0xb: {  	s30 =	simm.s32 $0xD000;
	s2 =	simm.s32 $0x0;
	[dreg:$0x7] =	wrdreg s1  }
.LBB2_26:
0xc: {  	s0 =	simm.s32 $0x5  }
0xd: {  	_ =	swait.ge [sflag:s0], $0x2000  }
0xe: {  	[sflag:s0] =	ssyncset.done $0x0  }
0xf: {  	s28 =	simm.s32 $0x6;
	[sflag:s0] =	ssyncadd.s32 $0xFFFFE000  }
0x10: {  	_ =	swait.ge [sflag:s28], $0x2000  }
0x11: {  	[sflag:s28] =	ssyncset.done $0x0  }
0x12: {  	s29 =	simm.s32 $0x7;
	[sflag:s28] =	ssyncadd.s32 $0xFFFFE000  }
0x13: {  	_ =	swait.ge [sflag:s29], $0x2000  }
0x14: {  	[sflag:s29] =	ssyncset.done $0x0  }
0x15: {  	s1 =	simm.s32 $0x8;
	[sflag:s29] =	ssyncadd.s32 $0xFFFFE000  }
0x16: {  	_ =	swait.ge [sflag:s1], $0x2000  }
0x17: {  	s2 =	rddreg [dreg:$0x9]  }
0x18: {  	s31 =	rddreg [dreg:$0x8];
	s2 =	sadd.s32 $0x1, s2  }
0x19: {  	p0 =	sne.s32 s2, s31  }
.Ltmp1:
0x1a: {  	_ = 	snop;
	(pc) =	sbr.rel @!p0 .LBB2_27-.Ltmp1, $3  }
0x1b: {  	_ =	sdelay $0x1  }
0x1c: {  	[sflag:s1] =	ssyncset.done $0x0  }
0x1d: {  	[sflag:s1] =	ssyncadd.s32 $0xFFFFE000  }
.LBB2_1:
0x1e: {  	[dreg:$0x9] =	wrdreg s2  }
0x1f: {  	s0 =	rddreg [dreg:$0x1];
	s1 =	simm.s32 $0x0;
	s26 =	simm.s32 $0x9  }
0x20: {  	[tilespmem:s1], [sflag:$0x9] =	stream.linear.gather [hbm4b:s0+s1], $0x1000, $0x38;
	[tilespmem:$0x19000] =	vst v63  }
0x21: {  	_ =	swait.ge [sflag:s26], $0x1000  }
0x22: {  	[sflag:s26] =	ssyncset.done $0x0  }
0x23: {  	s28 =	rddreg [dreg:$0x5];
	[sflag:s26] =	ssyncadd.s32 $0xFFFFF000  }
0x24: {  	[tilespmem:s14], [sflag:$0x1] =	stream.strided.gather [hbm4b:s28+s12], $0x4000, s13, s12, $0x38;
	[tilespmem:$0x19000] =	vst v63  }
.Ltmp2:
0x25: {  	_ = 	snop;
	(pc) =	sbr.rel .LBB2_2-.Ltmp2, $4  }
0x26: {  	s29 =	rddreg [dreg:$0x6]  }
0x27: {  	[tilespmem:s15], [sflag:$0x2] =	stream.strided.gather [hbm4b:s29+s12], $0x4000, s13, s12, $0x38;
	[tilespmem:$0x19000] =	vst v63  }
0x28: {  	s2 =	simm.s32 $0x0;
	s31 =	rddreg [dreg:$0x7]  }
0x29: {  	[tilespmem:s16], [sflag:$0x3] =	stream.strided.gather [hbm4b:s31+s12], $0x4000, s13, s12, $0x38;
	[tilespmem:$0x19000] =	vst v63  }
.LBB2_24:
0x2a: {  	v18 =	vshll.u32 v16, $0x2  }
0x2b: {  	v53 =	vand.u32 $0x7F, v16;
	v18 =	vand.u32 $0xFFFFFE00, v18  }
0x2c: {  	v16 =	vor.u32 v53, v18;
	_ =	sdelay $0x4  }
0x2d: {  	v18 =	vld.idx.msk [tilespmem:v16+s30+$0x0], $0xffff  }
0x2e: {  	v19 =	vor.u32 $0x80, v16  }
0x2f: {  	[tilespmem:s18+$0x17000] =	vst v11  }
0x30: {  	v54 =	vld.idx.msk [tilespmem:v17+s30+$0x0], $0xffff;
	[tilespmem:s24+$0x10] =	vst v12  }
0x31: {  	v55 =	vor.u32 $0x100, v0;
	[tilespmem:s24+$0x20] =	vst v13;
	v9 =	vld.idx.msk [tilespmem:v9+s30+$0x0], $0xffff  }
0x32: {  	v10 =	vld.idx.msk [tilespmem:v10+s30+$0x0], $0xffff;
	[tilespmem:s23+$0x17000] =	vst v18  }
0x33: {  	[tilespmem:s5+$0x80] =	vst v14;
	v56 =	vld.idx.msk [tilespmem:v19+s30+$0x0], $0xffff  }
0x34: {  	[tilespmem:s7+$0x17000] =	vst v15;
	v3 =	vld.idx.msk [tilespmem:v3+s30+$0x0], $0xffff;
	v57 =	vor.u32 $0x100, v16  }
0x35: {  	p0 =	por !p0, !p0;
	s1 =	simm.s32 $0x1;
	v5 =	vld.idx.msk [tilespmem:v5+s30+$0x0], $0xffff;
	[tilespmem:s24+$0xB0] =	vst v54  }
0x36: {  	s1 =	simm.s32 @!p0 $0x0;
	v11 =	vld.idx.msk [tilespmem:v55+s30+$0x0], $0xffff;
	[tilespmem:s24+$0x90] =	vst v9  }
0x37: {  	v58 =	vor.u32 $0x180, v0;
	s1 =	sshll.u32 s1, $0x6;
	[tilespmem:s24+$0xA0] =	vst v10;
	v4 =	vld.idx.msk [tilespmem:v4+s30+$0x0], $0xffff  }
0x38: {  	s1 =	sadd.s32 s1, s8;
	v7 =	vld.idx.msk [tilespmem:v7+s30+$0x0], $0xffff;
	[tilespmem:s24+$0x80] =	vst v56  }
0x39: {  	s4 =	sadd.s32 $0x30, s1;
	[tilespmem:s10+$0x17000] =	vst v3;
	v59 =	vld.idx.msk [tilespmem:v57+s30+$0x0], $0xffff  }
0x3a: {  	v2 =	vld.idx.msk [tilespmem:v2+s30+$0x0], $0xffff;
	v60 =	vor.u32 $0x180, v16;
	s6 =	sadd.s32 $0x10, s1;
	s21 =	sor.u32 $0x100, s4;
	[tilespmem:s11+$0x17000] =	vst v5  }
0x3b: {  	s22 =	sadd.s32 $0x20, s1;
	v1 =	vld.idx.msk [tilespmem:v1+s30+$0x0], $0xffff;
	[tilespmem:s21+$0x17000] =	vst v11;
	s23 =	sor.u32 $0x100, s6  }
0x3c: {  	v0 =	vld.idx.msk [tilespmem:v58+s30+$0x0], $0xffff;
	[tilespmem:s23+$0x17000] =	vst v4;
	s24 =	sor.u32 $0x100, s22  }
0x3d: {  	s25 =	sor.u32 $0x100, s1;
	v61 =	vld.idx.msk [tilespmem:v6+s30+$0x0], $0xffff;
	[tilespmem:s24+$0x17000] =	vst v7  }
0x3e: {  	v62 =	vld.idx.msk [tilespmem:v8+s30+$0x0], $0xffff;
	[tilespmem:s25+$0x17000] =	vst v59  }
0x3f: {  	[tilespmem:s9+$0x17000] =	vst v2;
	v63 =	vld.idx.msk [tilespmem:v60+s30+$0x0], $0xffff  }
0x40: {  	s4 =	sor.u32 $0x180, s4;
	[tilespmem:s17+$0x17000] =	vst v1  }
0x41: {  	s0 =	sor.u32 s3, s0;
	s28 =	sor.u32 $0x180, s6;
	[tilespmem:s4+$0x17000] =	vst v0  }
0x42: {  	s0 =	sshrl.u32 s0, $0x3;
	s29 =	sor.u32 $0x180, s22;
	[tilespmem:s28+$0x17000] =	vst v61  }
0x43: {  	s0 =	sor.u32 $0x800, s0;
	s1 =	sor.u32 $0x180, s1;
	[tilespmem:s29+$0x17000] =	vst v62  }
0x44: {  	s31 =	simm.s32 $0x17000;
	s0 =	sadd.s32 s26, s0;
	[tilespmem:s1+$0x17000] =	vst v63  }
0x45: {  	[hbm4b:s0+s12] =	stream.strided.scatter [tilespmem:s31], [sflag:$0x8], $0x2000, s13, s12, $0x38;
	[tilespmem:$0x19000] =	vst v63  }
.LBB2_25:
0x46: {  	s2 =	sadd.s32 $0x1, s2  }
0x47: {  	p0 =	sne.s32 s2, $0x40  }
.Ltmp3:
0x48: {  	_ = 	snop;
	(pc) =	sbr.rel @!p0 .LBB2_26-.Ltmp3, $1  }
0x49: {  	_ =	sdelay $0x3  }
.LBB2_2:
0x4a: {  	s0 =	sshll.u32 s2, $0x2;
	s1 =	rddreg [dreg:$0x4]  }
0x4b: {  	s7 =	sadd.s32 s1, s0;
	s1 =	sand.u32 $0x3, s2  }
0x4c: {  	p0 =	sgt.s32 s1, $0x1  }
.Ltmp4:
0x4d: {  	_ = 	snop;
	(pc) =	sbr.rel @p0 .LBB2_19-.Ltmp4, $4  }
0x4e: {  	_ = 	snop  }
0x4f: {  	s3 =	sshll.u32 s2, $0x9;
	s0 =	sshll.u32 s7, $0xC  }
0x50: {  	s3 =	sand.u32 $0x200, s3;
	s5 =	sand.u32 $0x1FF8000, s0  }
0x51: {  	s5 =	sor.u32 s3, s5  }
0x52: {  	p0 =	seq.s32 s1, $0x0  }
.Ltmp5:
0x53: {  	_ = 	snop;
	(pc) =	sbr.rel @!p0 .LBB2_9-.Ltmp5, $1  }
0x54: {  	_ =	sdelay $0x3  }
0x55: {  	p0 =	sgt.u32 s2, $0x3C  }
0x56: {  	s6 =	simm.s32 $0x1;
	s1 =	sadd.s32 @!p0 $0xC, s7  }
0x57: {  	_ =	swait.ge [sflag:s6], $0x4000;
	s8 =	simm.s32 @!p0 $0x400;
	s9 =	simm.s32 @!p0 $0xD000  }
0x58: {  	p1 =	slt.u32 @!p0 s2, $0x2;
	s7 =	sshll.u32 @!p0 s1, $0x4;
	[sflag:s6] =	ssyncset.done $0x0  }
0x59: {  	s1 =	sshll.u32 @!p0 s1, $0x9;
	s7 =	sand.u32 @!p0 $0x40, s7;
	s4 =	rddreg [dreg:$0x0]  }
0x5a: {  	p1 =	por p0, !p1;
	s1 =	sand.u32 @!p0 $0xFFFF000, s1;
	s7 =	sadd.s32 @!p0 s4, s7  }
0x5b: {  	[sflag:s6] =	ssyncadd.s32 $0xFFFFC000;
	s1 =	sadd.s32 @!p0 s1, s7;
	s7 =	simm.s32 @!p0 $0x200  }
0x5c: {  	[tilespmem:s9], [sflag:$0x4] =	stream.strided.gather @!p0 [hbm4b:s1+s7], $0x4000, s8, s7, $0x38;
	[tilespmem:$0x19000] =	vst v63  }
0x5d: {  	s21 =	simm.s32 $0x0;
	s1 =	simm.s32 @p1 $0x5  }
0x5e: {  	s7 =	sand.u32 $0x40, s21;
	_ =	swait.ge @p1 [sflag:s1], $0x2000  }
0x5f: {  	s22 =	sand.u32 $0x780, s21;
	s23 =	sor.u32 $0x30, s7;
	[sflag:s1] =	ssyncset.done @p1 $0x0  }
0x60: {  	s10 =	sor.u32 s23, s22;
	[sflag:s1] =	ssyncadd.s32 @p1 $0xFFFFE000  }
0x61: {  	s24 =	sor.u32 $0x10, s7;
	v0 =	vld [tilespmem:s10+$0x0]  }
0x62: {  	s17 =	sor.u32 $0x20, s7;
	s11 =	sor.u32 s24, s22  }
0x63: {  	s8 =	sor.u32 s17, s22;
	v1 =	vld [tilespmem:s11+$0x0]  }
0x64: {  	v2 =	vld [tilespmem:s8+$0x0];
	_ =	sdelay $0x1  }
0x65: {  	v3 =	vshll.u32 v0, $0x2  }
0x66: {  	v0 =	vand.u32 $0x7F, v0;
	v3 =	vand.u32 $0xFFFFFE00, v3  }
0x67: {  	v0 =	vor.u32 v0, v3;
	v3 =	vshll.u32 v1, $0x2  }
0x68: {  	v4 =	vshll.u32 v2, $0x2;
	v1 =	vand.u32 $0x7F, v1;
	v3 =	vand.u32 $0xFFFFFE00, v3  }
0x69: {  	v2 =	vand.u32 $0x7F, v2;
	v1 =	vor.u32 v1, v3;
	v3 =	vand.u32 $0xFFFFFE00, v4  }
0x6a: {  	v2 =	vor.u32 v2, v3;
	_ =	sdelay $0x1  }
0x6b: {  	s25 =	simm.s32 $0x0;
	s18 =	simm.s32 $0x40;
	v3 =	vld.idx.msk [tilespmem:v0+s14+$0x0], $0xffff  }
0x6c: {  	v6 =	vld [tilespmem:s25+$0x0];
	s11 =	sand.u32 $0x40, s18;
	v4 =	vor.u32 $0x80, v0  }
0x6d: {  	s1 =	sand.u32 $0x1E00, s21;
	s18 =	sand.u32 $0x780, s18;
	s4 =	sor.u32 $0x30, s11;
	v5 =	vld.idx.msk [tilespmem:v1+s14+$0x0], $0xffff  }
0x6e: {  	s26 =	sadd.s32 $0x11000, s1;
	s20 =	sor.u32 s4, s18;
	v7 =	vld.idx.msk [tilespmem:v2+s14+$0x0], $0xffff  }
0x6f: {  	s1 =	sor.u32 s23, s26;
	v9 =	vld [tilespmem:s20+$0x0];
	v8 =	vor.u32 $0x80, v2  }
0x70: {  	s19 =	sor.u32 $0x10, s11;
	[tilespmem:s1+$0x0] =	vst v3  }
0x71: {  	s6 =	sor.u32 $0x20, s11;
	s10 =	sor.u32 s24, s26;
	s21 =	sor.u32 s19, s18;
	v11 =	vshll.u32 v6, $0x2;
	v3 =	vor.u32 $0x80, v1;
	v4 =	vld.idx.msk [tilespmem:v4+s14+$0x0], $0xffff  }
0x72: {  	s22 =	sor.u32 s17, s26;
	s18 =	sor.u32 s6, s18;
	v10 =	vld [tilespmem:s21+$0x0];
	v6 =	vand.u32 $0x7F, v6;
	v11 =	vand.u32 $0xFFFFFE00, v11;
	v12 =	vor.u32 $0x100, v0;
	[tilespmem:s10+$0x0] =	vst v5  }
0x73: {  	v13 =	vld [tilespmem:s18+$0x0];
	v5 =	vor.u32 v6, v11;
	[tilespmem:s22+$0x0] =	vst v7  }
0x74: {  	v11 =	vshll.u32 v9, $0x2;
	v8 =	vld.idx.msk [tilespmem:v8+s14+$0x0], $0xffff  }
0x75: {  	p0 =	por @!p0 $0x0, $0x0;
	v9 =	vand.u32 $0x7F, v9;
	v7 =	vor.u32 $0x100, v2;
	v11 =	vand.u32 $0xFFFFFE00, v11  }
0x76: {  	p0 =	por @p1 $0x1, $0x1;
	p1 =	por $0x0, $0x0;
	v9 =	vor.u32 v9, v11;
	v3 =	vld.idx.msk [tilespmem:v3+s14+$0x0], $0xffff;
	[tilespmem:s1+$0x80] =	vst v4;
	s1 =	simm.s32 $0x1  }
0x77: {  	v6 =	vor.u32 $0x100, v1;
	v12 =	vld.idx.msk [tilespmem:v12+s14+$0x0], $0xffff;
	s1 =	simm.s32 @!p1 $0x0  }
0x78: {  	v0 =	vor.u32 $0x180, v0;
	v4 =	vshll.u32 v10, $0x2;
	v14 =	vld.idx.msk [tilespmem:v5+s14+$0x0], $0xffff;
	s1 =	sshll.u32 s1, $0x6  }
0x79: {  	v11 =	vshll.u32 v13, $0x2;
	v10 =	vand.u32 $0x7F, v10;
	v4 =	vand.u32 $0xFFFFFE00, v4;
	s17 =	sadd.s32 $0x0, s1;
	[tilespmem:s22+$0x80] =	vst v8  }
0x7a: {  	v11 =	vand.u32 $0xFFFFFE00, v11;
	v4 =	vor.u32 v10, v4;
	v10 =	vand.u32 $0x7F, v13;
	s18 =	sadd.s32 $0x30, s17;
	v7 =	vld.idx.msk [tilespmem:v7+s14+$0x0], $0xffff  }
0x7b: {  	v8 =	vor.u32 $0x80, v5;
	[tilespmem:s10+$0x80] =	vst v3;
	v3 =	vor.u32 v10, v11;
	v10 =	vld.idx.msk [tilespmem:v9+s14+$0x0], $0xffff;
	s23 =	sor.u32 $0x100, s18  }
0x7c: {  	s25 =	simm.s32 $0x40;
	s22 =	sor.u32 s7, s26;
	v6 =	vld.idx.msk [tilespmem:v6+s14+$0x0], $0xffff;
	[tilespmem:s23+$0x11000] =	vst v12  }
0x7d: {  	s24 =	simm.s32 $0x100;
	s26 =	simm.s32 $0x80;
	[tilespmem:s22+$0x0] =	vst v14;
	v14 =	vld [tilespmem:s25+$0x0]  }
0x7e: {  	s1 =	sand.u32 $0x1E00, s24;
	s8 =	sand.u32 $0x40, s26;
	v11 =	vld.idx.msk [tilespmem:v0+s14+$0x0], $0xffff  }
0x7f: {  	s21 =	sadd.s32 $0x11000, s1;
	s9 =	sor.u32 $0x30, s8;
	s23 =	sand.u32 $0x780, s26;
	v0 =	vor.u32 $0x80, v9;
	v12 =	vld.idx.msk [tilespmem:v4+s14+$0x0], $0xffff  }
0x80: {  	v1 =	vor.u32 $0x180, v1;
	s1 =	sor.u32 s4, s21;
	s4 =	sor.u32 s9, s23;
	v8 =	vld.idx.msk [tilespmem:v8+s14+$0x0], $0xffff  }
0x81: {  	s24 =	sadd.s32 $0x10, s17;
	s10 =	sor.u32 $0x10, s8;
	v16 =	vld [tilespmem:s4+$0x0]  }
0x82: {  	s25 =	sor.u32 $0x100, s24;
	s26 =	sor.u32 s10, s23;
	v13 =	vld.idx.msk [tilespmem:v3+s14+$0x0], $0xffff;
	[tilespmem:s1+$0x0] =	vst v10;
	v10 =	vor.u32 $0x80, v4  }
0x83: {  	v15 =	vor.u32 $0x80, v3;
	[tilespmem:s25+$0x11000] =	vst v6;
	v6 =	vld [tilespmem:s26+$0x0]  }
0x84: {  	v17 =	vor.u32 $0x100, v5;
	s7 =	sor.u32 $0x20, s8;
	v0 =	vld.idx.msk [tilespmem:v0+s14+$0x0], $0xffff  }
0x85: {  	v19 =	vor.u32 $0x100, v9;
	s19 =	sor.u32 s19, s21;
	s23 =	sor.u32 s7, s23;
	v18 =	vld.idx.msk [tilespmem:v1+s14+$0x0], $0xffff;
	v1 =	vshll.u32 v14, $0x2  }
0x86: {  	v2 =	vor.u32 $0x180, v2;
	s20 =	sor.u32 s6, s21;
	v20 =	vld [tilespmem:s23+$0x0];
	v14 =	vand.u32 $0x7F, v14;
	v1 =	vand.u32 $0xFFFFFE00, v1;
	[tilespmem:s19+$0x0] =	vst v12  }
0x87: {  	v12 =	vor.u32 v14, v1;
	v1 =	vld.idx.msk [tilespmem:v10+s14+$0x0], $0xffff;
	[tilespmem:s20+$0x0] =	vst v13  }
0x88: {  	s6 =	sadd.s32 $0x20, s17;
	v14 =	vor.u32 $0x100, v3;
	[tilespmem:s22+$0x80] =	vst v8;
	v8 =	vshll.u32 v16, $0x2;
	v10 =	vor.u32 $0x100, v4;
	v15 =	vld.idx.msk [tilespmem:v15+s14+$0x0], $0xffff  }
0x89: {  	p1 =	por !p1, !p1;
	s25 =	sor.u32 $0x100, s6;
	v21 =	vld.idx.msk [tilespmem:v17+s14+$0x0], $0xffff;
	v13 =	vand.u32 $0x7F, v16;
	v8 =	vand.u32 $0xFFFFFE00, v8;
	[tilespmem:s1+$0x80] =	vst v0;
	v0 =	vshll.u32 v6, $0x2;
	s1 =	simm.s32 $0x1  }
0x8a: {  	s18 =	sor.u32 $0x180, s18;
	[tilespmem:s25+$0x11000] =	vst v7;
	v7 =	vld.idx.msk [tilespmem:v19+s14+$0x0], $0xffff;
	v16 =	vand.u32 $0xFFFFFE00, v0;
	v0 =	vor.u32 v13, v8;
	s1 =	simm.s32 @!p1 $0x0  }
0x8b: {  	[tilespmem:s18+$0x11000] =	vst v11;
	v8 =	vshll.u32 v20, $0x2;
	v19 =	vld.idx.msk [tilespmem:v2+s14+$0x0], $0xffff;
	v2 =	vand.u32 $0x7F, v6;
	v6 =	vor.u32 $0x180, v9;
	s1 =	sshll.u32 s1, $0x6  }
0x8c: {  	s31 =	sor.u32 s11, s21;
	s26 =	sor.u32 $0x180, s24;
	v22 =	vld.idx.msk [tilespmem:v12+s14+$0x0], $0xffff;
	v8 =	vand.u32 $0xFFFFFE00, v8;
	v23 =	vor.u32 v2, v16;
	v2 =	vand.u32 $0x7F, v20;
	[tilespmem:s19+$0x80] =	vst v1;
	s1 =	sadd.s32 $0x100, s1  }
0x8d: {  	s25 =	sor.u32 $0x180, s17;
	s22 =	sor.u32 $0x100, s17;
	v20 =	vor.u32 v2, v8;
	v13 =	vld.idx.msk [tilespmem:v10+s14+$0x0], $0xffff;
	[tilespmem:s20+$0x80] =	vst v15;
	s28 =	sadd.s32 $0x30, s1  }
0x8e: {  	v3 =	vor.u32 $0x180, v3;
	s17 =	simm.s32 $0xC0;
	[tilespmem:s26+$0x11000] =	vst v18;
	s19 =	sor.u32 $0x180, s6;
	v14 =	vld.idx.msk [tilespmem:v14+s14+$0x0], $0xffff;
	s6 =	sor.u32 $0x100, s28  }
0x8f: {  	v4 =	vor.u32 $0x180, v4;
	v9 =	vor.u32 $0x80, v12;
	v1 =	vor.u32 $0x180, v5;
	s20 =	simm.s32 $0x8;
	s4 =	sadd.s32 $0x10, s1;
	s23 =	sadd.s32 $0x20, s1;
	v17 =	vld.idx.msk [tilespmem:v0+s14+$0x0], $0xffff;
	[tilespmem:s6+$0x11000] =	vst v7  }
0x90: {  	v5 =	vor.u32 $0x100, v12;
	[tilespmem:s22+$0x11000] =	vst v21;
	v2 =	vor.u32 $0x180, v12;
	v10 =	vor.u32 $0x80, v23;
	s26 =	sor.u32 $0x100, s1;
	s29 =	sor.u32 $0x100, s4;
	s18 =	sor.u32 $0x100, s23;
	v16 =	vld.idx.msk [tilespmem:v6+s14+$0x0], $0xffff  }
0x91: {  	v11 =	vor.u32 $0x180, v23;
	v12 =	vor.u32 $0x80, v20;
	s24 =	sor.u32 $0x180, s4;
	s11 =	sor.u32 $0x180, s23;
	[tilespmem:s19+$0x11000] =	vst v19;
	s19 =	simm.s32 $0x200;
	v19 =	vor.u32 $0x80, v0;
	v15 =	vld.idx.msk [tilespmem:v23+s14+$0x0], $0xffff  }
0x92: {  	v8 =	vor.u32 $0x180, v20;
	s23 =	sor.u32 $0x180, s1;
	s1 =	simm.s32 $0x80;
	v7 =	vor.u32 $0x100, v20;
	[tilespmem:s31+$0x0] =	vst v22;
	v6 =	vor.u32 $0x100, v23;
	s22 =	sand.u32 $0x1E00, s19;
	v18 =	vld.idx.msk [tilespmem:v20+s14+$0x0], $0xffff  }
.LBB2_5:
0x93: {  	s4 =	sand.u32 $0x780, s17;
	v20 =	vld [tilespmem:s1+$0x0];
	s1 =	sadd.s32 $0x11000, s22;
	[tilespmem:s29+$0x11000] =	vst v13;
	s21 =	smov.u32 s25  }
0x94: {  	s22 =	sand.u32 $0x40, s17;
	s20 =	sadd.s32 $0x4, s20;
	s29 =	sor.u32 s9, s1;
	v13 =	vld.idx.msk [tilespmem:v9+s14+$0x0], $0xffff;
	[tilespmem:s18+$0x11000] =	vst v14  }
0x95: {  	s9 =	sor.u32 $0x30, s22;
	p2 =	slt.u32 s20, $0x7C;
	s18 =	sor.u32 $0x180, s28;
	[tilespmem:s29+$0x0] =	vst v17;
	v14 =	vld.idx.msk [tilespmem:v4+s14+$0x0], $0xffff;
	v4 =	vmov v11  }
0x96: {  	s25 =	sor.u32 $0x10, s22;
	s28 =	sor.u32 $0x20, s22;
	s6 =	sor.u32 s9, s4;
	v11 =	vld.idx.msk [tilespmem:v19+s14+$0x0], $0xffff;
	[tilespmem:s18+$0x11000] =	vst v16  }
0x97: {  	s18 =	sor.u32 s25, s4;
	s4 =	sor.u32 s28, s4;
	v16 =	vld [tilespmem:s6+$0x0];
	s6 =	sor.u32 s8, s1  }
0x98: {  	s8 =	smov.u32 s22;
	v17 =	vld [tilespmem:s18+$0x0];
	v9 =	vand.u32 $0x7F, v20;
	v19 =	vshll.u32 v20, $0x2;
	s18 =	sor.u32 s10, s1;
	s1 =	sor.u32 s7, s1;
	v20 =	vor.u32 $0x100, v0  }
0x99: {  	s10 =	smov.u32 s25;
	s7 =	smov.u32 s28;
	s25 =	smov.u32 s23;
	v21 =	vld [tilespmem:s4+$0x0];
	v19 =	vand.u32 $0xFFFFFE00, v19;
	[tilespmem:s18+$0x0] =	vst v15  }
0x9a: {  	v15 =	vor.u32 v9, v19;
	v10 =	vld.idx.msk [tilespmem:v10+s14+$0x0], $0xffff;
	[tilespmem:s1+$0x0] =	vst v18  }
0x9b: {  	v9 =	vor.u32 $0x80, v15;
	v18 =	vor.u32 $0x100, v15;
	v19 =	vor.u32 $0x180, v15;
	v12 =	vld.idx.msk [tilespmem:v12+s14+$0x0], $0xffff;
	[tilespmem:s31+$0x80] =	vst v13;
	s31 =	smov.u32 s6  }
0x9c: {  	p1 =	por !p1, !p1;
	s4 =	simm.s32 $0x1;
	v13 =	vshll.u32 v16, $0x2;
	[tilespmem:s29+$0x80] =	vst v11;
	v22 =	vld.idx.msk [tilespmem:v5+s14+$0x0], $0xffff;
	v5 =	vmov v18  }
0x9d: {  	s4 =	simm.s32 @!p1 $0x0;
	v16 =	vand.u32 $0x7F, v16;
	v11 =	vshll.u32 v17, $0x2;
	v13 =	vand.u32 $0xFFFFFE00, v13;
	v18 =	vld.idx.msk [tilespmem:v20+s14+$0x0], $0xffff;
	[tilespmem:s24+$0x11000] =	vst v14  }
0x9e: {  	s4 =	sshll.u32 s4, $0x6;
	v11 =	vand.u32 $0xFFFFFE00, v11;
	v14 =	vshll.u32 v21, $0x2;
	v16 =	vor.u32 v16, v13;
	v20 =	vld.idx.msk [tilespmem:v3+s14+$0x0], $0xffff;
	v3 =	vmovc v8  }
0x9f: {  	s4 =	sadd.s32 s4, s19;
	v8 =	vand.u32 $0x7F, v17;
	v13 =	vand.u32 $0xFFFFFE00, v14;
	v23 =	vld.idx.msk [tilespmem:v15+s14+$0x0], $0xffff;
	v15 =	vor.u32 $0x180, v0;
	v0 =	vmovc v16  }
0xa0: {  	s6 =	sadd.s32 $0x10, s4;
	v24 =	vor.u32 v8, v11;
	v8 =	vand.u32 $0x7F, v21;
	[tilespmem:s18+$0x80] =	vst v10;
	v21 =	vld.idx.msk [tilespmem:v1+s14+$0x0], $0xffff;
	v1 =	vmovc v2;
	v2 =	vmov v19  }
0xa1: {  	s28 =	sadd.s32 $0x30, s4;
	s29 =	sor.u32 $0x100, s6;
	v10 =	vor.u32 $0x80, v24;
	v25 =	vor.u32 v8, v13;
	v13 =	vld.idx.msk [tilespmem:v6+s14+$0x0], $0xffff;
	v6 =	vor.u32 $0x100, v24;
	[tilespmem:s1+$0x80] =	vst v12;
	s1 =	sadd.s32 $0x20, s4  }
.Ltmp6:
0xa2: {  	s22 =	sor.u32 $0x100, s28;
	v11 =	vor.u32 $0x180, v24;
	v12 =	vor.u32 $0x80, v25;
	v14 =	vld.idx.msk [tilespmem:v7+s14+$0x0], $0xffff;
	v7 =	vor.u32 $0x100, v25;
	s18 =	sor.u32 $0x100, s1;
	[tilespmem:s26+$0x11000] =	vst v22;
	(pc) =	sbr.rel @p2 .LBB2_5-.Ltmp6, $4  }
0xa3: {  	s24 =	sor.u32 $0x180, s6;
	v8 =	vor.u32 $0x180, v25;
	s26 =	sor.u32 $0x100, s4;
	s1 =	sor.u32 $0x180, s1;
	v17 =	vld.idx.msk [tilespmem:v16+s14+$0x0], $0xffff;
	[tilespmem:s22+$0x11000] =	vst v18  }
0xa4: {  	s23 =	sor.u32 $0x180, s4;
	v16 =	vld.idx.msk [tilespmem:v15+s14+$0x0], $0xffff;
	[tilespmem:s11+$0x11000] =	vst v20;
	s11 =	smov.u32 s1  }
0xa5: {  	s19 =	sadd.s32 $0x100, s19;
	v19 =	vor.u32 $0x80, v0;
	v15 =	vld.idx.msk [tilespmem:v24+s14+$0x0], $0xffff;
	[tilespmem:s31+$0x0] =	vst v23  }
0xa6: {  	s17 =	sadd.s32 $0x40, s17;
	s22 =	sand.u32 $0x1E00, s19;
	s1 =	sshra.s32 s19, $0x2;
	v18 =	vld.idx.msk [tilespmem:v25+s14+$0x0], $0xffff;
	[tilespmem:s21+$0x11000] =	vst v21  }
0xa7: {  	v20 =	vld [tilespmem:s1+$0x0];
	_ =	sdelay $0x4  }
0xa8: {  	v21 =	vshll.u32 v20, $0x2  }
0xa9: {  	v20 =	vand.u32 $0x7F, v20;
	v21 =	vand.u32 $0xFFFFFE00, v21  }
0xaa: {  	v20 =	vor.u32 v20, v21;
	_ =	sdelay $0x3  }
0xab: {  	s17 =	sadd.s32 $0x11000, s22;
	[tilespmem:s29+$0x11000] =	vst v13;
	v9 =	vld.idx.msk [tilespmem:v9+s14+$0x0], $0xffff  }
0xac: {  	[tilespmem:s18+$0x11000] =	vst v14;
	s4 =	sor.u32 s9, s17;
	v13 =	vld.idx.msk [tilespmem:v20+s14+$0x0], $0xffff  }
0xad: {  	s7 =	sor.u32 s7, s17;
	v4 =	vld.idx.msk [tilespmem:v4+s14+$0x0], $0xffff;
	[tilespmem:s4+$0x0] =	vst v17;
	v14 =	vor.u32 $0x80, v20  }
0xae: {  	s6 =	sor.u32 s10, s17;
	v17 =	vld.idx.msk [tilespmem:v19+s14+$0x0], $0xffff;
	[tilespmem:s7+$0x0] =	vst v18  }
0xaf: {  	[tilespmem:s6+$0x0] =	vst v15;
	v12 =	vld.idx.msk [tilespmem:v12+s14+$0x0], $0xffff  }
0xb0: {  	s1 =	sor.u32 s8, s17;
	v10 =	vld.idx.msk [tilespmem:v10+s14+$0x0], $0xffff;
	[tilespmem:s31+$0x80] =	vst v9  }
0xb1: {  	[tilespmem:s1+$0x0] =	vst v13  }
0xb2: {  	v15 =	vor.u32 $0x100, v0;
	[tilespmem:s24+$0x11000] =	vst v4;
	v9 =	vld.idx.msk [tilespmem:v14+s14+$0x0], $0xffff  }
0xb3: {  	v5 =	vld.idx.msk [tilespmem:v5+s14+$0x0], $0xffff;
	[tilespmem:s4+$0x80] =	vst v17;
	v13 =	vor.u32 $0x100, v20  }
0xb4: {  	p1 =	por !p1, !p1;
	v3 =	vld.idx.msk [tilespmem:v3+s14+$0x0], $0xffff;
	s4 =	simm.s32 $0x1;
	[tilespmem:s7+$0x80] =	vst v12  }
0xb5: {  	s20 =	sor.u32 $0x180, s28;
	s4 =	simm.s32 @!p1 $0x0;
	[tilespmem:s6+$0x80] =	vst v10;
	v4 =	vld.idx.msk [tilespmem:v7+s14+$0x0], $0xffff  }
0xb6: {  	[tilespmem:s20+$0x11000] =	vst v16;
	s4 =	sshll.u32 s4, $0x6;
	v6 =	vld.idx.msk [tilespmem:v6+s14+$0x0], $0xffff  }
0xb7: {  	s4 =	sadd.s32 s4, s19;
	v14 =	vld.idx.msk [tilespmem:v15+s14+$0x0], $0xffff;
	[tilespmem:s1+$0x80] =	vst v9  }
0xb8: {  	v0 =	vor.u32 $0x180, v0;
	[tilespmem:s26+$0x11000] =	vst v5;
	s26 =	sadd.s32 $0x20, s4;
	v5 =	vld.idx.msk [tilespmem:v13+s14+$0x0], $0xffff  }
0xb9: {  	v1 =	vld.idx.msk [tilespmem:v1+s14+$0x0], $0xffff;
	[tilespmem:s11+$0x11000] =	vst v3;
	v7 =	vor.u32 $0x180, v20;
	s22 =	sadd.s32 $0x10, s4;
	s29 =	sor.u32 $0x100, s26  }
0xba: {  	s21 =	sadd.s32 $0x30, s4;
	v2 =	vld.idx.msk [tilespmem:v2+s14+$0x0], $0xffff;
	s28 =	sor.u32 $0x100, s22;
	[tilespmem:s29+$0x11000] =	vst v4  }
0xbb: {  	s24 =	sor.u32 $0x100, s21;
	[tilespmem:s28+$0x11000] =	vst v6;
	v3 =	vld.idx.msk [tilespmem:v8+s14+$0x0], $0xffff  }
0xbc: {  	s31 =	sor.u32 $0x100, s4;
	v4 =	vld.idx.msk [tilespmem:v11+s14+$0x0], $0xffff;
	[tilespmem:s24+$0x11000] =	vst v14  }
0xbd: {  	v0 =	vld.idx.msk [tilespmem:v0+s14+$0x0], $0xffff;
	[tilespmem:s31+$0x11000] =	vst v5  }
0xbe: {  	[tilespmem:s25+$0x11000] =	vst v1;
	v1 =	vld.idx.msk [tilespmem:v7+s14+$0x0], $0xffff  }
0xbf: {  	s8 =	sor.u32 $0x180, s26;
	[tilespmem:s23+$0x11000] =	vst v2  }
0xc0: {  	[tilespmem:s8+$0x11000] =	vst v3;
	s1 =	sor.u32 $0x180, s22  }
0xc1: {  	s6 =	sor.u32 $0x180, s21;
	[tilespmem:s1+$0x11000] =	vst v4  }
0xc2: {  	s10 =	sshrl.u32 s5, $0x3;
	s9 =	sor.u32 $0x180, s4;
	s26 =	rddreg [dreg:$0x2];
	[tilespmem:s6+$0x11000] =	vst v0  }
0xc3: {  	s17 =	simm.s32 $0x11000;
	s11 =	sadd.s32 s26, s10;
	s1 =	simm.s32 @p0 $0x6;
	[tilespmem:s9+$0x11000] =	vst v1  }
0xc4: {  	[hbm4b:s11+s12] =	stream.strided.scatter [tilespmem:s17], [sflag:$0x5], $0x2000, s13, s12, $0x38;
	[tilespmem:$0x19000] =	vst v63  }
0xc5: {  	_ =	swait.ge @p0 [sflag:s1], $0x2000  }
0xc6: {  	[sflag:s1] =	ssyncset.done @p0 $0x0  }
0xc7: {  	s18 =	simm.s32 $0x0;
	[sflag:s1] =	ssyncadd.s32 @p0 $0xFFFFE000  }
0xc8: {  	v0 =	vld [tilespmem:s18+$0x830]  }
0xc9: {  	v2 =	vld [tilespmem:s18+$0x820];
	_ =	sdelay $0x1  }
0xca: {  	v1 =	vld [tilespmem:s18+$0x810];
	_ =	sdelay $0x1  }
0xcb: {  	v3 =	vshll.u32 v0, $0x2  }
0xcc: {  	v0 =	vand.u32 $0x7F, v0;
	v4 =	vshll.u32 v2, $0x2;
	v3 =	vand.u32 $0xFFFFFE00, v3  }
0xcd: {  	v2 =	vand.u32 $0x7F, v2;
	v4 =	vand.u32 $0xFFFFFE00, v4;
	v0 =	vor.u32 v0, v3  }
0xce: {  	v3 =	vshll.u32 v1, $0x2;
	v2 =	vor.u32 v2, v4  }
0xcf: {  	s19 =	simm.s32 $0x0;
	v1 =	vand.u32 $0x7F, v1;
	v3 =	vand.u32 $0xFFFFFE00, v3  }
0xd0: {  	s20 =	sand.u32 $0x7C0, s19;
	v1 =	vor.u32 v1, v3  }
0xd1: {  	v5 =	vld [tilespmem:s20+$0x800]  }
0xd2: {  	v3 =	vld.idx.msk [tilespmem:v0+s14+$0x0], $0xffff  }
0xd3: {  	v4 =	vor.u32 $0x80, v0;
	v8 =	vld.idx.msk [tilespmem:v2+s14+$0x0], $0xffff  }
0xd4: {  	s21 =	sand.u32 $0x40, s19;
	s1 =	sand.u32 $0x1E00, s19;
	v9 =	vor.u32 $0x80, v2  }
0xd5: {  	s23 =	simm.s32 $0x40;
	s1 =	sor.u32 s21, s1;
	v6 =	vld.idx.msk [tilespmem:v1+s14+$0x0], $0xffff  }
0xd6: {  	v10 =	vld [tilespmem:s23+$0x810];
	s22 =	sadd.s32 $0x13000, s1;
	v7 =	vor.u32 $0x80, v1  }
0xd7: {  	v11 =	vshll.u32 v5, $0x2;
	[tilespmem:s22+$0x30] =	vst v3;
	v3 =	vld [tilespmem:s23+$0x830]  }
0xd8: {  	v5 =	vand.u32 $0x7F, v5;
	v11 =	vand.u32 $0xFFFFFE00, v11;
	[tilespmem:s22+$0x20] =	vst v8;
	v4 =	vld.idx.msk [tilespmem:v4+s14+$0x0], $0xffff  }
0xd9: {  	v5 =	vor.u32 v5, v11;
	v9 =	vld.idx.msk [tilespmem:v9+s14+$0x0], $0xffff  }
0xda: {  	[tilespmem:s22+$0x10] =	vst v6;
	v6 =	vld [tilespmem:s23+$0x820]  }
0xdb: {  	v12 =	vor.u32 $0x100, v0;
	v7 =	vld.idx.msk [tilespmem:v7+s14+$0x0], $0xffff  }
0xdc: {  	v8 =	vor.u32 $0x100, v1  }
0xdd: {  	v13 =	vor.u32 $0x100, v2  }
0xde: {  	s10 =	simm.s32 $0x80;
	v0 =	vor.u32 $0x180, v0;
	v14 =	vld.idx.msk [tilespmem:v5+s14+$0x0], $0xffff;
	v11 =	vshll.u32 v3, $0x2;
	v3 =	vand.u32 $0x7F, v3;
	[tilespmem:s22+$0xB0] =	vst v4  }
0xdf: {  	s4 =	simm.s32 $0x1;
	p0 =	por $0x0, $0x0;
	v17 =	vld [tilespmem:s10+$0x830];
	v4 =	vand.u32 $0xFFFFFE00, v11;
	v11 =	vshll.u32 v10, $0x2;
	[tilespmem:s22+$0xA0] =	vst v9;
	v9 =	vor.u32 $0x80, v5  }
0xe0: {  	s4 =	simm.s32 @!p0 $0x0;
	v12 =	vld.idx.msk [tilespmem:v12+s14+$0x0], $0xffff;
	v3 =	vor.u32 v3, v4;
	v4 =	vand.u32 $0xFFFFFE00, v11;
	v11 =	vshll.u32 v6, $0x2;
	[tilespmem:s22+$0x90] =	vst v7  }
0xe1: {  	s29 =	simm.s32 $0x40;
	s4 =	sshll.u32 s4, $0x6;
	v10 =	vand.u32 $0x7F, v10;
	v6 =	vand.u32 $0x7F, v6;
	v7 =	vand.u32 $0xFFFFFE00, v11;
	v8 =	vld.idx.msk [tilespmem:v8+s14+$0x0], $0xffff  }
0xe2: {  	s6 =	sand.u32 $0x7C0, s29;
	s24 =	sadd.s32 $0x0, s4;
	v4 =	vor.u32 v10, v4;
	v6 =	vor.u32 v6, v7;
	v7 =	vld.idx.msk [tilespmem:v13+s14+$0x0], $0xffff  }
0xe3: {  	s4 =	sadd.s32 $0x30, s24;
	[tilespmem:s1+$0x13000] =	vst v14;
	v13 =	vld [tilespmem:s6+$0x800]  }
0xe4: {  	s25 =	sor.u32 $0x100, s4;
	v9 =	vld.idx.msk [tilespmem:v9+s14+$0x0], $0xffff  }
0xe5: {  	v16 =	vor.u32 $0x100, v5;
	v10 =	vld.idx.msk [tilespmem:v3+s14+$0x0], $0xffff;
	[tilespmem:s25+$0x13000] =	vst v12  }
0xe6: {  	s28 =	simm.s32 $0x100;
	s11 =	sadd.s32 $0x10, s24;
	v11 =	vld.idx.msk [tilespmem:v0+s14+$0x0], $0xffff;
	v0 =	vor.u32 $0x80, v3  }
0xe7: {  	s5 =	sand.u32 $0x1E00, s28;
	s31 =	sand.u32 $0x40, s29;
	s19 =	sor.u32 $0x100, s11;
	v1 =	vor.u32 $0x180, v1;
	v12 =	vld.idx.msk [tilespmem:v4+s14+$0x0], $0xffff  }
0xe8: {  	s9 =	sor.u32 s31, s5;
	v14 =	vld.idx.msk [tilespmem:v6+s14+$0x0], $0xffff;
	[tilespmem:s19+$0x13000] =	vst v8  }
0xe9: {  	s5 =	sadd.s32 $0x13000, s9;
	v18 =	vld [tilespmem:s10+$0x810];
	s17 =	sadd.s32 $0x20, s24;
	v15 =	vor.u32 $0x80, v4;
	[tilespmem:s22+$0x80] =	vst v9  }
0xea: {  	s20 =	sor.u32 $0x100, s17;
	[tilespmem:s5+$0x30] =	vst v10;
	v10 =	vor.u32 $0x80, v6;
	v16 =	vld.idx.msk [tilespmem:v16+s14+$0x0], $0xffff  }
0xeb: {  	v19 =	vshll.u32 v13, $0x2;
	[tilespmem:s20+$0x13000] =	vst v7;
	v0 =	vld.idx.msk [tilespmem:v0+s14+$0x0], $0xffff  }
0xec: {  	s8 =	simm.s32 $0x1;
	p0 =	por !p0, !p0;
	v61 =	vor.u32 $0x100, v3;
	v19 =	vand.u32 $0xFFFFFE00, v19;
	v1 =	vld.idx.msk [tilespmem:v1+s14+$0x0], $0xffff;
	[tilespmem:s5+$0x10] =	vst v12;
	v12 =	vand.u32 $0x7F, v13  }
0xed: {  	s8 =	simm.s32 @!p0 $0x0;
	s4 =	sor.u32 $0x180, s4;
	v13 =	vld [tilespmem:s10+$0x820];
	[tilespmem:s5+$0x20] =	vst v14;
	v14 =	vor.u32 v12, v19  }
0xee: {  	s21 =	sshll.u32 s8, $0x6;
	v2 =	vor.u32 $0x180, v2;
	s20 =	simm.s32 $0x80;
	s22 =	sor.u32 $0x100, s24;
	[tilespmem:s4+$0x13000] =	vst v11;
	v12 =	vld.idx.msk [tilespmem:v15+s14+$0x0], $0xffff  }
0xef: {  	v8 =	vand.u32 $0x7F, v17;
	s4 =	sadd.s32 $0x100, s21;
	s21 =	sand.u32 $0x7C0, s20;
	v19 =	vshll.u32 v17, $0x2;
	v9 =	vld.idx.msk [tilespmem:v10+s14+$0x0], $0xffff;
	v10 =	vor.u32 $0x100, v4;
	[tilespmem:s22+$0x13000] =	vst v16  }
0xf0: {  	v15 =	vor.u32 $0x100, v6;
	v17 =	vand.u32 $0xFFFFFE00, v19;
	v16 =	vld [tilespmem:s21+$0x800];
	[tilespmem:s5+$0xB0] =	vst v0;
	v0 =	vshll.u32 v18, $0x2  }
0xf1: {  	v19 =	vld.idx.msk [tilespmem:v61+s14+$0x0], $0xffff;
	v7 =	vand.u32 $0xFFFFFE00, v0;
	v0 =	vor.u32 v8, v17  }
0xf2: {  	v3 =	vor.u32 $0x180, v3;
	v11 =	vand.u32 $0x7F, v18;
	v8 =	vshll.u32 v13, $0x2;
	v17 =	vld.idx.msk [tilespmem:v14+s14+$0x0], $0xffff  }
0xf3: {  	v18 =	vld.idx.msk [tilespmem:v2+s14+$0x0], $0xffff;
	[tilespmem:s5+$0x90] =	vst v12;
	v8 =	vand.u32 $0xFFFFFE00, v8;
	v7 =	vor.u32 v11, v7;
	v11 =	vand.u32 $0x7F, v13  }
0xf4: {  	s1 =	sor.u32 $0x180, s11;
	s18 =	sadd.s32 $0x30, s4;
	v8 =	vor.u32 v11, v8;
	v10 =	vld.idx.msk [tilespmem:v10+s14+$0x0], $0xffff;
	[tilespmem:s5+$0xA0] =	vst v9  }
0xf5: {  	s8 =	simm.s32 $0x200;
	s23 =	sor.u32 $0x100, s18;
	v62 =	vor.u32 $0x80, v14;
	[tilespmem:s1+$0x13000] =	vst v1;
	v15 =	vld.idx.msk [tilespmem:v15+s14+$0x0], $0xffff  }
0xf6: {  	s7 =	sor.u32 $0x180, s24;
	s29 =	sand.u32 $0x1E00, s8;
	v63 =	vld.idx.msk [tilespmem:v0+s14+$0x0], $0xffff;
	[tilespmem:s23+$0x13000] =	vst v19;
	v19 =	vor.u32 $0x180, v5  }
0xf7: {  	s6 =	sor.u32 $0x180, s17;
	s19 =	simm.s32 $0x8;
	s24 =	sadd.s32 $0x10, s4;
	[tilespmem:s9+$0x13000] =	vst v17;
	v17 =	vor.u32 $0x80, v0;
	v11 =	vld.idx.msk [tilespmem:v3+s14+$0x0], $0xffff  }
0xf8: {  	s28 =	sand.u32 $0x40, s20;
	s25 =	sadd.s32 $0x20, s4;
	s17 =	sor.u32 $0x100, s24;
	v1 =	vor.u32 $0x180, v14;
	[tilespmem:s6+$0x13000] =	vst v18;
	v12 =	vld.idx.msk [tilespmem:v7+s14+$0x0], $0xffff  }
0xf9: {  	s11 =	sor.u32 $0x100, s4;
	s31 =	sor.u32 $0x100, s25;
	v2 =	vor.u32 $0x180, v6;
	v6 =	vor.u32 $0x180, v7;
	v9 =	vor.u32 $0x80, v7;
	s23 =	sor.u32 s28, s29;
	v13 =	vld.idx.msk [tilespmem:v8+s14+$0x0], $0xffff;
	[tilespmem:s17+$0x13000] =	vst v10  }
0xfa: {  	s10 =	sor.u32 $0x180, s24;
	s18 =	sor.u32 $0x180, s18;
	v5 =	vor.u32 $0x100, v14;
	v3 =	vor.u32 $0x180, v4;
	v4 =	vor.u32 $0x100, v7;
	s24 =	sadd.s32 $0x13000, s23;
	v14 =	vld.idx.msk [tilespmem:v62+s14+$0x0], $0xffff;
	[tilespmem:s31+$0x13000] =	vst v15  }
0xfb: {  	s21 =	simm.s32 $0x300;
	s9 =	sor.u32 $0x180, s25;
	v7 =	vor.u32 $0x100, v8;
	v10 =	vor.u32 $0x80, v8;
	v8 =	vor.u32 $0x180, v8;
	s17 =	sor.u32 $0x180, s4;
	[tilespmem:s24+$0x30] =	vst v63;
	v15 =	vld.idx.msk [tilespmem:v19+s14+$0x0], $0xffff  }
.LBB2_7:
0xfc: {  	s1 =	sshra.s32 s21, $0x2;
	s19 =	sadd.s32 $0x4, s19;
	v17 =	vld.idx.msk [tilespmem:v17+s14+$0x0], $0xffff;
	[tilespmem:s18+$0x13000] =	vst v11  }
0xfd: {  	v11 =	vld [tilespmem:s1+$0x830];
	p1 =	slt.u32 s19, $0x7C;
	[tilespmem:s24+$0x10] =	vst v12  }
0xfe: {  	v12 =	vld [tilespmem:s1+$0x810];
	v18 =	vand.u32 $0x7F, v16;
	v16 =	vshll.u32 v16, $0x2;
	[tilespmem:s24+$0x20] =	vst v13;
	v13 =	vor.u32 $0x100, v0  }
0xff: {  	v19 =	vld [tilespmem:s1+$0x820];
	v16 =	vand.u32 $0xFFFFFE00, v16  }
0x100: {  	v16 =	vor.u32 v18, v16;
	v9 =	vld.idx.msk [tilespmem:v9+s14+$0x0], $0xffff;
	[tilespmem:s5+$0x80] =	vst v14;
	s5 =	smov.u32 s24  }
0x101: {  	v14 =	vor.u32 $0x80, v16;
	v18 =	vor.u32 $0x100, v16;
	v20 =	vor.u32 $0x180, v16;
	v10 =	vld.idx.msk [tilespmem:v10+s14+$0x0], $0xffff;
	[tilespmem:s7+$0x13000] =	vst v15;
	s7 =	smov.u32 s17  }
0x102: {  	v15 =	vshll.u32 v11, $0x2;
	[tilespmem:s5+$0xB0] =	vst v17;
	v17 =	vld.idx.msk [tilespmem:v5+s14+$0x0], $0xffff;
	v5 =	vmov v18  }
0x103: {  	p0 =	por !p0, !p0;
	s1 =	simm.s32 $0x1;
	v11 =	vand.u32 $0x7F, v11;
	v18 =	vshll.u32 v12, $0x2;
	v15 =	vand.u32 $0xFFFFFE00, v15;
	v13 =	vld.idx.msk [tilespmem:v13+s14+$0x0], $0xffff  }
0x104: {  	s1 =	simm.s32 @!p0 $0x0;
	v18 =	vand.u32 $0xFFFFFE00, v18;
	v21 =	vshll.u32 v19, $0x2;
	v11 =	vor.u32 v11, v15;
	v15 =	vld.idx.msk [tilespmem:v3+s14+$0x0], $0xffff;
	v3 =	vmovc v6  }
0x105: {  	s1 =	sshll.u32 s1, $0x6;
	v6 =	vand.u32 $0x7F, v12;
	v12 =	vand.u32 $0xFFFFFE00, v21;
	v16 =	vld.idx.msk [tilespmem:v16+s14+$0x0], $0xffff;
	v21 =	vor.u32 $0x180, v0;
	v0 =	vmovc v11  }
0x106: {  	s1 =	sadd.s32 s1, s8;
	s8 =	smov.u32 s21;
	v18 =	vor.u32 v6, v18;
	v6 =	vand.u32 $0x7F, v19;
	[tilespmem:s5+$0x90] =	vst v9;
	v19 =	vld.idx.msk [tilespmem:v2+s14+$0x0], $0xffff;
	v2 =	vmov v8  }
0x107: {  	s4 =	sadd.s32 $0x10, s1;
	s6 =	sadd.s32 $0x20, s1;
	s18 =	sadd.s32 $0x30, s1;
	v9 =	vor.u32 $0x80, v18;
	v22 =	vor.u32 v6, v12;
	v23 =	vld.idx.msk [tilespmem:v4+s14+$0x0], $0xffff;
	v4 =	vor.u32 $0x100, v18;
	[tilespmem:s5+$0xA0] =	vst v10  }
0x108: {  	s22 =	sor.u32 $0x100, s4;
	s25 =	sor.u32 $0x100, s6;
	s17 =	sor.u32 $0x100, s18;
	v6 =	vor.u32 $0x180, v18;
	v10 =	vor.u32 $0x80, v22;
	v24 =	vld.idx.msk [tilespmem:v7+s14+$0x0], $0xffff;
	v7 =	vor.u32 $0x100, v22;
	[tilespmem:s11+$0x13000] =	vst v17  }
0x109: {  	s4 =	sor.u32 $0x180, s4;
	s6 =	sor.u32 $0x180, s6;
	v8 =	vor.u32 $0x180, v22;
	s11 =	sor.u32 $0x100, s1;
	v25 =	vld.idx.msk [tilespmem:v11+s14+$0x0], $0xffff;
	[tilespmem:s17+$0x13000] =	vst v13  }
0x10a: {  	s17 =	sor.u32 $0x180, s1;
	v11 =	vld.idx.msk [tilespmem:v21+s14+$0x0], $0xffff;
	[tilespmem:s10+$0x13000] =	vst v15;
	s10 =	smov.u32 s4  }
.Ltmp7:
0x10b: {  	s20 =	sadd.s32 $0x40, s20;
	v17 =	vor.u32 $0x80, v0;
	v12 =	vld.idx.msk [tilespmem:v18+s14+$0x0], $0xffff;
	[tilespmem:s23+$0x13000] =	vst v16;
	(pc) =	sbr.rel @p1 .LBB2_7-.Ltmp7, $4  }
0x10c: {  	s1 =	sand.u32 $0x40, s20;
	s4 =	sand.u32 $0x7C0, s20;
	s23 =	sand.u32 $0x1E00, s21;
	v13 =	vld.idx.msk [tilespmem:v22+s14+$0x0], $0xffff;
	[tilespmem:s9+$0x13000] =	vst v19  }
0x10d: {  	s23 =	sor.u32 s1, s23;
	s9 =	smov.u32 s6;
	v16 =	vld [tilespmem:s4+$0x800];
	[tilespmem:s22+$0x13000] =	vst v23  }
0x10e: {  	s24 =	sadd.s32 $0x13000, s23;
	v14 =	vld.idx.msk [tilespmem:v14+s14+$0x0], $0xffff;
	[tilespmem:s25+$0x13000] =	vst v24  }
0x10f: {  	s18 =	sor.u32 $0x180, s18;
	s21 =	sadd.s32 $0x100, s21;
	[tilespmem:s24+$0x30] =	vst v25;
	v15 =	vld.idx.msk [tilespmem:v1+s14+$0x0], $0xffff;
	v1 =	vmov v20  }
0x110: {  	_ =	sdelay $0x1  }
0x111: {  	v18 =	vshll.u32 v16, $0x2  }
0x112: {  	v53 =	vand.u32 $0x7F, v16;
	v18 =	vand.u32 $0xFFFFFE00, v18  }
0x113: {  	v16 =	vor.u32 v53, v18;
	_ =	sdelay $0x4  }
0x114: {  	v18 =	vld.idx.msk [tilespmem:v16+s14+$0x0], $0xffff  }
0x115: {  	v19 =	vor.u32 $0x80, v16  }
0x116: {  	[tilespmem:s18+$0x13000] =	vst v11  }
0x117: {  	v54 =	vld.idx.msk [tilespmem:v17+s14+$0x0], $0xffff;
	[tilespmem:s24+$0x10] =	vst v12  }
0x118: {  	v55 =	vor.u32 $0x100, v0;
	[tilespmem:s24+$0x20] =	vst v13;
	v9 =	vld.idx.msk [tilespmem:v9+s14+$0x0], $0xffff  }
0x119: {  	v10 =	vld.idx.msk [tilespmem:v10+s14+$0x0], $0xffff;
	[tilespmem:s23+$0x13000] =	vst v18  }
0x11a: {  	[tilespmem:s5+$0x80] =	vst v14;
	v56 =	vld.idx.msk [tilespmem:v19+s14+$0x0], $0xffff  }
0x11b: {  	v3 =	vld.idx.msk [tilespmem:v3+s14+$0x0], $0xffff;
	[tilespmem:s7+$0x13000] =	vst v15;
	v57 =	vor.u32 $0x100, v16  }
0x11c: {  	p0 =	por !p0, !p0;
	s1 =	simm.s32 $0x1;
	v5 =	vld.idx.msk [tilespmem:v5+s14+$0x0], $0xffff;
	[tilespmem:s24+$0xB0] =	vst v54  }
0x11d: {  	s1 =	simm.s32 @!p0 $0x0;
	v11 =	vld.idx.msk [tilespmem:v55+s14+$0x0], $0xffff;
	[tilespmem:s24+$0x90] =	vst v9  }
0x11e: {  	v58 =	vor.u32 $0x180, v0;
	s1 =	sshll.u32 s1, $0x6;
	v4 =	vld.idx.msk [tilespmem:v4+s14+$0x0], $0xffff;
	[tilespmem:s24+$0xA0] =	vst v10  }
0x11f: {  	s1 =	sadd.s32 s1, s8;
	v7 =	vld.idx.msk [tilespmem:v7+s14+$0x0], $0xffff;
	[tilespmem:s24+$0x80] =	vst v56  }
0x120: {  	s4 =	sadd.s32 $0x30, s1;
	[tilespmem:s10+$0x13000] =	vst v3;
	v59 =	vld.idx.msk [tilespmem:v57+s14+$0x0], $0xffff  }
0x121: {  	v2 =	vld.idx.msk [tilespmem:v2+s14+$0x0], $0xffff;
	s6 =	sadd.s32 $0x10, s1;
	s21 =	sor.u32 $0x100, s4;
	v60 =	vor.u32 $0x180, v16;
	[tilespmem:s11+$0x13000] =	vst v5  }
0x122: {  	s22 =	sadd.s32 $0x20, s1;
	v1 =	vld.idx.msk [tilespmem:v1+s14+$0x0], $0xffff;
	[tilespmem:s21+$0x13000] =	vst v11;
	s23 =	sor.u32 $0x100, s6  }
0x123: {  	v0 =	vld.idx.msk [tilespmem:v58+s14+$0x0], $0xffff;
	[tilespmem:s23+$0x13000] =	vst v4;
	s24 =	sor.u32 $0x100, s22  }
0x124: {  	s25 =	sor.u32 $0x100, s1;
	v61 =	vld.idx.msk [tilespmem:v6+s14+$0x0], $0xffff;
	[tilespmem:s24+$0x13000] =	vst v7  }
0x125: {  	v62 =	vld.idx.msk [tilespmem:v8+s14+$0x0], $0xffff;
	[tilespmem:s25+$0x13000] =	vst v59  }
0x126: {  	[tilespmem:s9+$0x13000] =	vst v2;
	v63 =	vld.idx.msk [tilespmem:v60+s14+$0x0], $0xffff  }
0x127: {  	s4 =	sor.u32 $0x180, s4;
	[tilespmem:s17+$0x13000] =	vst v1  }
.Ltmp8:
0x128: {  	s0 =	sor.u32 s3, s0;
	s28 =	sor.u32 $0x180, s6;
	[tilespmem:s4+$0x13000] =	vst v0;
	(pc) =	sbr.rel .LBB2_25-.Ltmp8, $4  }
0x129: {  	s0 =	sshrl.u32 s0, $0x3;
	s29 =	sor.u32 $0x180, s22;
	[tilespmem:s28+$0x13000] =	vst v61  }
0x12a: {  	s0 =	sor.u32 $0x800, s0;
	s1 =	sor.u32 $0x180, s1;
	[tilespmem:s29+$0x13000] =	vst v62  }
0x12b: {  	s31 =	simm.s32 $0x13000;
	s0 =	sadd.s32 s26, s0;
	[tilespmem:s1+$0x13000] =	vst v63  }
0x12c: {  	[hbm4b:s0+s12] =	stream.strided.scatter [tilespmem:s31], [sflag:$0x6], $0x2000, s13, s12, $0x38;
	[tilespmem:$0x19000] =	vst v63  }
.LBB2_19:
0x12d: {  	p2 =	seq.s32 s1, $0x2  }
.Ltmp9:
0x12e: {  	_ = 	snop;
	(pc) =	sbr.rel @!p2 .LBB2_20-.Ltmp9, $3  }
0x12f: {  	_ =	sdelay $0x1  }
0x130: {  	p0 =	sgt.u32 s2, $0x3C  }
0x131: {  	s1 =	sadd.s32 @!p0 $0xC, s7;
	p1 =	slt.u32 @!p0 s2, $0x2  }
0x132: {  	s7 =	simm.s32 $0x3  }
0x133: {  	s4 =	sshll.u32 @!p0 s1, $0x4;
	_ =	swait.ge [sflag:s7], $0x4000  }
0x134: {  	s1 =	sshll.u32 @!p0 s1, $0x9;
	p1 =	por p0, !p1;
	[sflag:s7] =	ssyncset.done $0x0  }
0x135: {  	s4 =	sand.u32 @!p0 $0x40, s4;
	s1 =	sand.u32 @!p0 $0xFFFF000, s1;
	s6 =	rddreg [dreg:$0x0]  }
0x136: {  	[sflag:s7] =	ssyncadd.s32 $0xFFFFC000;
	s7 =	simm.s32 @!p0 $0x5000;
	s4 =	sadd.s32 @!p0 s6, s4  }
0x137: {  	s6 =	simm.s32 @!p0 $0x400;
	s1 =	sadd.s32 @!p0 s1, s4;
	s4 =	simm.s32 @!p0 $0x200  }
0x138: {  	[tilespmem:s7], [sflag:$0x2] =	stream.strided.gather @!p0 [hbm4b:s1+s4], $0x4000, s6, s4, $0x38;
	[tilespmem:$0x19000] =	vst v63  }
0x139: {  	s19 =	simm.s32 $0x0;
	s1 =	simm.s32 @p1 $0x5  }
0x13a: {  	s7 =	sand.u32 $0x40, s19;
	_ =	swait.ge @p1 [sflag:s1], $0x2000  }
0x13b: {  	s20 =	sand.u32 $0x780, s19;
	s21 =	sor.u32 $0x30, s7;
	[sflag:s1] =	ssyncset.done @p1 $0x0  }
0x13c: {  	s8 =	sor.u32 s21, s20;
	[sflag:s1] =	ssyncadd.s32 @p1 $0xFFFFE000  }
0x13d: {  	s10 =	sor.u32 $0x10, s7;
	v0 =	vld [tilespmem:s8+$0x0]  }
0x13e: {  	s17 =	sor.u32 $0x20, s7;
	s22 =	sor.u32 s10, s20  }
0x13f: {  	s4 =	sor.u32 s17, s20;
	v1 =	vld [tilespmem:s22+$0x0]  }
0x140: {  	v2 =	vld [tilespmem:s4+$0x0];
	_ =	sdelay $0x1  }
0x141: {  	v3 =	vshll.u32 v0, $0x2  }
0x142: {  	v0 =	vand.u32 $0x7F, v0;
	v3 =	vand.u32 $0xFFFFFE00, v3  }
0x143: {  	v0 =	vor.u32 v0, v3;
	v3 =	vshll.u32 v1, $0x2  }
0x144: {  	v4 =	vshll.u32 v2, $0x2;
	v1 =	vand.u32 $0x7F, v1;
	v3 =	vand.u32 $0xFFFFFE00, v3  }
0x145: {  	v2 =	vand.u32 $0x7F, v2;
	v1 =	vor.u32 v1, v3;
	v3 =	vand.u32 $0xFFFFFE00, v4  }
0x146: {  	v2 =	vor.u32 v2, v3;
	_ =	sdelay $0x1  }
0x147: {  	s23 =	simm.s32 $0x0;
	s9 =	simm.s32 $0x40;
	v3 =	vld.idx.msk [tilespmem:v0+s16+$0x0], $0xffff  }
0x148: {  	s11 =	sand.u32 $0x40, s9;
	v6 =	vld [tilespmem:s23+$0x0];
	v4 =	vor.u32 $0x80, v0  }
0x149: {  	s25 =	sand.u32 $0x780, s9;
	s9 =	sor.u32 $0x30, s11;
	s1 =	sand.u32 $0x1E00, s19;
	v5 =	vld.idx.msk [tilespmem:v1+s16+$0x0], $0xffff  }
0x14a: {  	s26 =	sor.u32 s9, s25;
	s19 =	sor.u32 $0x10, s11;
	s24 =	sadd.s32 $0x11000, s1;
	v7 =	vld.idx.msk [tilespmem:v2+s16+$0x0], $0xffff  }
0x14b: {  	s18 =	sor.u32 s19, s25;
	v9 =	vld [tilespmem:s26+$0x0];
	s1 =	sor.u32 s21, s24;
	v8 =	vor.u32 $0x80, v2  }
0x14c: {  	v10 =	vld [tilespmem:s18+$0x0];
	[tilespmem:s1+$0x0] =	vst v3;
	v3 =	vor.u32 $0x80, v1  }
0x14d: {  	s20 =	sor.u32 $0x20, s11;
	s18 =	sor.u32 s10, s24;
	v11 =	vshll.u32 v6, $0x2;
	v4 =	vld.idx.msk [tilespmem:v4+s16+$0x0], $0xffff  }
0x14e: {  	s4 =	sor.u32 s20, s25;
	s21 =	sor.u32 s17, s24;
	v6 =	vand.u32 $0x7F, v6;
	v11 =	vand.u32 $0xFFFFFE00, v11;
	v12 =	vor.u32 $0x100, v0;
	[tilespmem:s18+$0x0] =	vst v5  }
0x14f: {  	v13 =	vld [tilespmem:s4+$0x0];
	v5 =	vor.u32 v6, v11;
	[tilespmem:s21+$0x0] =	vst v7  }
0x150: {  	v11 =	vshll.u32 v9, $0x2;
	v8 =	vld.idx.msk [tilespmem:v8+s16+$0x0], $0xffff  }
0x151: {  	p0 =	por @!p0 $0x0, $0x0;
	v9 =	vand.u32 $0x7F, v9;
	v7 =	vor.u32 $0x100, v2;
	v11 =	vand.u32 $0xFFFFFE00, v11;
	v3 =	vld.idx.msk [tilespmem:v3+s16+$0x0], $0xffff  }
0x152: {  	p0 =	por @p1 $0x1, $0x1;
	p1 =	por $0x0, $0x0;
	v9 =	vor.u32 v9, v11;
	[tilespmem:s1+$0x80] =	vst v4;
	s1 =	simm.s32 $0x1  }
0x153: {  	v6 =	vor.u32 $0x100, v1;
	v12 =	vld.idx.msk [tilespmem:v12+s16+$0x0], $0xffff;
	s1 =	simm.s32 @!p1 $0x0  }
0x154: {  	v0 =	vor.u32 $0x180, v0;
	v4 =	vshll.u32 v10, $0x2;
	v14 =	vld.idx.msk [tilespmem:v5+s16+$0x0], $0xffff;
	s1 =	sshll.u32 s1, $0x6  }
0x155: {  	v11 =	vshll.u32 v13, $0x2;
	v10 =	vand.u32 $0x7F, v10;
	v4 =	vand.u32 $0xFFFFFE00, v4;
	s17 =	sadd.s32 $0x0, s1;
	[tilespmem:s21+$0x80] =	vst v8  }
0x156: {  	v11 =	vand.u32 $0xFFFFFE00, v11;
	v4 =	vor.u32 v10, v4;
	v10 =	vand.u32 $0x7F, v13;
	[tilespmem:s18+$0x80] =	vst v3;
	s18 =	sadd.s32 $0x30, s17;
	v7 =	vld.idx.msk [tilespmem:v7+s16+$0x0], $0xffff  }
0x157: {  	s23 =	simm.s32 $0x100;
	s25 =	simm.s32 $0x80;
	v3 =	vor.u32 v10, v11;
	v10 =	vld.idx.msk [tilespmem:v9+s16+$0x0], $0xffff;
	s22 =	sor.u32 $0x100, s18  }
0x158: {  	s4 =	sor.u32 s7, s24;
	s24 =	simm.s32 $0x40;
	v8 =	vor.u32 $0x80, v5;
	s1 =	sand.u32 $0x1E00, s23;
	v6 =	vld.idx.msk [tilespmem:v6+s16+$0x0], $0xffff;
	[tilespmem:s22+$0x11000] =	vst v12  }
0x159: {  	s8 =	sand.u32 $0x40, s25;
	s21 =	sadd.s32 $0x11000, s1;
	[tilespmem:s4+$0x0] =	vst v14;
	v14 =	vld [tilespmem:s24+$0x0]  }
0x15a: {  	s26 =	sand.u32 $0x780, s25;
	s1 =	sor.u32 s9, s21;
	s9 =	sor.u32 $0x30, s8;
	v11 =	vld.idx.msk [tilespmem:v0+s16+$0x0], $0xffff  }
0x15b: {  	s7 =	sor.u32 s9, s26;
	v0 =	vor.u32 $0x80, v9;
	v12 =	vld.idx.msk [tilespmem:v4+s16+$0x0], $0xffff  }
0x15c: {  	v1 =	vor.u32 $0x180, v1;
	v16 =	vld [tilespmem:s7+$0x0]  }
0x15d: {  	s10 =	sor.u32 $0x10, s8;
	s22 =	sadd.s32 $0x10, s17;
	v8 =	vld.idx.msk [tilespmem:v8+s16+$0x0], $0xffff  }
0x15e: {  	s24 =	sor.u32 s10, s26;
	s23 =	sor.u32 $0x100, s22;
	v13 =	vld.idx.msk [tilespmem:v3+s16+$0x0], $0xffff;
	[tilespmem:s1+$0x0] =	vst v10;
	v10 =	vor.u32 $0x80, v4  }
0x15f: {  	v15 =	vor.u32 $0x80, v3;
	[tilespmem:s23+$0x11000] =	vst v6;
	v6 =	vld [tilespmem:s24+$0x0]  }
0x160: {  	v17 =	vor.u32 $0x100, v5;
	s7 =	sor.u32 $0x20, s8;
	v0 =	vld.idx.msk [tilespmem:v0+s16+$0x0], $0xffff  }
0x161: {  	v19 =	vor.u32 $0x100, v9;
	s19 =	sor.u32 s19, s21;
	s6 =	sor.u32 s7, s26;
	v18 =	vld.idx.msk [tilespmem:v1+s16+$0x0], $0xffff;
	v1 =	vshll.u32 v14, $0x2  }
0x162: {  	v2 =	vor.u32 $0x180, v2;
	s20 =	sor.u32 s20, s21;
	v20 =	vld [tilespmem:s6+$0x0];
	v14 =	vand.u32 $0x7F, v14;
	v1 =	vand.u32 $0xFFFFFE00, v1;
	[tilespmem:s19+$0x0] =	vst v12  }
0x163: {  	v12 =	vor.u32 v14, v1;
	v1 =	vld.idx.msk [tilespmem:v10+s16+$0x0], $0xffff;
	[tilespmem:s20+$0x0] =	vst v13  }
0x164: {  	s6 =	sadd.s32 $0x20, s17;
	v14 =	vor.u32 $0x100, v3;
	[tilespmem:s4+$0x80] =	vst v8;
	v8 =	vshll.u32 v16, $0x2;
	v10 =	vor.u32 $0x100, v4;
	v15 =	vld.idx.msk [tilespmem:v15+s16+$0x0], $0xffff  }
0x165: {  	p1 =	por !p1, !p1;
	s24 =	sor.u32 $0x100, s6;
	v21 =	vld.idx.msk [tilespmem:v17+s16+$0x0], $0xffff;
	v13 =	vand.u32 $0x7F, v16;
	v8 =	vand.u32 $0xFFFFFE00, v8;
	[tilespmem:s1+$0x80] =	vst v0;
	v0 =	vshll.u32 v6, $0x2;
	s1 =	simm.s32 $0x1  }
0x166: {  	s25 =	sor.u32 $0x180, s18;
	[tilespmem:s24+$0x11000] =	vst v7;
	v7 =	vld.idx.msk [tilespmem:v19+s16+$0x0], $0xffff;
	v16 =	vand.u32 $0xFFFFFE00, v0;
	v0 =	vor.u32 v13, v8;
	s1 =	simm.s32 @!p1 $0x0  }
0x167: {  	[tilespmem:s25+$0x11000] =	vst v11;
	v8 =	vshll.u32 v20, $0x2;
	v19 =	vld.idx.msk [tilespmem:v2+s16+$0x0], $0xffff;
	v2 =	vand.u32 $0x7F, v6;
	v6 =	vor.u32 $0x180, v9;
	s1 =	sshll.u32 s1, $0x6  }
0x168: {  	s31 =	sor.u32 s11, s21;
	s26 =	sor.u32 $0x100, s17;
	v22 =	vld.idx.msk [tilespmem:v12+s16+$0x0], $0xffff;
	v8 =	vand.u32 $0xFFFFFE00, v8;
	v23 =	vor.u32 v2, v16;
	v2 =	vand.u32 $0x7F, v20;
	[tilespmem:s19+$0x80] =	vst v1;
	s1 =	sadd.s32 $0x100, s1  }
0x169: {  	s23 =	sor.u32 $0x180, s22;
	s6 =	sor.u32 $0x180, s6;
	v20 =	vor.u32 v2, v8;
	v13 =	vld.idx.msk [tilespmem:v10+s16+$0x0], $0xffff;
	[tilespmem:s20+$0x80] =	vst v15;
	s28 =	sadd.s32 $0x30, s1  }
0x16a: {  	s25 =	sor.u32 $0x180, s17;
	s17 =	simm.s32 $0xC0;
	v3 =	vor.u32 $0x180, v3;
	[tilespmem:s23+$0x11000] =	vst v18;
	v14 =	vld.idx.msk [tilespmem:v14+s16+$0x0], $0xffff;
	s22 =	sor.u32 $0x100, s28  }
0x16b: {  	v4 =	vor.u32 $0x180, v4;
	v9 =	vor.u32 $0x80, v12;
	v1 =	vor.u32 $0x180, v5;
	s19 =	simm.s32 $0x200;
	s20 =	simm.s32 $0x8;
	s24 =	sadd.s32 $0x10, s1;
	v17 =	vld.idx.msk [tilespmem:v0+s16+$0x0], $0xffff;
	[tilespmem:s22+$0x11000] =	vst v7  }
0x16c: {  	v5 =	vor.u32 $0x100, v12;
	[tilespmem:s26+$0x11000] =	vst v21;
	v2 =	vor.u32 $0x180, v12;
	v10 =	vor.u32 $0x80, v23;
	s23 =	sadd.s32 $0x20, s1;
	s26 =	sor.u32 $0x100, s1;
	s18 =	sor.u32 $0x100, s24;
	v16 =	vld.idx.msk [tilespmem:v6+s16+$0x0], $0xffff  }
0x16d: {  	v11 =	vor.u32 $0x180, v23;
	v12 =	vor.u32 $0x80, v20;
	s29 =	sor.u32 $0x100, s23;
	s24 =	sor.u32 $0x180, s24;
	s11 =	sor.u32 $0x180, s23;
	[tilespmem:s6+$0x11000] =	vst v19;
	v19 =	vor.u32 $0x80, v0;
	v15 =	vld.idx.msk [tilespmem:v23+s16+$0x0], $0xffff  }
0x16e: {  	v8 =	vor.u32 $0x180, v20;
	s23 =	sor.u32 $0x180, s1;
	s1 =	simm.s32 $0x80;
	v7 =	vor.u32 $0x100, v20;
	[tilespmem:s31+$0x0] =	vst v22;
	s22 =	sand.u32 $0x1E00, s19;
	v6 =	vor.u32 $0x100, v23;
	v18 =	vld.idx.msk [tilespmem:v20+s16+$0x0], $0xffff  }
.LBB2_15:
0x16f: {  	s4 =	sand.u32 $0x780, s17;
	v20 =	vld [tilespmem:s1+$0x0];
	s1 =	sadd.s32 $0x11000, s22;
	[tilespmem:s18+$0x11000] =	vst v13;
	s21 =	smov.u32 s25  }
0x170: {  	s6 =	sand.u32 $0x40, s17;
	s20 =	sadd.s32 $0x4, s20;
	s18 =	sor.u32 s9, s1;
	v13 =	vld.idx.msk [tilespmem:v9+s16+$0x0], $0xffff;
	[tilespmem:s29+$0x11000] =	vst v14  }
0x171: {  	s22 =	sor.u32 $0x180, s28;
	s9 =	sor.u32 $0x30, s6;
	p2 =	slt.u32 s20, $0x7C;
	[tilespmem:s18+$0x0] =	vst v17;
	v14 =	vld.idx.msk [tilespmem:v4+s16+$0x0], $0xffff;
	v4 =	vmov v11  }
0x172: {  	s25 =	sor.u32 $0x10, s6;
	s28 =	sor.u32 $0x20, s6;
	s29 =	sor.u32 s9, s4;
	v11 =	vld.idx.msk [tilespmem:v19+s16+$0x0], $0xffff;
	[tilespmem:s22+$0x11000] =	vst v16  }
0x173: {  	s22 =	sor.u32 s25, s4;
	s4 =	sor.u32 s28, s4;
	v16 =	vld [tilespmem:s29+$0x0];
	s29 =	sor.u32 s8, s1  }
0x174: {  	s8 =	smov.u32 s6;
	v17 =	vld [tilespmem:s22+$0x0];
	v9 =	vand.u32 $0x7F, v20;
	v19 =	vshll.u32 v20, $0x2;
	s22 =	sor.u32 s10, s1;
	s1 =	sor.u32 s7, s1;
	v20 =	vor.u32 $0x100, v0  }
0x175: {  	s10 =	smov.u32 s25;
	s7 =	smov.u32 s28;
	s25 =	smov.u32 s23;
	v21 =	vld [tilespmem:s4+$0x0];
	v19 =	vand.u32 $0xFFFFFE00, v19;
	[tilespmem:s22+$0x0] =	vst v15  }
0x176: {  	v15 =	vor.u32 v9, v19;
	v10 =	vld.idx.msk [tilespmem:v10+s16+$0x0], $0xffff;
	[tilespmem:s1+$0x0] =	vst v18  }
0x177: {  	v9 =	vor.u32 $0x80, v15;
	v18 =	vor.u32 $0x100, v15;
	v19 =	vor.u32 $0x180, v15;
	v12 =	vld.idx.msk [tilespmem:v12+s16+$0x0], $0xffff;
	[tilespmem:s31+$0x80] =	vst v13;
	s31 =	smov.u32 s29  }
0x178: {  	p1 =	por !p1, !p1;
	s4 =	simm.s32 $0x1;
	v13 =	vshll.u32 v16, $0x2;
	[tilespmem:s18+$0x80] =	vst v11;
	v22 =	vld.idx.msk [tilespmem:v5+s16+$0x0], $0xffff;
	v5 =	vmov v18  }
0x179: {  	s4 =	simm.s32 @!p1 $0x0;
	v16 =	vand.u32 $0x7F, v16;
	v11 =	vshll.u32 v17, $0x2;
	v13 =	vand.u32 $0xFFFFFE00, v13;
	v18 =	vld.idx.msk [tilespmem:v20+s16+$0x0], $0xffff;
	[tilespmem:s24+$0x11000] =	vst v14  }
0x17a: {  	s4 =	sshll.u32 s4, $0x6;
	v11 =	vand.u32 $0xFFFFFE00, v11;
	v14 =	vshll.u32 v21, $0x2;
	v16 =	vor.u32 v16, v13;
	v20 =	vld.idx.msk [tilespmem:v3+s16+$0x0], $0xffff;
	v3 =	vmovc v8  }
0x17b: {  	s4 =	sadd.s32 s4, s19;
	v8 =	vand.u32 $0x7F, v17;
	v13 =	vand.u32 $0xFFFFFE00, v14;
	v23 =	vld.idx.msk [tilespmem:v15+s16+$0x0], $0xffff;
	v15 =	vor.u32 $0x180, v0;
	v0 =	vmovc v16  }
0x17c: {  	s6 =	sadd.s32 $0x10, s4;
	v24 =	vor.u32 v8, v11;
	v8 =	vand.u32 $0x7F, v21;
	[tilespmem:s22+$0x80] =	vst v10;
	v21 =	vld.idx.msk [tilespmem:v1+s16+$0x0], $0xffff;
	v1 =	vmovc v2;
	v2 =	vmov v19  }
0x17d: {  	s28 =	sadd.s32 $0x30, s4;
	s18 =	sor.u32 $0x100, s6;
	v10 =	vor.u32 $0x80, v24;
	v25 =	vor.u32 v8, v13;
	v13 =	vld.idx.msk [tilespmem:v6+s16+$0x0], $0xffff;
	v6 =	vor.u32 $0x100, v24;
	[tilespmem:s1+$0x80] =	vst v12;
	s1 =	sadd.s32 $0x20, s4  }
.Ltmp10:
0x17e: {  	v11 =	vor.u32 $0x180, v24;
	s22 =	sor.u32 $0x100, s28;
	v12 =	vor.u32 $0x80, v25;
	v14 =	vld.idx.msk [tilespmem:v7+s16+$0x0], $0xffff;
	v7 =	vor.u32 $0x100, v25;
	s29 =	sor.u32 $0x100, s1;
	[tilespmem:s26+$0x11000] =	vst v22;
	(pc) =	sbr.rel @p2 .LBB2_15-.Ltmp10, $4  }
0x17f: {  	s24 =	sor.u32 $0x180, s6;
	v8 =	vor.u32 $0x180, v25;
	s26 =	sor.u32 $0x100, s4;
	s1 =	sor.u32 $0x180, s1;
	v17 =	vld.idx.msk [tilespmem:v16+s16+$0x0], $0xffff;
	[tilespmem:s22+$0x11000] =	vst v18  }
0x180: {  	s23 =	sor.u32 $0x180, s4;
	v16 =	vld.idx.msk [tilespmem:v15+s16+$0x0], $0xffff;
	[tilespmem:s11+$0x11000] =	vst v20;
	s11 =	smov.u32 s1  }
0x181: {  	s19 =	sadd.s32 $0x100, s19;
	v19 =	vor.u32 $0x80, v0;
	v15 =	vld.idx.msk [tilespmem:v24+s16+$0x0], $0xffff;
	[tilespmem:s31+$0x0] =	vst v23  }
0x182: {  	s17 =	sadd.s32 $0x40, s17;
	s22 =	sand.u32 $0x1E00, s19;
	s1 =	sshra.s32 s19, $0x2;
	v18 =	vld.idx.msk [tilespmem:v25+s16+$0x0], $0xffff;
	[tilespmem:s21+$0x11000] =	vst v21  }
0x183: {  	v20 =	vld [tilespmem:s1+$0x0];
	_ =	sdelay $0x4  }
0x184: {  	v21 =	vshll.u32 v20, $0x2  }
0x185: {  	v20 =	vand.u32 $0x7F, v20;
	v21 =	vand.u32 $0xFFFFFE00, v21  }
0x186: {  	v20 =	vor.u32 v20, v21;
	_ =	sdelay $0x3  }
0x187: {  	s17 =	sadd.s32 $0x11000, s22;
	[tilespmem:s18+$0x11000] =	vst v13;
	v9 =	vld.idx.msk [tilespmem:v9+s16+$0x0], $0xffff  }
0x188: {  	[tilespmem:s29+$0x11000] =	vst v14;
	s4 =	sor.u32 s9, s17;
	v13 =	vld.idx.msk [tilespmem:v20+s16+$0x0], $0xffff  }
0x189: {  	s7 =	sor.u32 s7, s17;
	v4 =	vld.idx.msk [tilespmem:v4+s16+$0x0], $0xffff;
	[tilespmem:s4+$0x0] =	vst v17;
	v14 =	vor.u32 $0x80, v20  }
0x18a: {  	s6 =	sor.u32 s10, s17;
	v17 =	vld.idx.msk [tilespmem:v19+s16+$0x0], $0xffff;
	[tilespmem:s7+$0x0] =	vst v18  }
0x18b: {  	[tilespmem:s6+$0x0] =	vst v15;
	v12 =	vld.idx.msk [tilespmem:v12+s16+$0x0], $0xffff  }
0x18c: {  	s1 =	sor.u32 s8, s17;
	v10 =	vld.idx.msk [tilespmem:v10+s16+$0x0], $0xffff;
	[tilespmem:s31+$0x80] =	vst v9  }
0x18d: {  	[tilespmem:s1+$0x0] =	vst v13  }
0x18e: {  	v15 =	vor.u32 $0x100, v0;
	[tilespmem:s24+$0x11000] =	vst v4;
	v9 =	vld.idx.msk [tilespmem:v14+s16+$0x0], $0xffff  }
0x18f: {  	v5 =	vld.idx.msk [tilespmem:v5+s16+$0x0], $0xffff;
	[tilespmem:s4+$0x80] =	vst v17;
	v13 =	vor.u32 $0x100, v20  }
0x190: {  	p1 =	por !p1, !p1;
	v3 =	vld.idx.msk [tilespmem:v3+s16+$0x0], $0xffff;
	s4 =	simm.s32 $0x1;
	[tilespmem:s7+$0x80] =	vst v12  }
0x191: {  	s20 =	sor.u32 $0x180, s28;
	s4 =	simm.s32 @!p1 $0x0;
	[tilespmem:s6+$0x80] =	vst v10;
	v4 =	vld.idx.msk [tilespmem:v7+s16+$0x0], $0xffff  }
0x192: {  	[tilespmem:s20+$0x11000] =	vst v16;
	s4 =	sshll.u32 s4, $0x6;
	v6 =	vld.idx.msk [tilespmem:v6+s16+$0x0], $0xffff  }
0x193: {  	s4 =	sadd.s32 s4, s19;
	v14 =	vld.idx.msk [tilespmem:v15+s16+$0x0], $0xffff;
	[tilespmem:s1+$0x80] =	vst v9  }
0x194: {  	v0 =	vor.u32 $0x180, v0;
	[tilespmem:s26+$0x11000] =	vst v5;
	s26 =	sadd.s32 $0x20, s4;
	v5 =	vld.idx.msk [tilespmem:v13+s16+$0x0], $0xffff  }
0x195: {  	v1 =	vld.idx.msk [tilespmem:v1+s16+$0x0], $0xffff;
	[tilespmem:s11+$0x11000] =	vst v3;
	v7 =	vor.u32 $0x180, v20;
	s22 =	sadd.s32 $0x10, s4;
	s29 =	sor.u32 $0x100, s26  }
0x196: {  	s21 =	sadd.s32 $0x30, s4;
	v2 =	vld.idx.msk [tilespmem:v2+s16+$0x0], $0xffff;
	s28 =	sor.u32 $0x100, s22;
	[tilespmem:s29+$0x11000] =	vst v4  }
0x197: {  	s24 =	sor.u32 $0x100, s21;
	[tilespmem:s28+$0x11000] =	vst v6;
	v3 =	vld.idx.msk [tilespmem:v8+s16+$0x0], $0xffff  }
0x198: {  	s31 =	sor.u32 $0x100, s4;
	v4 =	vld.idx.msk [tilespmem:v11+s16+$0x0], $0xffff;
	[tilespmem:s24+$0x11000] =	vst v14  }
0x199: {  	v0 =	vld.idx.msk [tilespmem:v0+s16+$0x0], $0xffff;
	[tilespmem:s31+$0x11000] =	vst v5  }
0x19a: {  	[tilespmem:s25+$0x11000] =	vst v1;
	v1 =	vld.idx.msk [tilespmem:v7+s16+$0x0], $0xffff  }
0x19b: {  	s8 =	sor.u32 $0x180, s26;
	[tilespmem:s23+$0x11000] =	vst v2  }
0x19c: {  	[tilespmem:s8+$0x11000] =	vst v3;
	s1 =	sor.u32 $0x180, s22  }
0x19d: {  	s6 =	sor.u32 $0x180, s21;
	[tilespmem:s1+$0x11000] =	vst v4  }
0x19e: {  	s10 =	sshrl.u32 s5, $0x3;
	s9 =	sor.u32 $0x180, s4;
	s26 =	rddreg [dreg:$0x2];
	[tilespmem:s6+$0x11000] =	vst v0  }
0x19f: {  	s17 =	simm.s32 $0x11000;
	s11 =	sadd.s32 s26, s10;
	s1 =	simm.s32 @p0 $0x6;
	[tilespmem:s9+$0x11000] =	vst v1  }
0x1a0: {  	[hbm4b:s11+s12] =	stream.strided.scatter [tilespmem:s17], [sflag:$0x5], $0x2000, s13, s12, $0x38;
	[tilespmem:$0x19000] =	vst v63  }
0x1a1: {  	_ =	swait.ge @p0 [sflag:s1], $0x2000  }
0x1a2: {  	[sflag:s1] =	ssyncset.done @p0 $0x0  }
0x1a3: {  	s18 =	simm.s32 $0x0;
	[sflag:s1] =	ssyncadd.s32 @p0 $0xFFFFE000  }
0x1a4: {  	v0 =	vld [tilespmem:s18+$0x830]  }
0x1a5: {  	v2 =	vld [tilespmem:s18+$0x820];
	_ =	sdelay $0x1  }
0x1a6: {  	v1 =	vld [tilespmem:s18+$0x810];
	_ =	sdelay $0x1  }
0x1a7: {  	v3 =	vshll.u32 v0, $0x2  }
0x1a8: {  	v0 =	vand.u32 $0x7F, v0;
	v4 =	vshll.u32 v2, $0x2;
	v3 =	vand.u32 $0xFFFFFE00, v3  }
0x1a9: {  	v2 =	vand.u32 $0x7F, v2;
	v4 =	vand.u32 $0xFFFFFE00, v4;
	v0 =	vor.u32 v0, v3  }
0x1aa: {  	v3 =	vshll.u32 v1, $0x2;
	v2 =	vor.u32 v2, v4  }
0x1ab: {  	s19 =	simm.s32 $0x0;
	v1 =	vand.u32 $0x7F, v1;
	v3 =	vand.u32 $0xFFFFFE00, v3  }
0x1ac: {  	s20 =	sand.u32 $0x7C0, s19;
	v1 =	vor.u32 v1, v3  }
0x1ad: {  	v5 =	vld [tilespmem:s20+$0x800]  }
0x1ae: {  	v3 =	vld.idx.msk [tilespmem:v0+s16+$0x0], $0xffff  }
0x1af: {  	v4 =	vor.u32 $0x80, v0;
	v8 =	vld.idx.msk [tilespmem:v2+s16+$0x0], $0xffff  }
0x1b0: {  	s21 =	sand.u32 $0x40, s19;
	s1 =	sand.u32 $0x1E00, s19;
	v9 =	vor.u32 $0x80, v2  }
0x1b1: {  	s23 =	simm.s32 $0x40;
	s1 =	sor.u32 s21, s1;
	v6 =	vld.idx.msk [tilespmem:v1+s16+$0x0], $0xffff  }
0x1b2: {  	v10 =	vld [tilespmem:s23+$0x810];
	s22 =	sadd.s32 $0x13000, s1;
	v7 =	vor.u32 $0x80, v1  }
0x1b3: {  	v11 =	vshll.u32 v5, $0x2;
	[tilespmem:s22+$0x30] =	vst v3;
	v3 =	vld [tilespmem:s23+$0x830]  }
0x1b4: {  	v5 =	vand.u32 $0x7F, v5;
	v11 =	vand.u32 $0xFFFFFE00, v11;
	[tilespmem:s22+$0x20] =	vst v8;
	v4 =	vld.idx.msk [tilespmem:v4+s16+$0x0], $0xffff  }
0x1b5: {  	v5 =	vor.u32 v5, v11;
	v9 =	vld.idx.msk [tilespmem:v9+s16+$0x0], $0xffff  }
0x1b6: {  	[tilespmem:s22+$0x10] =	vst v6;
	v6 =	vld [tilespmem:s23+$0x820]  }
0x1b7: {  	v12 =	vor.u32 $0x100, v0;
	v7 =	vld.idx.msk [tilespmem:v7+s16+$0x0], $0xffff  }
0x1b8: {  	v8 =	vor.u32 $0x100, v1  }
0x1b9: {  	v13 =	vor.u32 $0x100, v2  }
0x1ba: {  	s10 =	simm.s32 $0x80;
	v0 =	vor.u32 $0x180, v0;
	v14 =	vld.idx.msk [tilespmem:v5+s16+$0x0], $0xffff;
	v11 =	vshll.u32 v3, $0x2;
	v3 =	vand.u32 $0x7F, v3;
	[tilespmem:s22+$0xB0] =	vst v4  }
0x1bb: {  	s4 =	simm.s32 $0x1;
	p0 =	por $0x0, $0x0;
	v17 =	vld [tilespmem:s10+$0x830];
	v4 =	vand.u32 $0xFFFFFE00, v11;
	v11 =	vshll.u32 v10, $0x2;
	[tilespmem:s22+$0xA0] =	vst v9;
	v9 =	vor.u32 $0x80, v5  }
0x1bc: {  	s4 =	simm.s32 @!p0 $0x0;
	v12 =	vld.idx.msk [tilespmem:v12+s16+$0x0], $0xffff;
	v3 =	vor.u32 v3, v4;
	v4 =	vand.u32 $0xFFFFFE00, v11;
	v11 =	vshll.u32 v6, $0x2;
	[tilespmem:s22+$0x90] =	vst v7  }
0x1bd: {  	s29 =	simm.s32 $0x40;
	s4 =	sshll.u32 s4, $0x6;
	v10 =	vand.u32 $0x7F, v10;
	v6 =	vand.u32 $0x7F, v6;
	v7 =	vand.u32 $0xFFFFFE00, v11;
	v8 =	vld.idx.msk [tilespmem:v8+s16+$0x0], $0xffff  }
0x1be: {  	s6 =	sand.u32 $0x7C0, s29;
	s24 =	sadd.s32 $0x0, s4;
	v4 =	vor.u32 v10, v4;
	v6 =	vor.u32 v6, v7;
	v7 =	vld.idx.msk [tilespmem:v13+s16+$0x0], $0xffff  }
0x1bf: {  	s4 =	sadd.s32 $0x30, s24;
	[tilespmem:s1+$0x13000] =	vst v14;
	v13 =	vld [tilespmem:s6+$0x800]  }
0x1c0: {  	s25 =	sor.u32 $0x100, s4;
	v9 =	vld.idx.msk [tilespmem:v9+s16+$0x0], $0xffff  }
0x1c1: {  	v16 =	vor.u32 $0x100, v5;
	v10 =	vld.idx.msk [tilespmem:v3+s16+$0x0], $0xffff;
	[tilespmem:s25+$0x13000] =	vst v12  }
0x1c2: {  	s28 =	simm.s32 $0x100;
	s11 =	sadd.s32 $0x10, s24;
	v11 =	vld.idx.msk [tilespmem:v0+s16+$0x0], $0xffff;
	v0 =	vor.u32 $0x80, v3  }
0x1c3: {  	s5 =	sand.u32 $0x1E00, s28;
	s31 =	sand.u32 $0x40, s29;
	s19 =	sor.u32 $0x100, s11;
	v1 =	vor.u32 $0x180, v1;
	v12 =	vld.idx.msk [tilespmem:v4+s16+$0x0], $0xffff  }
0x1c4: {  	s9 =	sor.u32 s31, s5;
	v14 =	vld.idx.msk [tilespmem:v6+s16+$0x0], $0xffff;
	[tilespmem:s19+$0x13000] =	vst v8  }
0x1c5: {  	s5 =	sadd.s32 $0x13000, s9;
	v18 =	vld [tilespmem:s10+$0x810];
	s17 =	sadd.s32 $0x20, s24;
	v15 =	vor.u32 $0x80, v4;
	[tilespmem:s22+$0x80] =	vst v9  }
0x1c6: {  	s20 =	sor.u32 $0x100, s17;
	[tilespmem:s5+$0x30] =	vst v10;
	v10 =	vor.u32 $0x80, v6;
	v16 =	vld.idx.msk [tilespmem:v16+s16+$0x0], $0xffff  }
0x1c7: {  	v19 =	vshll.u32 v13, $0x2;
	[tilespmem:s20+$0x13000] =	vst v7;
	v0 =	vld.idx.msk [tilespmem:v0+s16+$0x0], $0xffff  }
0x1c8: {  	s8 =	simm.s32 $0x1;
	p0 =	por !p0, !p0;
	v61 =	vor.u32 $0x100, v3;
	v19 =	vand.u32 $0xFFFFFE00, v19;
	v1 =	vld.idx.msk [tilespmem:v1+s16+$0x0], $0xffff;
	[tilespmem:s5+$0x10] =	vst v12;
	v12 =	vand.u32 $0x7F, v13  }
0x1c9: {  	s8 =	simm.s32 @!p0 $0x0;
	s4 =	sor.u32 $0x180, s4;
	v13 =	vld [tilespmem:s10+$0x820];
	[tilespmem:s5+$0x20] =	vst v14;
	v14 =	vor.u32 v12, v19  }
0x1ca: {  	s21 =	sshll.u32 s8, $0x6;
	v2 =	vor.u32 $0x180, v2;
	s20 =	simm.s32 $0x80;
	s22 =	sor.u32 $0x100, s24;
	[tilespmem:s4+$0x13000] =	vst v11;
	v12 =	vld.idx.msk [tilespmem:v15+s16+$0x0], $0xffff  }
0x1cb: {  	v8 =	vand.u32 $0x7F, v17;
	s4 =	sadd.s32 $0x100, s21;
	s21 =	sand.u32 $0x7C0, s20;
	v19 =	vshll.u32 v17, $0x2;
	v9 =	vld.idx.msk [tilespmem:v10+s16+$0x0], $0xffff;
	v10 =	vor.u32 $0x100, v4;
	[tilespmem:s22+$0x13000] =	vst v16  }
0x1cc: {  	v15 =	vor.u32 $0x100, v6;
	v17 =	vand.u32 $0xFFFFFE00, v19;
	v16 =	vld [tilespmem:s21+$0x800];
	[tilespmem:s5+$0xB0] =	vst v0;
	v0 =	vshll.u32 v18, $0x2  }
0x1cd: {  	v19 =	vld.idx.msk [tilespmem:v61+s16+$0x0], $0xffff;
	v7 =	vand.u32 $0xFFFFFE00, v0;
	v0 =	vor.u32 v8, v17  }
0x1ce: {  	v3 =	vor.u32 $0x180, v3;
	v11 =	vand.u32 $0x7F, v18;
	v8 =	vshll.u32 v13, $0x2;
	v17 =	vld.idx.msk [tilespmem:v14+s16+$0x0], $0xffff  }
0x1cf: {  	v18 =	vld.idx.msk [tilespmem:v2+s16+$0x0], $0xffff;
	[tilespmem:s5+$0x90] =	vst v12;
	v8 =	vand.u32 $0xFFFFFE00, v8;
	v7 =	vor.u32 v11, v7;
	v11 =	vand.u32 $0x7F, v13  }
0x1d0: {  	s1 =	sor.u32 $0x180, s11;
	s18 =	sadd.s32 $0x30, s4;
	v8 =	vor.u32 v11, v8;
	v10 =	vld.idx.msk [tilespmem:v10+s16+$0x0], $0xffff;
	[tilespmem:s5+$0xA0] =	vst v9  }
0x1d1: {  	s8 =	simm.s32 $0x200;
	s23 =	sor.u32 $0x100, s18;
	v62 =	vor.u32 $0x80, v14;
	[tilespmem:s1+$0x13000] =	vst v1;
	v15 =	vld.idx.msk [tilespmem:v15+s16+$0x0], $0xffff  }
0x1d2: {  	s7 =	sor.u32 $0x180, s24;
	s29 =	sand.u32 $0x1E00, s8;
	v63 =	vld.idx.msk [tilespmem:v0+s16+$0x0], $0xffff;
	[tilespmem:s23+$0x13000] =	vst v19;
	v19 =	vor.u32 $0x180, v5  }
0x1d3: {  	s6 =	sor.u32 $0x180, s17;
	s19 =	simm.s32 $0x8;
	s24 =	sadd.s32 $0x10, s4;
	[tilespmem:s9+$0x13000] =	vst v17;
	v17 =	vor.u32 $0x80, v0;
	v11 =	vld.idx.msk [tilespmem:v3+s16+$0x0], $0xffff  }
0x1d4: {  	s28 =	sand.u32 $0x40, s20;
	s25 =	sadd.s32 $0x20, s4;
	s17 =	sor.u32 $0x100, s24;
	v1 =	vor.u32 $0x180, v14;
	[tilespmem:s6+$0x13000] =	vst v18;
	v12 =	vld.idx.msk [tilespmem:v7+s16+$0x0], $0xffff  }
0x1d5: {  	s11 =	sor.u32 $0x100, s4;
	s31 =	sor.u32 $0x100, s25;
	v2 =	vor.u32 $0x180, v6;
	v6 =	vor.u32 $0x180, v7;
	v9 =	vor.u32 $0x80, v7;
	s23 =	sor.u32 s28, s29;
	v13 =	vld.idx.msk [tilespmem:v8+s16+$0x0], $0xffff;
	[tilespmem:s17+$0x13000] =	vst v10  }
0x1d6: {  	s10 =	sor.u32 $0x180, s24;
	s18 =	sor.u32 $0x180, s18;
	v5 =	vor.u32 $0x100, v14;
	v3 =	vor.u32 $0x180, v4;
	v4 =	vor.u32 $0x100, v7;
	s24 =	sadd.s32 $0x13000, s23;
	v14 =	vld.idx.msk [tilespmem:v62+s16+$0x0], $0xffff;
	[tilespmem:s31+$0x13000] =	vst v15  }
0x1d7: {  	s21 =	simm.s32 $0x300;
	s9 =	sor.u32 $0x180, s25;
	v7 =	vor.u32 $0x100, v8;
	v10 =	vor.u32 $0x80, v8;
	v8 =	vor.u32 $0x180, v8;
	s17 =	sor.u32 $0x180, s4;
	[tilespmem:s24+$0x30] =	vst v63;
	v15 =	vld.idx.msk [tilespmem:v19+s16+$0x0], $0xffff  }
.LBB2_17:
0x1d8: {  	s1 =	sshra.s32 s21, $0x2;
	s19 =	sadd.s32 $0x4, s19;
	v17 =	vld.idx.msk [tilespmem:v17+s16+$0x0], $0xffff;
	[tilespmem:s18+$0x13000] =	vst v11  }
0x1d9: {  	v11 =	vld [tilespmem:s1+$0x830];
	p1 =	slt.u32 s19, $0x7C;
	[tilespmem:s24+$0x10] =	vst v12  }
0x1da: {  	v12 =	vld [tilespmem:s1+$0x810];
	v18 =	vand.u32 $0x7F, v16;
	v16 =	vshll.u32 v16, $0x2;
	[tilespmem:s24+$0x20] =	vst v13;
	v13 =	vor.u32 $0x100, v0  }
0x1db: {  	v19 =	vld [tilespmem:s1+$0x820];
	v16 =	vand.u32 $0xFFFFFE00, v16  }
0x1dc: {  	v16 =	vor.u32 v18, v16;
	v9 =	vld.idx.msk [tilespmem:v9+s16+$0x0], $0xffff;
	[tilespmem:s5+$0x80] =	vst v14;
	s5 =	smov.u32 s24  }
0x1dd: {  	v14 =	vor.u32 $0x80, v16;
	v18 =	vor.u32 $0x100, v16;
	v20 =	vor.u32 $0x180, v16;
	v10 =	vld.idx.msk [tilespmem:v10+s16+$0x0], $0xffff;
	[tilespmem:s7+$0x13000] =	vst v15;
	s7 =	smov.u32 s17  }
0x1de: {  	v15 =	vshll.u32 v11, $0x2;
	[tilespmem:s5+$0xB0] =	vst v17;
	v17 =	vld.idx.msk [tilespmem:v5+s16+$0x0], $0xffff;
	v5 =	vmov v18  }
0x1df: {  	p0 =	por !p0, !p0;
	s1 =	simm.s32 $0x1;
	v11 =	vand.u32 $0x7F, v11;
	v18 =	vshll.u32 v12, $0x2;
	v15 =	vand.u32 $0xFFFFFE00, v15;
	v13 =	vld.idx.msk [tilespmem:v13+s16+$0x0], $0xffff  }
0x1e0: {  	s1 =	simm.s32 @!p0 $0x0;
	v18 =	vand.u32 $0xFFFFFE00, v18;
	v21 =	vshll.u32 v19, $0x2;
	v11 =	vor.u32 v11, v15;
	v15 =	vld.idx.msk [tilespmem:v3+s16+$0x0], $0xffff;
	v3 =	vmovc v6  }
0x1e1: {  	s1 =	sshll.u32 s1, $0x6;
	v6 =	vand.u32 $0x7F, v12;
	v12 =	vand.u32 $0xFFFFFE00, v21;
	v16 =	vld.idx.msk [tilespmem:v16+s16+$0x0], $0xffff;
	v21 =	vor.u32 $0x180, v0;
	v0 =	vmovc v11  }
0x1e2: {  	s1 =	sadd.s32 s1, s8;
	s8 =	smov.u32 s21;
	v18 =	vor.u32 v6, v18;
	v6 =	vand.u32 $0x7F, v19;
	[tilespmem:s5+$0x90] =	vst v9;
	v19 =	vld.idx.msk [tilespmem:v2+s16+$0x0], $0xffff;
	v2 =	vmov v8  }
0x1e3: {  	s4 =	sadd.s32 $0x10, s1;
	s6 =	sadd.s32 $0x20, s1;
	s18 =	sadd.s32 $0x30, s1;
	v9 =	vor.u32 $0x80, v18;
	v22 =	vor.u32 v6, v12;
	v23 =	vld.idx.msk [tilespmem:v4+s16+$0x0], $0xffff;
	v4 =	vor.u32 $0x100, v18;
	[tilespmem:s5+$0xA0] =	vst v10  }
0x1e4: {  	s22 =	sor.u32 $0x100, s4;
	s25 =	sor.u32 $0x100, s6;
	s17 =	sor.u32 $0x100, s18;
	v6 =	vor.u32 $0x180, v18;
	v10 =	vor.u32 $0x80, v22;
	v24 =	vld.idx.msk [tilespmem:v7+s16+$0x0], $0xffff;
	v7 =	vor.u32 $0x100, v22;
	[tilespmem:s11+$0x13000] =	vst v17  }
0x1e5: {  	s4 =	sor.u32 $0x180, s4;
	s6 =	sor.u32 $0x180, s6;
	v8 =	vor.u32 $0x180, v22;
	s11 =	sor.u32 $0x100, s1;
	v25 =	vld.idx.msk [tilespmem:v11+s16+$0x0], $0xffff;
	[tilespmem:s17+$0x13000] =	vst v13  }
0x1e6: {  	s17 =	sor.u32 $0x180, s1;
	v11 =	vld.idx.msk [tilespmem:v21+s16+$0x0], $0xffff;
	[tilespmem:s10+$0x13000] =	vst v15;
	s10 =	smov.u32 s4  }
.Ltmp11:
0x1e7: {  	s20 =	sadd.s32 $0x40, s20;
	v17 =	vor.u32 $0x80, v0;
	v12 =	vld.idx.msk [tilespmem:v18+s16+$0x0], $0xffff;
	[tilespmem:s23+$0x13000] =	vst v16;
	(pc) =	sbr.rel @p1 .LBB2_17-.Ltmp11, $4  }
0x1e8: {  	s1 =	sand.u32 $0x40, s20;
	s4 =	sand.u32 $0x7C0, s20;
	s23 =	sand.u32 $0x1E00, s21;
	v13 =	vld.idx.msk [tilespmem:v22+s16+$0x0], $0xffff;
	[tilespmem:s9+$0x13000] =	vst v19  }
0x1e9: {  	s23 =	sor.u32 s1, s23;
	s9 =	smov.u32 s6;
	v16 =	vld [tilespmem:s4+$0x800];
	[tilespmem:s22+$0x13000] =	vst v23  }
0x1ea: {  	s24 =	sadd.s32 $0x13000, s23;
	v14 =	vld.idx.msk [tilespmem:v14+s16+$0x0], $0xffff;
	[tilespmem:s25+$0x13000] =	vst v24  }
0x1eb: {  	s18 =	sor.u32 $0x180, s18;
	s21 =	sadd.s32 $0x100, s21;
	[tilespmem:s24+$0x30] =	vst v25;
	v15 =	vld.idx.msk [tilespmem:v1+s16+$0x0], $0xffff;
	v1 =	vmov v20  }
0x1ec: {  	_ =	sdelay $0x1  }
0x1ed: {  	v18 =	vshll.u32 v16, $0x2  }
0x1ee: {  	v53 =	vand.u32 $0x7F, v16;
	v18 =	vand.u32 $0xFFFFFE00, v18  }
0x1ef: {  	v16 =	vor.u32 v53, v18;
	_ =	sdelay $0x4  }
0x1f0: {  	v18 =	vld.idx.msk [tilespmem:v16+s16+$0x0], $0xffff  }
0x1f1: {  	v19 =	vor.u32 $0x80, v16  }
0x1f2: {  	[tilespmem:s18+$0x13000] =	vst v11  }
0x1f3: {  	v54 =	vld.idx.msk [tilespmem:v17+s16+$0x0], $0xffff;
	[tilespmem:s24+$0x10] =	vst v12  }
0x1f4: {  	v55 =	vor.u32 $0x100, v0;
	[tilespmem:s24+$0x20] =	vst v13;
	v9 =	vld.idx.msk [tilespmem:v9+s16+$0x0], $0xffff  }
0x1f5: {  	v10 =	vld.idx.msk [tilespmem:v10+s16+$0x0], $0xffff;
	[tilespmem:s23+$0x13000] =	vst v18  }
0x1f6: {  	[tilespmem:s5+$0x80] =	vst v14;
	v56 =	vld.idx.msk [tilespmem:v19+s16+$0x0], $0xffff  }
0x1f7: {  	v3 =	vld.idx.msk [tilespmem:v3+s16+$0x0], $0xffff;
	[tilespmem:s7+$0x13000] =	vst v15;
	v57 =	vor.u32 $0x100, v16  }
0x1f8: {  	p0 =	por !p0, !p0;
	s1 =	simm.s32 $0x1;
	v5 =	vld.idx.msk [tilespmem:v5+s16+$0x0], $0xffff;
	[tilespmem:s24+$0xB0] =	vst v54  }
0x1f9: {  	s1 =	simm.s32 @!p0 $0x0;
	v11 =	vld.idx.msk [tilespmem:v55+s16+$0x0], $0xffff;
	[tilespmem:s24+$0x90] =	vst v9  }
0x1fa: {  	v58 =	vor.u32 $0x180, v0;
	s1 =	sshll.u32 s1, $0x6;
	v4 =	vld.idx.msk [tilespmem:v4+s16+$0x0], $0xffff;
	[tilespmem:s24+$0xA0] =	vst v10  }
0x1fb: {  	s1 =	sadd.s32 s1, s8;
	v7 =	vld.idx.msk [tilespmem:v7+s16+$0x0], $0xffff;
	[tilespmem:s24+$0x80] =	vst v56  }
0x1fc: {  	s4 =	sadd.s32 $0x30, s1;
	[tilespmem:s10+$0x13000] =	vst v3;
	v59 =	vld.idx.msk [tilespmem:v57+s16+$0x0], $0xffff  }
0x1fd: {  	v2 =	vld.idx.msk [tilespmem:v2+s16+$0x0], $0xffff;
	s6 =	sadd.s32 $0x10, s1;
	s21 =	sor.u32 $0x100, s4;
	v60 =	vor.u32 $0x180, v16;
	[tilespmem:s11+$0x13000] =	vst v5  }
0x1fe: {  	s22 =	sadd.s32 $0x20, s1;
	v1 =	vld.idx.msk [tilespmem:v1+s16+$0x0], $0xffff;
	[tilespmem:s21+$0x13000] =	vst v11;
	s23 =	sor.u32 $0x100, s6  }
0x1ff: {  	v0 =	vld.idx.msk [tilespmem:v58+s16+$0x0], $0xffff;
	[tilespmem:s23+$0x13000] =	vst v4;
	s24 =	sor.u32 $0x100, s22  }
0x200: {  	s25 =	sor.u32 $0x100, s1;
	v61 =	vld.idx.msk [tilespmem:v6+s16+$0x0], $0xffff;
	[tilespmem:s24+$0x13000] =	vst v7  }
0x201: {  	v62 =	vld.idx.msk [tilespmem:v8+s16+$0x0], $0xffff;
	[tilespmem:s25+$0x13000] =	vst v59  }
0x202: {  	[tilespmem:s9+$0x13000] =	vst v2;
	v63 =	vld.idx.msk [tilespmem:v60+s16+$0x0], $0xffff  }
0x203: {  	s4 =	sor.u32 $0x180, s4;
	[tilespmem:s17+$0x13000] =	vst v1  }
.Ltmp12:
0x204: {  	s0 =	sor.u32 s3, s0;
	s28 =	sor.u32 $0x180, s6;
	[tilespmem:s4+$0x13000] =	vst v0;
	(pc) =	sbr.rel .LBB2_25-.Ltmp12, $4  }
0x205: {  	s0 =	sshrl.u32 s0, $0x3;
	s29 =	sor.u32 $0x180, s22;
	[tilespmem:s28+$0x13000] =	vst v61  }
0x206: {  	s0 =	sor.u32 $0x800, s0;
	s1 =	sor.u32 $0x180, s1;
	[tilespmem:s29+$0x13000] =	vst v62  }
0x207: {  	s31 =	simm.s32 $0x13000;
	s0 =	sadd.s32 s26, s0;
	[tilespmem:s1+$0x13000] =	vst v63  }
0x208: {  	[hbm4b:s0+s12] =	stream.strided.scatter [tilespmem:s31], [sflag:$0x6], $0x2000, s13, s12, $0x38;
	[tilespmem:$0x19000] =	vst v63  }
.LBB2_9:
0x209: {  	p0 =	sgt.u32 s2, $0x3C  }
0x20a: {  	s18 =	simm.s32 $0x2;
	s1 =	sadd.s32 @!p0 $0xC, s7  }
0x20b: {  	_ =	swait.ge [sflag:s18], $0x4000;
	s7 =	simm.s32 @!p0 $0x1000;
	p1 =	slt.u32 @!p0 s2, $0x2  }
0x20c: {  	s4 =	sshll.u32 @!p0 s1, $0x4;
	s1 =	sshll.u32 @!p0 s1, $0x9;
	[sflag:s18] =	ssyncset.done $0x0  }
0x20d: {  	p1 =	por p0, !p1;
	s4 =	sand.u32 @!p0 $0x40, s4;
	s6 =	rddreg [dreg:$0x0]  }
0x20e: {  	s1 =	sand.u32 @!p0 $0xFFFF000, s1;
	[sflag:s18] =	ssyncadd.s32 $0xFFFFC000;
	s4 =	sadd.s32 @!p0 s6, s4  }
0x20f: {  	s6 =	simm.s32 @!p0 $0x400;
	s1 =	sadd.s32 @!p0 s1, s4;
	s4 =	simm.s32 @!p0 $0x200  }
0x210: {  	[tilespmem:s7], [sflag:$0x1] =	stream.strided.gather @!p0 [hbm4b:s1+s4], $0x4000, s6, s4, $0x38;
	[tilespmem:$0x19000] =	vst v63  }
0x211: {  	s19 =	simm.s32 $0x0;
	s1 =	simm.s32 @p1 $0x7  }
0x212: {  	s7 =	sand.u32 $0x40, s19;
	_ =	swait.ge @p1 [sflag:s1], $0x2000  }
0x213: {  	s20 =	sand.u32 $0x780, s19;
	s21 =	sor.u32 $0x30, s7;
	[sflag:s1] =	ssyncset.done @p1 $0x0  }
0x214: {  	s8 =	sor.u32 s21, s20;
	[sflag:s1] =	ssyncadd.s32 @p1 $0xFFFFE000  }
0x215: {  	s10 =	sor.u32 $0x10, s7;
	v0 =	vld [tilespmem:s8+$0x0]  }
0x216: {  	s17 =	sor.u32 $0x20, s7;
	s22 =	sor.u32 s10, s20  }
0x217: {  	s4 =	sor.u32 s17, s20;
	v1 =	vld [tilespmem:s22+$0x0]  }
0x218: {  	v2 =	vld [tilespmem:s4+$0x0];
	_ =	sdelay $0x1  }
0x219: {  	v3 =	vshll.u32 v0, $0x2  }
0x21a: {  	v0 =	vand.u32 $0x7F, v0;
	v3 =	vand.u32 $0xFFFFFE00, v3  }
0x21b: {  	v0 =	vor.u32 v0, v3;
	v3 =	vshll.u32 v1, $0x2  }
0x21c: {  	v4 =	vshll.u32 v2, $0x2;
	v1 =	vand.u32 $0x7F, v1;
	v3 =	vand.u32 $0xFFFFFE00, v3  }
0x21d: {  	v2 =	vand.u32 $0x7F, v2;
	v1 =	vor.u32 v1, v3;
	v3 =	vand.u32 $0xFFFFFE00, v4  }
0x21e: {  	v2 =	vor.u32 v2, v3;
	_ =	sdelay $0x1  }
0x21f: {  	s23 =	simm.s32 $0x0;
	s9 =	simm.s32 $0x40;
	v3 =	vld.idx.msk [tilespmem:v0+s15+$0x0], $0xffff  }
0x220: {  	s11 =	sand.u32 $0x40, s9;
	v6 =	vld [tilespmem:s23+$0x0];
	v4 =	vor.u32 $0x80, v0  }
0x221: {  	s25 =	sand.u32 $0x780, s9;
	s9 =	sor.u32 $0x30, s11;
	s1 =	sand.u32 $0x1E00, s19;
	v5 =	vld.idx.msk [tilespmem:v1+s15+$0x0], $0xffff  }
0x222: {  	s26 =	sor.u32 s9, s25;
	s19 =	sor.u32 $0x10, s11;
	s24 =	sadd.s32 $0x15000, s1;
	v7 =	vld.idx.msk [tilespmem:v2+s15+$0x0], $0xffff  }
0x223: {  	s18 =	sor.u32 s19, s25;
	v9 =	vld [tilespmem:s26+$0x0];
	s1 =	sor.u32 s21, s24;
	v8 =	vor.u32 $0x80, v2  }
0x224: {  	v10 =	vld [tilespmem:s18+$0x0];
	[tilespmem:s1+$0x0] =	vst v3;
	v3 =	vor.u32 $0x80, v1  }
0x225: {  	s20 =	sor.u32 $0x20, s11;
	s18 =	sor.u32 s10, s24;
	v11 =	vshll.u32 v6, $0x2;
	v4 =	vld.idx.msk [tilespmem:v4+s15+$0x0], $0xffff  }
0x226: {  	s4 =	sor.u32 s20, s25;
	s21 =	sor.u32 s17, s24;
	v6 =	vand.u32 $0x7F, v6;
	v11 =	vand.u32 $0xFFFFFE00, v11;
	v12 =	vor.u32 $0x100, v0;
	[tilespmem:s18+$0x0] =	vst v5  }
0x227: {  	v13 =	vld [tilespmem:s4+$0x0];
	v5 =	vor.u32 v6, v11;
	[tilespmem:s21+$0x0] =	vst v7  }
0x228: {  	v11 =	vshll.u32 v9, $0x2;
	v8 =	vld.idx.msk [tilespmem:v8+s15+$0x0], $0xffff  }
0x229: {  	p0 =	por @!p0 $0x0, $0x0;
	v9 =	vand.u32 $0x7F, v9;
	v7 =	vor.u32 $0x100, v2;
	v11 =	vand.u32 $0xFFFFFE00, v11;
	v3 =	vld.idx.msk [tilespmem:v3+s15+$0x0], $0xffff  }
0x22a: {  	p0 =	por @p1 $0x1, $0x1;
	p1 =	por $0x0, $0x0;
	v9 =	vor.u32 v9, v11;
	[tilespmem:s1+$0x80] =	vst v4;
	s1 =	simm.s32 $0x1  }
0x22b: {  	v6 =	vor.u32 $0x100, v1;
	v12 =	vld.idx.msk [tilespmem:v12+s15+$0x0], $0xffff;
	s1 =	simm.s32 @!p1 $0x0  }
0x22c: {  	v0 =	vor.u32 $0x180, v0;
	v4 =	vshll.u32 v10, $0x2;
	v14 =	vld.idx.msk [tilespmem:v5+s15+$0x0], $0xffff;
	s1 =	sshll.u32 s1, $0x6  }
0x22d: {  	v11 =	vshll.u32 v13, $0x2;
	v10 =	vand.u32 $0x7F, v10;
	v4 =	vand.u32 $0xFFFFFE00, v4;
	s17 =	sadd.s32 $0x0, s1;
	[tilespmem:s21+$0x80] =	vst v8  }
0x22e: {  	v11 =	vand.u32 $0xFFFFFE00, v11;
	v4 =	vor.u32 v10, v4;
	v10 =	vand.u32 $0x7F, v13;
	[tilespmem:s18+$0x80] =	vst v3;
	s18 =	sadd.s32 $0x30, s17;
	v7 =	vld.idx.msk [tilespmem:v7+s15+$0x0], $0xffff  }
0x22f: {  	s23 =	simm.s32 $0x100;
	s25 =	simm.s32 $0x80;
	v3 =	vor.u32 v10, v11;
	v10 =	vld.idx.msk [tilespmem:v9+s15+$0x0], $0xffff;
	s22 =	sor.u32 $0x100, s18  }
0x230: {  	s4 =	sor.u32 s7, s24;
	s24 =	simm.s32 $0x40;
	v8 =	vor.u32 $0x80, v5;
	s1 =	sand.u32 $0x1E00, s23;
	v6 =	vld.idx.msk [tilespmem:v6+s15+$0x0], $0xffff;
	[tilespmem:s22+$0x15000] =	vst v12  }
0x231: {  	s8 =	sand.u32 $0x40, s25;
	s21 =	sadd.s32 $0x15000, s1;
	[tilespmem:s4+$0x0] =	vst v14;
	v14 =	vld [tilespmem:s24+$0x0]  }
0x232: {  	s26 =	sand.u32 $0x780, s25;
	s1 =	sor.u32 s9, s21;
	s9 =	sor.u32 $0x30, s8;
	v11 =	vld.idx.msk [tilespmem:v0+s15+$0x0], $0xffff  }
0x233: {  	s7 =	sor.u32 s9, s26;
	v0 =	vor.u32 $0x80, v9;
	v12 =	vld.idx.msk [tilespmem:v4+s15+$0x0], $0xffff  }
0x234: {  	v1 =	vor.u32 $0x180, v1;
	v16 =	vld [tilespmem:s7+$0x0]  }
0x235: {  	s10 =	sor.u32 $0x10, s8;
	s22 =	sadd.s32 $0x10, s17;
	v8 =	vld.idx.msk [tilespmem:v8+s15+$0x0], $0xffff  }
0x236: {  	s24 =	sor.u32 s10, s26;
	s23 =	sor.u32 $0x100, s22;
	v13 =	vld.idx.msk [tilespmem:v3+s15+$0x0], $0xffff;
	[tilespmem:s1+$0x0] =	vst v10;
	v10 =	vor.u32 $0x80, v4  }
0x237: {  	v15 =	vor.u32 $0x80, v3;
	[tilespmem:s23+$0x15000] =	vst v6;
	v6 =	vld [tilespmem:s24+$0x0]  }
0x238: {  	v17 =	vor.u32 $0x100, v5;
	s7 =	sor.u32 $0x20, s8;
	v0 =	vld.idx.msk [tilespmem:v0+s15+$0x0], $0xffff  }
0x239: {  	v19 =	vor.u32 $0x100, v9;
	s19 =	sor.u32 s19, s21;
	s6 =	sor.u32 s7, s26;
	v18 =	vld.idx.msk [tilespmem:v1+s15+$0x0], $0xffff;
	v1 =	vshll.u32 v14, $0x2  }
0x23a: {  	v2 =	vor.u32 $0x180, v2;
	s20 =	sor.u32 s20, s21;
	v20 =	vld [tilespmem:s6+$0x0];
	v14 =	vand.u32 $0x7F, v14;
	v1 =	vand.u32 $0xFFFFFE00, v1;
	[tilespmem:s19+$0x0] =	vst v12  }
0x23b: {  	v12 =	vor.u32 v14, v1;
	v1 =	vld.idx.msk [tilespmem:v10+s15+$0x0], $0xffff;
	[tilespmem:s20+$0x0] =	vst v13  }
0x23c: {  	s6 =	sadd.s32 $0x20, s17;
	v14 =	vor.u32 $0x100, v3;
	[tilespmem:s4+$0x80] =	vst v8;
	v8 =	vshll.u32 v16, $0x2;
	v10 =	vor.u32 $0x100, v4;
	v15 =	vld.idx.msk [tilespmem:v15+s15+$0x0], $0xffff  }
0x23d: {  	p1 =	por !p1, !p1;
	s24 =	sor.u32 $0x100, s6;
	v21 =	vld.idx.msk [tilespmem:v17+s15+$0x0], $0xffff;
	v13 =	vand.u32 $0x7F, v16;
	v8 =	vand.u32 $0xFFFFFE00, v8;
	[tilespmem:s1+$0x80] =	vst v0;
	v0 =	vshll.u32 v6, $0x2;
	s1 =	simm.s32 $0x1  }
0x23e: {  	s25 =	sor.u32 $0x180, s18;
	[tilespmem:s24+$0x15000] =	vst v7;
	v7 =	vld.idx.msk [tilespmem:v19+s15+$0x0], $0xffff;
	v16 =	vand.u32 $0xFFFFFE00, v0;
	v0 =	vor.u32 v13, v8;
	s1 =	simm.s32 @!p1 $0x0  }
0x23f: {  	[tilespmem:s25+$0x15000] =	vst v11;
	v8 =	vshll.u32 v20, $0x2;
	v19 =	vld.idx.msk [tilespmem:v2+s15+$0x0], $0xffff;
	v2 =	vand.u32 $0x7F, v6;
	v6 =	vor.u32 $0x180, v9;
	s1 =	sshll.u32 s1, $0x6  }
0x240: {  	s31 =	sor.u32 s11, s21;
	s26 =	sor.u32 $0x100, s17;
	v22 =	vld.idx.msk [tilespmem:v12+s15+$0x0], $0xffff;
	v8 =	vand.u32 $0xFFFFFE00, v8;
	v23 =	vor.u32 v2, v16;
	v2 =	vand.u32 $0x7F, v20;
	[tilespmem:s19+$0x80] =	vst v1;
	s1 =	sadd.s32 $0x100, s1  }
0x241: {  	s23 =	sor.u32 $0x180, s22;
	s6 =	sor.u32 $0x180, s6;
	v20 =	vor.u32 v2, v8;
	v13 =	vld.idx.msk [tilespmem:v10+s15+$0x0], $0xffff;
	[tilespmem:s20+$0x80] =	vst v15;
	s28 =	sadd.s32 $0x30, s1  }
0x242: {  	s25 =	sor.u32 $0x180, s17;
	s17 =	simm.s32 $0xC0;
	v3 =	vor.u32 $0x180, v3;
	[tilespmem:s23+$0x15000] =	vst v18;
	v14 =	vld.idx.msk [tilespmem:v14+s15+$0x0], $0xffff;
	s22 =	sor.u32 $0x100, s28  }
0x243: {  	v4 =	vor.u32 $0x180, v4;
	v9 =	vor.u32 $0x80, v12;
	v1 =	vor.u32 $0x180, v5;
	s19 =	simm.s32 $0x200;
	s20 =	simm.s32 $0x8;
	s24 =	sadd.s32 $0x10, s1;
	v17 =	vld.idx.msk [tilespmem:v0+s15+$0x0], $0xffff;
	[tilespmem:s22+$0x15000] =	vst v7  }
0x244: {  	v5 =	vor.u32 $0x100, v12;
	[tilespmem:s26+$0x15000] =	vst v21;
	v2 =	vor.u32 $0x180, v12;
	v10 =	vor.u32 $0x80, v23;
	s23 =	sadd.s32 $0x20, s1;
	s26 =	sor.u32 $0x100, s1;
	s18 =	sor.u32 $0x100, s24;
	v16 =	vld.idx.msk [tilespmem:v6+s15+$0x0], $0xffff  }
0x245: {  	v11 =	vor.u32 $0x180, v23;
	v12 =	vor.u32 $0x80, v20;
	s29 =	sor.u32 $0x100, s23;
	s24 =	sor.u32 $0x180, s24;
	s11 =	sor.u32 $0x180, s23;
	[tilespmem:s6+$0x15000] =	vst v19;
	v19 =	vor.u32 $0x80, v0;
	v15 =	vld.idx.msk [tilespmem:v23+s15+$0x0], $0xffff  }
0x246: {  	v8 =	vor.u32 $0x180, v20;
	s23 =	sor.u32 $0x180, s1;
	s1 =	simm.s32 $0x80;
	v7 =	vor.u32 $0x100, v20;
	[tilespmem:s31+$0x0] =	vst v22;
	s22 =	sand.u32 $0x1E00, s19;
	v6 =	vor.u32 $0x100, v23;
	v18 =	vld.idx.msk [tilespmem:v20+s15+$0x0], $0xffff  }
.LBB2_10:
0x247: {  	s4 =	sand.u32 $0x780, s17;
	v20 =	vld [tilespmem:s1+$0x0];
	s1 =	sadd.s32 $0x15000, s22;
	[tilespmem:s18+$0x15000] =	vst v13;
	s21 =	smov.u32 s25  }
0x248: {  	s6 =	sand.u32 $0x40, s17;
	s20 =	sadd.s32 $0x4, s20;
	s18 =	sor.u32 s9, s1;
	v13 =	vld.idx.msk [tilespmem:v9+s15+$0x0], $0xffff;
	[tilespmem:s29+$0x15000] =	vst v14  }
0x249: {  	s22 =	sor.u32 $0x180, s28;
	s9 =	sor.u32 $0x30, s6;
	p2 =	slt.u32 s20, $0x7C;
	[tilespmem:s18+$0x0] =	vst v17;
	v14 =	vld.idx.msk [tilespmem:v4+s15+$0x0], $0xffff;
	v4 =	vmov v11  }
0x24a: {  	s25 =	sor.u32 $0x10, s6;
	s28 =	sor.u32 $0x20, s6;
	s29 =	sor.u32 s9, s4;
	v11 =	vld.idx.msk [tilespmem:v19+s15+$0x0], $0xffff;
	[tilespmem:s22+$0x15000] =	vst v16  }
0x24b: {  	s22 =	sor.u32 s25, s4;
	s4 =	sor.u32 s28, s4;
	v16 =	vld [tilespmem:s29+$0x0];
	s29 =	sor.u32 s8, s1  }
0x24c: {  	s8 =	smov.u32 s6;
	v17 =	vld [tilespmem:s22+$0x0];
	v9 =	vand.u32 $0x7F, v20;
	v19 =	vshll.u32 v20, $0x2;
	s22 =	sor.u32 s10, s1;
	s1 =	sor.u32 s7, s1;
	v20 =	vor.u32 $0x100, v0  }
0x24d: {  	s10 =	smov.u32 s25;
	s7 =	smov.u32 s28;
	s25 =	smov.u32 s23;
	v21 =	vld [tilespmem:s4+$0x0];
	v19 =	vand.u32 $0xFFFFFE00, v19;
	[tilespmem:s22+$0x0] =	vst v15  }
0x24e: {  	v15 =	vor.u32 v9, v19;
	v10 =	vld.idx.msk [tilespmem:v10+s15+$0x0], $0xffff;
	[tilespmem:s1+$0x0] =	vst v18  }
0x24f: {  	v9 =	vor.u32 $0x80, v15;
	v18 =	vor.u32 $0x100, v15;
	v19 =	vor.u32 $0x180, v15;
	v12 =	vld.idx.msk [tilespmem:v12+s15+$0x0], $0xffff;
	[tilespmem:s31+$0x80] =	vst v13;
	s31 =	smov.u32 s29  }
0x250: {  	p1 =	por !p1, !p1;
	s4 =	simm.s32 $0x1;
	v13 =	vshll.u32 v16, $0x2;
	[tilespmem:s18+$0x80] =	vst v11;
	v22 =	vld.idx.msk [tilespmem:v5+s15+$0x0], $0xffff;
	v5 =	vmov v18  }
0x251: {  	s4 =	simm.s32 @!p1 $0x0;
	v16 =	vand.u32 $0x7F, v16;
	v11 =	vshll.u32 v17, $0x2;
	v13 =	vand.u32 $0xFFFFFE00, v13;
	v18 =	vld.idx.msk [tilespmem:v20+s15+$0x0], $0xffff;
	[tilespmem:s24+$0x15000] =	vst v14  }
0x252: {  	s4 =	sshll.u32 s4, $0x6;
	v11 =	vand.u32 $0xFFFFFE00, v11;
	v14 =	vshll.u32 v21, $0x2;
	v16 =	vor.u32 v16, v13;
	v20 =	vld.idx.msk [tilespmem:v3+s15+$0x0], $0xffff;
	v3 =	vmovc v8  }
0x253: {  	s4 =	sadd.s32 s4, s19;
	v8 =	vand.u32 $0x7F, v17;
	v13 =	vand.u32 $0xFFFFFE00, v14;
	v23 =	vld.idx.msk [tilespmem:v15+s15+$0x0], $0xffff;
	v15 =	vor.u32 $0x180, v0;
	v0 =	vmovc v16  }
0x254: {  	s6 =	sadd.s32 $0x10, s4;
	v24 =	vor.u32 v8, v11;
	v8 =	vand.u32 $0x7F, v21;
	[tilespmem:s22+$0x80] =	vst v10;
	v21 =	vld.idx.msk [tilespmem:v1+s15+$0x0], $0xffff;
	v1 =	vmovc v2;
	v2 =	vmov v19  }
0x255: {  	s28 =	sadd.s32 $0x30, s4;
	s18 =	sor.u32 $0x100, s6;
	v10 =	vor.u32 $0x80, v24;
	v25 =	vor.u32 v8, v13;
	v13 =	vld.idx.msk [tilespmem:v6+s15+$0x0], $0xffff;
	v6 =	vor.u32 $0x100, v24;
	[tilespmem:s1+$0x80] =	vst v12;
	s1 =	sadd.s32 $0x20, s4  }
.Ltmp13:
0x256: {  	v11 =	vor.u32 $0x180, v24;
	s22 =	sor.u32 $0x100, s28;
	v12 =	vor.u32 $0x80, v25;
	v14 =	vld.idx.msk [tilespmem:v7+s15+$0x0], $0xffff;
	v7 =	vor.u32 $0x100, v25;
	s29 =	sor.u32 $0x100, s1;
	[tilespmem:s26+$0x15000] =	vst v22;
	(pc) =	sbr.rel @p2 .LBB2_10-.Ltmp13, $4  }
0x257: {  	s24 =	sor.u32 $0x180, s6;
	v8 =	vor.u32 $0x180, v25;
	s26 =	sor.u32 $0x100, s4;
	s1 =	sor.u32 $0x180, s1;
	v17 =	vld.idx.msk [tilespmem:v16+s15+$0x0], $0xffff;
	[tilespmem:s22+$0x15000] =	vst v18  }
0x258: {  	s23 =	sor.u32 $0x180, s4;
	v16 =	vld.idx.msk [tilespmem:v15+s15+$0x0], $0xffff;
	[tilespmem:s11+$0x15000] =	vst v20;
	s11 =	smov.u32 s1  }
0x259: {  	s19 =	sadd.s32 $0x100, s19;
	v19 =	vor.u32 $0x80, v0;
	v15 =	vld.idx.msk [tilespmem:v24+s15+$0x0], $0xffff;
	[tilespmem:s31+$0x0] =	vst v23  }
0x25a: {  	s17 =	sadd.s32 $0x40, s17;
	s22 =	sand.u32 $0x1E00, s19;
	s1 =	sshra.s32 s19, $0x2;
	v18 =	vld.idx.msk [tilespmem:v25+s15+$0x0], $0xffff;
	[tilespmem:s21+$0x15000] =	vst v21  }
0x25b: {  	v20 =	vld [tilespmem:s1+$0x0];
	_ =	sdelay $0x4  }
0x25c: {  	v21 =	vshll.u32 v20, $0x2  }
0x25d: {  	v20 =	vand.u32 $0x7F, v20;
	v21 =	vand.u32 $0xFFFFFE00, v21  }
0x25e: {  	v20 =	vor.u32 v20, v21;
	_ =	sdelay $0x3  }
0x25f: {  	s17 =	sadd.s32 $0x15000, s22;
	[tilespmem:s18+$0x15000] =	vst v13;
	v9 =	vld.idx.msk [tilespmem:v9+s15+$0x0], $0xffff  }
0x260: {  	[tilespmem:s29+$0x15000] =	vst v14;
	s4 =	sor.u32 s9, s17;
	v13 =	vld.idx.msk [tilespmem:v20+s15+$0x0], $0xffff  }
0x261: {  	s7 =	sor.u32 s7, s17;
	v4 =	vld.idx.msk [tilespmem:v4+s15+$0x0], $0xffff;
	[tilespmem:s4+$0x0] =	vst v17;
	v14 =	vor.u32 $0x80, v20  }
0x262: {  	s6 =	sor.u32 s10, s17;
	v17 =	vld.idx.msk [tilespmem:v19+s15+$0x0], $0xffff;
	[tilespmem:s7+$0x0] =	vst v18  }
0x263: {  	[tilespmem:s6+$0x0] =	vst v15;
	v12 =	vld.idx.msk [tilespmem:v12+s15+$0x0], $0xffff  }
0x264: {  	s1 =	sor.u32 s8, s17;
	v10 =	vld.idx.msk [tilespmem:v10+s15+$0x0], $0xffff;
	[tilespmem:s31+$0x80] =	vst v9  }
0x265: {  	[tilespmem:s1+$0x0] =	vst v13  }
0x266: {  	v15 =	vor.u32 $0x100, v0;
	[tilespmem:s24+$0x15000] =	vst v4;
	v9 =	vld.idx.msk [tilespmem:v14+s15+$0x0], $0xffff  }
0x267: {  	v5 =	vld.idx.msk [tilespmem:v5+s15+$0x0], $0xffff;
	[tilespmem:s4+$0x80] =	vst v17;
	v13 =	vor.u32 $0x100, v20  }
0x268: {  	p1 =	por !p1, !p1;
	v3 =	vld.idx.msk [tilespmem:v3+s15+$0x0], $0xffff;
	s4 =	simm.s32 $0x1;
	[tilespmem:s7+$0x80] =	vst v12  }
0x269: {  	s20 =	sor.u32 $0x180, s28;
	s4 =	simm.s32 @!p1 $0x0;
	[tilespmem:s6+$0x80] =	vst v10;
	v4 =	vld.idx.msk [tilespmem:v7+s15+$0x0], $0xffff  }
0x26a: {  	[tilespmem:s20+$0x15000] =	vst v16;
	s4 =	sshll.u32 s4, $0x6;
	v6 =	vld.idx.msk [tilespmem:v6+s15+$0x0], $0xffff  }
0x26b: {  	s4 =	sadd.s32 s4, s19;
	v14 =	vld.idx.msk [tilespmem:v15+s15+$0x0], $0xffff;
	[tilespmem:s1+$0x80] =	vst v9  }
0x26c: {  	v0 =	vor.u32 $0x180, v0;
	[tilespmem:s26+$0x15000] =	vst v5;
	s26 =	sadd.s32 $0x20, s4;
	v5 =	vld.idx.msk [tilespmem:v13+s15+$0x0], $0xffff  }
0x26d: {  	v1 =	vld.idx.msk [tilespmem:v1+s15+$0x0], $0xffff;
	[tilespmem:s11+$0x15000] =	vst v3;
	v7 =	vor.u32 $0x180, v20;
	s22 =	sadd.s32 $0x10, s4;
	s29 =	sor.u32 $0x100, s26  }
0x26e: {  	s21 =	sadd.s32 $0x30, s4;
	v2 =	vld.idx.msk [tilespmem:v2+s15+$0x0], $0xffff;
	s28 =	sor.u32 $0x100, s22;
	[tilespmem:s29+$0x15000] =	vst v4  }
0x26f: {  	s24 =	sor.u32 $0x100, s21;
	[tilespmem:s28+$0x15000] =	vst v6;
	v3 =	vld.idx.msk [tilespmem:v8+s15+$0x0], $0xffff  }
0x270: {  	s31 =	sor.u32 $0x100, s4;
	v4 =	vld.idx.msk [tilespmem:v11+s15+$0x0], $0xffff;
	[tilespmem:s24+$0x15000] =	vst v14  }
0x271: {  	v0 =	vld.idx.msk [tilespmem:v0+s15+$0x0], $0xffff;
	[tilespmem:s31+$0x15000] =	vst v5  }
0x272: {  	[tilespmem:s25+$0x15000] =	vst v1;
	v1 =	vld.idx.msk [tilespmem:v7+s15+$0x0], $0xffff  }
0x273: {  	s8 =	sor.u32 $0x180, s26;
	[tilespmem:s23+$0x15000] =	vst v2  }
0x274: {  	[tilespmem:s8+$0x15000] =	vst v3;
	s1 =	sor.u32 $0x180, s22  }
0x275: {  	s6 =	sor.u32 $0x180, s21;
	[tilespmem:s1+$0x15000] =	vst v4  }
0x276: {  	s10 =	sshrl.u32 s5, $0x3;
	s9 =	sor.u32 $0x180, s4;
	s26 =	rddreg [dreg:$0x2];
	[tilespmem:s6+$0x15000] =	vst v0  }
0x277: {  	s17 =	simm.s32 $0x15000;
	s11 =	sadd.s32 s26, s10;
	s1 =	simm.s32 @p0 $0x8;
	[tilespmem:s9+$0x15000] =	vst v1  }
0x278: {  	[hbm4b:s11+s12] =	stream.strided.scatter [tilespmem:s17], [sflag:$0x7], $0x2000, s13, s12, $0x38;
	[tilespmem:$0x19000] =	vst v63  }
0x279: {  	_ =	swait.ge @p0 [sflag:s1], $0x2000  }
0x27a: {  	[sflag:s1] =	ssyncset.done @p0 $0x0  }
0x27b: {  	s18 =	simm.s32 $0x0;
	[sflag:s1] =	ssyncadd.s32 @p0 $0xFFFFE000  }
0x27c: {  	v0 =	vld [tilespmem:s18+$0x830]  }
0x27d: {  	v2 =	vld [tilespmem:s18+$0x820];
	_ =	sdelay $0x1  }
0x27e: {  	v1 =	vld [tilespmem:s18+$0x810];
	_ =	sdelay $0x1  }
0x27f: {  	v3 =	vshll.u32 v0, $0x2  }
0x280: {  	v0 =	vand.u32 $0x7F, v0;
	v4 =	vshll.u32 v2, $0x2;
	v3 =	vand.u32 $0xFFFFFE00, v3  }
0x281: {  	v2 =	vand.u32 $0x7F, v2;
	v4 =	vand.u32 $0xFFFFFE00, v4;
	v0 =	vor.u32 v0, v3  }
0x282: {  	v3 =	vshll.u32 v1, $0x2;
	v2 =	vor.u32 v2, v4  }
0x283: {  	s19 =	simm.s32 $0x0;
	v1 =	vand.u32 $0x7F, v1;
	v3 =	vand.u32 $0xFFFFFE00, v3  }
0x284: {  	s20 =	sand.u32 $0x7C0, s19;
	v1 =	vor.u32 v1, v3  }
0x285: {  	v5 =	vld [tilespmem:s20+$0x800]  }
0x286: {  	v3 =	vld.idx.msk [tilespmem:v0+s15+$0x0], $0xffff  }
0x287: {  	v4 =	vor.u32 $0x80, v0;
	v8 =	vld.idx.msk [tilespmem:v2+s15+$0x0], $0xffff  }
0x288: {  	s21 =	sand.u32 $0x40, s19;
	s1 =	sand.u32 $0x1E00, s19;
	v9 =	vor.u32 $0x80, v2  }
0x289: {  	s23 =	simm.s32 $0x40;
	s1 =	sor.u32 s21, s1;
	v6 =	vld.idx.msk [tilespmem:v1+s15+$0x0], $0xffff  }
0x28a: {  	v10 =	vld [tilespmem:s23+$0x810];
	s22 =	sadd.s32 $0x17000, s1;
	v7 =	vor.u32 $0x80, v1  }
0x28b: {  	v11 =	vshll.u32 v5, $0x2;
	[tilespmem:s22+$0x30] =	vst v3;
	v3 =	vld [tilespmem:s23+$0x830]  }
0x28c: {  	v5 =	vand.u32 $0x7F, v5;
	v11 =	vand.u32 $0xFFFFFE00, v11;
	[tilespmem:s22+$0x20] =	vst v8;
	v4 =	vld.idx.msk [tilespmem:v4+s15+$0x0], $0xffff  }
0x28d: {  	v5 =	vor.u32 v5, v11;
	v9 =	vld.idx.msk [tilespmem:v9+s15+$0x0], $0xffff  }
0x28e: {  	[tilespmem:s22+$0x10] =	vst v6;
	v6 =	vld [tilespmem:s23+$0x820]  }
0x28f: {  	v12 =	vor.u32 $0x100, v0;
	v7 =	vld.idx.msk [tilespmem:v7+s15+$0x0], $0xffff  }
0x290: {  	v8 =	vor.u32 $0x100, v1  }
0x291: {  	v13 =	vor.u32 $0x100, v2  }
0x292: {  	s10 =	simm.s32 $0x80;
	v0 =	vor.u32 $0x180, v0;
	v14 =	vld.idx.msk [tilespmem:v5+s15+$0x0], $0xffff;
	v11 =	vshll.u32 v3, $0x2;
	v3 =	vand.u32 $0x7F, v3;
	[tilespmem:s22+$0xB0] =	vst v4  }
0x293: {  	s4 =	simm.s32 $0x1;
	p0 =	por $0x0, $0x0;
	v17 =	vld [tilespmem:s10+$0x830];
	v4 =	vand.u32 $0xFFFFFE00, v11;
	v11 =	vshll.u32 v10, $0x2;
	[tilespmem:s22+$0xA0] =	vst v9;
	v9 =	vor.u32 $0x80, v5  }
0x294: {  	s4 =	simm.s32 @!p0 $0x0;
	v12 =	vld.idx.msk [tilespmem:v12+s15+$0x0], $0xffff;
	v3 =	vor.u32 v3, v4;
	v4 =	vand.u32 $0xFFFFFE00, v11;
	v11 =	vshll.u32 v6, $0x2;
	[tilespmem:s22+$0x90] =	vst v7  }
0x295: {  	s29 =	simm.s32 $0x40;
	s4 =	sshll.u32 s4, $0x6;
	v10 =	vand.u32 $0x7F, v10;
	v6 =	vand.u32 $0x7F, v6;
	v7 =	vand.u32 $0xFFFFFE00, v11;
	v8 =	vld.idx.msk [tilespmem:v8+s15+$0x0], $0xffff  }
0x296: {  	s6 =	sand.u32 $0x7C0, s29;
	s24 =	sadd.s32 $0x0, s4;
	v4 =	vor.u32 v10, v4;
	v6 =	vor.u32 v6, v7;
	v7 =	vld.idx.msk [tilespmem:v13+s15+$0x0], $0xffff  }
0x297: {  	s4 =	sadd.s32 $0x30, s24;
	[tilespmem:s1+$0x17000] =	vst v14;
	v13 =	vld [tilespmem:s6+$0x800]  }
0x298: {  	s25 =	sor.u32 $0x100, s4;
	v9 =	vld.idx.msk [tilespmem:v9+s15+$0x0], $0xffff  }
0x299: {  	v16 =	vor.u32 $0x100, v5;
	v10 =	vld.idx.msk [tilespmem:v3+s15+$0x0], $0xffff;
	[tilespmem:s25+$0x17000] =	vst v12  }
0x29a: {  	s28 =	simm.s32 $0x100;
	s11 =	sadd.s32 $0x10, s24;
	v11 =	vld.idx.msk [tilespmem:v0+s15+$0x0], $0xffff;
	v0 =	vor.u32 $0x80, v3  }
0x29b: {  	s5 =	sand.u32 $0x1E00, s28;
	s31 =	sand.u32 $0x40, s29;
	s19 =	sor.u32 $0x100, s11;
	v1 =	vor.u32 $0x180, v1;
	v12 =	vld.idx.msk [tilespmem:v4+s15+$0x0], $0xffff  }
0x29c: {  	s9 =	sor.u32 s31, s5;
	v14 =	vld.idx.msk [tilespmem:v6+s15+$0x0], $0xffff;
	[tilespmem:s19+$0x17000] =	vst v8  }
0x29d: {  	s5 =	sadd.s32 $0x17000, s9;
	v18 =	vld [tilespmem:s10+$0x810];
	s17 =	sadd.s32 $0x20, s24;
	v15 =	vor.u32 $0x80, v4;
	[tilespmem:s22+$0x80] =	vst v9  }
0x29e: {  	s20 =	sor.u32 $0x100, s17;
	[tilespmem:s5+$0x30] =	vst v10;
	v10 =	vor.u32 $0x80, v6;
	v16 =	vld.idx.msk [tilespmem:v16+s15+$0x0], $0xffff  }
0x29f: {  	v19 =	vshll.u32 v13, $0x2;
	[tilespmem:s20+$0x17000] =	vst v7;
	v0 =	vld.idx.msk [tilespmem:v0+s15+$0x0], $0xffff  }
0x2a0: {  	s8 =	simm.s32 $0x1;
	p0 =	por !p0, !p0;
	v61 =	vor.u32 $0x100, v3;
	v19 =	vand.u32 $0xFFFFFE00, v19;
	v1 =	vld.idx.msk [tilespmem:v1+s15+$0x0], $0xffff;
	[tilespmem:s5+$0x10] =	vst v12;
	v12 =	vand.u32 $0x7F, v13  }
0x2a1: {  	s8 =	simm.s32 @!p0 $0x0;
	s4 =	sor.u32 $0x180, s4;
	v13 =	vld [tilespmem:s10+$0x820];
	[tilespmem:s5+$0x20] =	vst v14;
	v14 =	vor.u32 v12, v19  }
0x2a2: {  	s21 =	sshll.u32 s8, $0x6;
	v2 =	vor.u32 $0x180, v2;
	s20 =	simm.s32 $0x80;
	s22 =	sor.u32 $0x100, s24;
	[tilespmem:s4+$0x17000] =	vst v11;
	v12 =	vld.idx.msk [tilespmem:v15+s15+$0x0], $0xffff  }
0x2a3: {  	v8 =	vand.u32 $0x7F, v17;
	s4 =	sadd.s32 $0x100, s21;
	s21 =	sand.u32 $0x7C0, s20;
	v19 =	vshll.u32 v17, $0x2;
	v9 =	vld.idx.msk [tilespmem:v10+s15+$0x0], $0xffff;
	v10 =	vor.u32 $0x100, v4;
	[tilespmem:s22+$0x17000] =	vst v16  }
0x2a4: {  	v15 =	vor.u32 $0x100, v6;
	v17 =	vand.u32 $0xFFFFFE00, v19;
	v16 =	vld [tilespmem:s21+$0x800];
	[tilespmem:s5+$0xB0] =	vst v0;
	v0 =	vshll.u32 v18, $0x2  }
0x2a5: {  	v19 =	vld.idx.msk [tilespmem:v61+s15+$0x0], $0xffff;
	v7 =	vand.u32 $0xFFFFFE00, v0;
	v0 =	vor.u32 v8, v17  }
0x2a6: {  	v3 =	vor.u32 $0x180, v3;
	v11 =	vand.u32 $0x7F, v18;
	v8 =	vshll.u32 v13, $0x2;
	v17 =	vld.idx.msk [tilespmem:v14+s15+$0x0], $0xffff  }
0x2a7: {  	v18 =	vld.idx.msk [tilespmem:v2+s15+$0x0], $0xffff;
	[tilespmem:s5+$0x90] =	vst v12;
	v8 =	vand.u32 $0xFFFFFE00, v8;
	v7 =	vor.u32 v11, v7;
	v11 =	vand.u32 $0x7F, v13  }
0x2a8: {  	s1 =	sor.u32 $0x180, s11;
	s18 =	sadd.s32 $0x30, s4;
	v8 =	vor.u32 v11, v8;
	v10 =	vld.idx.msk [tilespmem:v10+s15+$0x0], $0xffff;
	[tilespmem:s5+$0xA0] =	vst v9  }
0x2a9: {  	s8 =	simm.s32 $0x200;
	s23 =	sor.u32 $0x100, s18;
	v62 =	vor.u32 $0x80, v14;
	[tilespmem:s1+$0x17000] =	vst v1;
	v15 =	vld.idx.msk [tilespmem:v15+s15+$0x0], $0xffff  }
0x2aa: {  	s7 =	sor.u32 $0x180, s24;
	s29 =	sand.u32 $0x1E00, s8;
	v63 =	vld.idx.msk [tilespmem:v0+s15+$0x0], $0xffff;
	[tilespmem:s23+$0x17000] =	vst v19;
	v19 =	vor.u32 $0x180, v5  }
0x2ab: {  	s6 =	sor.u32 $0x180, s17;
	s19 =	simm.s32 $0x8;
	s24 =	sadd.s32 $0x10, s4;
	[tilespmem:s9+$0x17000] =	vst v17;
	v17 =	vor.u32 $0x80, v0;
	v11 =	vld.idx.msk [tilespmem:v3+s15+$0x0], $0xffff  }
0x2ac: {  	s28 =	sand.u32 $0x40, s20;
	s25 =	sadd.s32 $0x20, s4;
	s17 =	sor.u32 $0x100, s24;
	v1 =	vor.u32 $0x180, v14;
	[tilespmem:s6+$0x17000] =	vst v18;
	v12 =	vld.idx.msk [tilespmem:v7+s15+$0x0], $0xffff  }
0x2ad: {  	s11 =	sor.u32 $0x100, s4;
	s31 =	sor.u32 $0x100, s25;
	v2 =	vor.u32 $0x180, v6;
	v6 =	vor.u32 $0x180, v7;
	v9 =	vor.u32 $0x80, v7;
	s23 =	sor.u32 s28, s29;
	v13 =	vld.idx.msk [tilespmem:v8+s15+$0x0], $0xffff;
	[tilespmem:s17+$0x17000] =	vst v10  }
0x2ae: {  	s10 =	sor.u32 $0x180, s24;
	s18 =	sor.u32 $0x180, s18;
	v5 =	vor.u32 $0x100, v14;
	v3 =	vor.u32 $0x180, v4;
	v4 =	vor.u32 $0x100, v7;
	s24 =	sadd.s32 $0x17000, s23;
	v14 =	vld.idx.msk [tilespmem:v62+s15+$0x0], $0xffff;
	[tilespmem:s31+$0x17000] =	vst v15  }
0x2af: {  	s21 =	simm.s32 $0x300;
	s9 =	sor.u32 $0x180, s25;
	v7 =	vor.u32 $0x100, v8;
	v10 =	vor.u32 $0x80, v8;
	v8 =	vor.u32 $0x180, v8;
	s17 =	sor.u32 $0x180, s4;
	[tilespmem:s24+$0x30] =	vst v63;
	v15 =	vld.idx.msk [tilespmem:v19+s15+$0x0], $0xffff  }
.LBB2_12:
0x2b0: {  	s1 =	sshra.s32 s21, $0x2;
	s19 =	sadd.s32 $0x4, s19;
	v17 =	vld.idx.msk [tilespmem:v17+s15+$0x0], $0xffff;
	[tilespmem:s18+$0x17000] =	vst v11  }
0x2b1: {  	v11 =	vld [tilespmem:s1+$0x830];
	p1 =	slt.u32 s19, $0x7C;
	[tilespmem:s24+$0x10] =	vst v12  }
0x2b2: {  	v12 =	vld [tilespmem:s1+$0x810];
	v18 =	vand.u32 $0x7F, v16;
	v16 =	vshll.u32 v16, $0x2;
	[tilespmem:s24+$0x20] =	vst v13;
	v13 =	vor.u32 $0x100, v0  }
0x2b3: {  	v19 =	vld [tilespmem:s1+$0x820];
	v16 =	vand.u32 $0xFFFFFE00, v16  }
0x2b4: {  	v16 =	vor.u32 v18, v16;
	v9 =	vld.idx.msk [tilespmem:v9+s15+$0x0], $0xffff;
	[tilespmem:s5+$0x80] =	vst v14;
	s5 =	smov.u32 s24  }
0x2b5: {  	v14 =	vor.u32 $0x80, v16;
	v18 =	vor.u32 $0x100, v16;
	v20 =	vor.u32 $0x180, v16;
	v10 =	vld.idx.msk [tilespmem:v10+s15+$0x0], $0xffff;
	[tilespmem:s7+$0x17000] =	vst v15;
	s7 =	smov.u32 s17  }
0x2b6: {  	v15 =	vshll.u32 v11, $0x2;
	[tilespmem:s5+$0xB0] =	vst v17;
	v17 =	vld.idx.msk [tilespmem:v5+s15+$0x0], $0xffff;
	v5 =	vmov v18  }
0x2b7: {  	p0 =	por !p0, !p0;
	s1 =	simm.s32 $0x1;
	v11 =	vand.u32 $0x7F, v11;
	v18 =	vshll.u32 v12, $0x2;
	v15 =	vand.u32 $0xFFFFFE00, v15;
	v13 =	vld.idx.msk [tilespmem:v13+s15+$0x0], $0xffff  }
0x2b8: {  	s1 =	simm.s32 @!p0 $0x0;
	v18 =	vand.u32 $0xFFFFFE00, v18;
	v21 =	vshll.u32 v19, $0x2;
	v11 =	vor.u32 v11, v15;
	v15 =	vld.idx.msk [tilespmem:v3+s15+$0x0], $0xffff;
	v3 =	vmovc v6  }
0x2b9: {  	s1 =	sshll.u32 s1, $0x6;
	v6 =	vand.u32 $0x7F, v12;
	v12 =	vand.u32 $0xFFFFFE00, v21;
	v16 =	vld.idx.msk [tilespmem:v16+s15+$0x0], $0xffff;
	v21 =	vor.u32 $0x180, v0;
	v0 =	vmovc v11  }
0x2ba: {  	s1 =	sadd.s32 s1, s8;
	s8 =	smov.u32 s21;
	v18 =	vor.u32 v6, v18;
	v6 =	vand.u32 $0x7F, v19;
	[tilespmem:s5+$0x90] =	vst v9;
	v19 =	vld.idx.msk [tilespmem:v2+s15+$0x0], $0xffff;
	v2 =	vmov v8  }
0x2bb: {  	s4 =	sadd.s32 $0x10, s1;
	s6 =	sadd.s32 $0x20, s1;
	s18 =	sadd.s32 $0x30, s1;
	v9 =	vor.u32 $0x80, v18;
	v22 =	vor.u32 v6, v12;
	v23 =	vld.idx.msk [tilespmem:v4+s15+$0x0], $0xffff;
	v4 =	vor.u32 $0x100, v18;
	[tilespmem:s5+$0xA0] =	vst v10  }
0x2bc: {  	s22 =	sor.u32 $0x100, s4;
	s25 =	sor.u32 $0x100, s6;
	s17 =	sor.u32 $0x100, s18;
	v6 =	vor.u32 $0x180, v18;
	v10 =	vor.u32 $0x80, v22;
	v24 =	vld.idx.msk [tilespmem:v7+s15+$0x0], $0xffff;
	v7 =	vor.u32 $0x100, v22;
	[tilespmem:s11+$0x17000] =	vst v17  }
0x2bd: {  	s4 =	sor.u32 $0x180, s4;
	s6 =	sor.u32 $0x180, s6;
	v8 =	vor.u32 $0x180, v22;
	s11 =	sor.u32 $0x100, s1;
	v25 =	vld.idx.msk [tilespmem:v11+s15+$0x0], $0xffff;
	[tilespmem:s17+$0x17000] =	vst v13  }
0x2be: {  	s17 =	sor.u32 $0x180, s1;
	v11 =	vld.idx.msk [tilespmem:v21+s15+$0x0], $0xffff;
	[tilespmem:s10+$0x17000] =	vst v15;
	s10 =	smov.u32 s4  }
.Ltmp14:
0x2bf: {  	s20 =	sadd.s32 $0x40, s20;
	v17 =	vor.u32 $0x80, v0;
	v12 =	vld.idx.msk [tilespmem:v18+s15+$0x0], $0xffff;
	[tilespmem:s23+$0x17000] =	vst v16;
	(pc) =	sbr.rel @p1 .LBB2_12-.Ltmp14, $4  }
0x2c0: {  	s1 =	sand.u32 $0x40, s20;
	s4 =	sand.u32 $0x7C0, s20;
	s23 =	sand.u32 $0x1E00, s21;
	v13 =	vld.idx.msk [tilespmem:v22+s15+$0x0], $0xffff;
	[tilespmem:s9+$0x17000] =	vst v19  }
0x2c1: {  	s23 =	sor.u32 s1, s23;
	s9 =	smov.u32 s6;
	v16 =	vld [tilespmem:s4+$0x800];
	[tilespmem:s22+$0x17000] =	vst v23  }
0x2c2: {  	s24 =	sadd.s32 $0x17000, s23;
	v14 =	vld.idx.msk [tilespmem:v14+s15+$0x0], $0xffff;
	[tilespmem:s25+$0x17000] =	vst v24  }
0x2c3: {  	s18 =	sor.u32 $0x180, s18;
	s21 =	sadd.s32 $0x100, s21;
	[tilespmem:s24+$0x30] =	vst v25;
	v15 =	vld.idx.msk [tilespmem:v1+s15+$0x0], $0xffff;
	v1 =	vmov v20  }
0x2c4: {  	_ =	sdelay $0x1  }
0x2c5: {  	v18 =	vshll.u32 v16, $0x2  }
0x2c6: {  	v53 =	vand.u32 $0x7F, v16;
	v18 =	vand.u32 $0xFFFFFE00, v18  }
0x2c7: {  	v16 =	vor.u32 v53, v18;
	_ =	sdelay $0x4  }
0x2c8: {  	v18 =	vld.idx.msk [tilespmem:v16+s15+$0x0], $0xffff  }
0x2c9: {  	v19 =	vor.u32 $0x80, v16  }
0x2ca: {  	[tilespmem:s18+$0x17000] =	vst v11  }
0x2cb: {  	v54 =	vld.idx.msk [tilespmem:v17+s15+$0x0], $0xffff;
	[tilespmem:s24+$0x10] =	vst v12  }
0x2cc: {  	v55 =	vor.u32 $0x100, v0;
	[tilespmem:s24+$0x20] =	vst v13;
	v9 =	vld.idx.msk [tilespmem:v9+s15+$0x0], $0xffff  }
0x2cd: {  	v10 =	vld.idx.msk [tilespmem:v10+s15+$0x0], $0xffff;
	[tilespmem:s23+$0x17000] =	vst v18  }
0x2ce: {  	[tilespmem:s5+$0x80] =	vst v14;
	v56 =	vld.idx.msk [tilespmem:v19+s15+$0x0], $0xffff  }
0x2cf: {  	v3 =	vld.idx.msk [tilespmem:v3+s15+$0x0], $0xffff;
	[tilespmem:s7+$0x17000] =	vst v15;
	v57 =	vor.u32 $0x100, v16  }
0x2d0: {  	p0 =	por !p0, !p0;
	s1 =	simm.s32 $0x1;
	v5 =	vld.idx.msk [tilespmem:v5+s15+$0x0], $0xffff;
	[tilespmem:s24+$0xB0] =	vst v54  }
0x2d1: {  	s1 =	simm.s32 @!p0 $0x0;
	v11 =	vld.idx.msk [tilespmem:v55+s15+$0x0], $0xffff;
	[tilespmem:s24+$0x90] =	vst v9  }
0x2d2: {  	v58 =	vor.u32 $0x180, v0;
	s1 =	sshll.u32 s1, $0x6;
	v4 =	vld.idx.msk [tilespmem:v4+s15+$0x0], $0xffff;
	[tilespmem:s24+$0xA0] =	vst v10  }
0x2d3: {  	s1 =	sadd.s32 s1, s8;
	v7 =	vld.idx.msk [tilespmem:v7+s15+$0x0], $0xffff;
	[tilespmem:s24+$0x80] =	vst v56  }
0x2d4: {  	s4 =	sadd.s32 $0x30, s1;
	[tilespmem:s10+$0x17000] =	vst v3;
	v59 =	vld.idx.msk [tilespmem:v57+s15+$0x0], $0xffff  }
0x2d5: {  	v2 =	vld.idx.msk [tilespmem:v2+s15+$0x0], $0xffff;
	s6 =	sadd.s32 $0x10, s1;
	s21 =	sor.u32 $0x100, s4;
	v60 =	vor.u32 $0x180, v16;
	[tilespmem:s11+$0x17000] =	vst v5  }
0x2d6: {  	s22 =	sadd.s32 $0x20, s1;
	v1 =	vld.idx.msk [tilespmem:v1+s15+$0x0], $0xffff;
	[tilespmem:s21+$0x17000] =	vst v11;
	s23 =	sor.u32 $0x100, s6  }
0x2d7: {  	v0 =	vld.idx.msk [tilespmem:v58+s15+$0x0], $0xffff;
	[tilespmem:s23+$0x17000] =	vst v4;
	s24 =	sor.u32 $0x100, s22  }
0x2d8: {  	s25 =	sor.u32 $0x100, s1;
	v61 =	vld.idx.msk [tilespmem:v6+s15+$0x0], $0xffff;
	[tilespmem:s24+$0x17000] =	vst v7  }
0x2d9: {  	v62 =	vld.idx.msk [tilespmem:v8+s15+$0x0], $0xffff;
	[tilespmem:s25+$0x17000] =	vst v59  }
0x2da: {  	[tilespmem:s9+$0x17000] =	vst v2;
	v63 =	vld.idx.msk [tilespmem:v60+s15+$0x0], $0xffff  }
0x2db: {  	s4 =	sor.u32 $0x180, s4;
	[tilespmem:s17+$0x17000] =	vst v1  }
.Ltmp15:
0x2dc: {  	s0 =	sor.u32 s3, s0;
	s28 =	sor.u32 $0x180, s6;
	[tilespmem:s4+$0x17000] =	vst v0;
	(pc) =	sbr.rel .LBB2_25-.Ltmp15, $4  }
0x2dd: {  	s0 =	sshrl.u32 s0, $0x3;
	s29 =	sor.u32 $0x180, s22;
	[tilespmem:s28+$0x17000] =	vst v61  }
0x2de: {  	s0 =	sor.u32 $0x800, s0;
	s1 =	sor.u32 $0x180, s1;
	[tilespmem:s29+$0x17000] =	vst v62  }
0x2df: {  	s31 =	simm.s32 $0x17000;
	s0 =	sadd.s32 s26, s0;
	[tilespmem:s1+$0x17000] =	vst v63  }
0x2e0: {  	[hbm4b:s0+s12] =	stream.strided.scatter [tilespmem:s31], [sflag:$0x8], $0x2000, s13, s12, $0x38;
	[tilespmem:$0x19000] =	vst v63  }
.LBB2_20:
0x2e1: {  	s7 =	simm.s32 $0x4  }
0x2e2: {  	s4 =	sshll.u32 @!p0 s1, $0x4;
	_ =	swait.ge [sflag:s7], $0x4000  }
0x2e3: {  	s1 =	sshll.u32 @!p0 s1, $0x9;
	p1 =	por p0, !p1;
	[sflag:s7] =	ssyncset.done $0x0  }
0x2e4: {  	s4 =	sand.u32 @!p0 $0x40, s4;
	s1 =	sand.u32 @!p0 $0xFFFF000, s1;
	s6 =	rddreg [dreg:$0x0]  }
0x2e5: {  	[sflag:s7] =	ssyncadd.s32 $0xFFFFC000;
	s7 =	simm.s32 @!p0 $0x9000;
	s4 =	sadd.s32 @!p0 s6, s4  }
0x2e6: {  	s6 =	simm.s32 @!p0 $0x400;
	s1 =	sadd.s32 @!p0 s1, s4;
	s4 =	simm.s32 @!p0 $0x200  }
0x2e7: {  	[tilespmem:s7], [sflag:$0x3] =	stream.strided.gather @!p0 [hbm4b:s1+s4], $0x4000, s6, s4, $0x38;
	[tilespmem:$0x19000] =	vst v63  }
0x2e8: {  	s19 =	simm.s32 $0x0;
	s1 =	simm.s32 @p1 $0x7  }
0x2e9: {  	s7 =	sand.u32 $0x40, s19;
	_ =	swait.ge @p1 [sflag:s1], $0x2000  }
0x2ea: {  	s20 =	sand.u32 $0x780, s19;
	s21 =	sor.u32 $0x30, s7;
	[sflag:s1] =	ssyncset.done @p1 $0x0  }
0x2eb: {  	s8 =	sor.u32 s21, s20;
	[sflag:s1] =	ssyncadd.s32 @p1 $0xFFFFE000  }
0x2ec: {  	s10 =	sor.u32 $0x10, s7;
	v0 =	vld [tilespmem:s8+$0x0]  }
0x2ed: {  	s17 =	sor.u32 $0x20, s7;
	s22 =	sor.u32 s10, s20  }
0x2ee: {  	s4 =	sor.u32 s17, s20;
	v1 =	vld [tilespmem:s22+$0x0]  }
0x2ef: {  	v2 =	vld [tilespmem:s4+$0x0];
	_ =	sdelay $0x1  }
0x2f0: {  	v3 =	vshll.u32 v0, $0x2  }
0x2f1: {  	v0 =	vand.u32 $0x7F, v0;
	v3 =	vand.u32 $0xFFFFFE00, v3  }
0x2f2: {  	v0 =	vor.u32 v0, v3;
	v3 =	vshll.u32 v1, $0x2  }
0x2f3: {  	v4 =	vshll.u32 v2, $0x2;
	v1 =	vand.u32 $0x7F, v1;
	v3 =	vand.u32 $0xFFFFFE00, v3  }
0x2f4: {  	v2 =	vand.u32 $0x7F, v2;
	v1 =	vor.u32 v1, v3;
	v3 =	vand.u32 $0xFFFFFE00, v4  }
0x2f5: {  	v2 =	vor.u32 v2, v3;
	_ =	sdelay $0x1  }
0x2f6: {  	s23 =	simm.s32 $0x0;
	s9 =	simm.s32 $0x40;
	v3 =	vld.idx.msk [tilespmem:v0+s30+$0x0], $0xffff  }
0x2f7: {  	s11 =	sand.u32 $0x40, s9;
	v6 =	vld [tilespmem:s23+$0x0];
	v4 =	vor.u32 $0x80, v0  }
0x2f8: {  	s25 =	sand.u32 $0x780, s9;
	s9 =	sor.u32 $0x30, s11;
	s1 =	sand.u32 $0x1E00, s19;
	v5 =	vld.idx.msk [tilespmem:v1+s30+$0x0], $0xffff  }
0x2f9: {  	s26 =	sor.u32 s9, s25;
	s19 =	sor.u32 $0x10, s11;
	s24 =	sadd.s32 $0x15000, s1;
	v7 =	vld.idx.msk [tilespmem:v2+s30+$0x0], $0xffff  }
0x2fa: {  	s18 =	sor.u32 s19, s25;
	v9 =	vld [tilespmem:s26+$0x0];
	s1 =	sor.u32 s21, s24;
	v8 =	vor.u32 $0x80, v2  }
0x2fb: {  	v10 =	vld [tilespmem:s18+$0x0];
	[tilespmem:s1+$0x0] =	vst v3;
	v3 =	vor.u32 $0x80, v1  }
0x2fc: {  	s20 =	sor.u32 $0x20, s11;
	s18 =	sor.u32 s10, s24;
	v11 =	vshll.u32 v6, $0x2;
	v4 =	vld.idx.msk [tilespmem:v4+s30+$0x0], $0xffff  }
0x2fd: {  	s4 =	sor.u32 s20, s25;
	s21 =	sor.u32 s17, s24;
	v6 =	vand.u32 $0x7F, v6;
	v11 =	vand.u32 $0xFFFFFE00, v11;
	v12 =	vor.u32 $0x100, v0;
	[tilespmem:s18+$0x0] =	vst v5  }
0x2fe: {  	v13 =	vld [tilespmem:s4+$0x0];
	v5 =	vor.u32 v6, v11;
	[tilespmem:s21+$0x0] =	vst v7  }
0x2ff: {  	v11 =	vshll.u32 v9, $0x2;
	v8 =	vld.idx.msk [tilespmem:v8+s30+$0x0], $0xffff  }
0x300: {  	p0 =	por @!p0 $0x0, $0x0;
	v9 =	vand.u32 $0x7F, v9;
	v7 =	vor.u32 $0x100, v2;
	v11 =	vand.u32 $0xFFFFFE00, v11;
	v3 =	vld.idx.msk [tilespmem:v3+s30+$0x0], $0xffff  }
0x301: {  	p0 =	por @p1 $0x1, $0x1;
	p1 =	por $0x0, $0x0;
	v9 =	vor.u32 v9, v11;
	[tilespmem:s1+$0x80] =	vst v4;
	s1 =	simm.s32 $0x1  }
0x302: {  	v6 =	vor.u32 $0x100, v1;
	v12 =	vld.idx.msk [tilespmem:v12+s30+$0x0], $0xffff;
	s1 =	simm.s32 @!p1 $0x0  }
0x303: {  	v0 =	vor.u32 $0x180, v0;
	v4 =	vshll.u32 v10, $0x2;
	v14 =	vld.idx.msk [tilespmem:v5+s30+$0x0], $0xffff;
	s1 =	sshll.u32 s1, $0x6  }
0x304: {  	v11 =	vshll.u32 v13, $0x2;
	v10 =	vand.u32 $0x7F, v10;
	v4 =	vand.u32 $0xFFFFFE00, v4;
	s17 =	sadd.s32 $0x0, s1;
	[tilespmem:s21+$0x80] =	vst v8  }
0x305: {  	v11 =	vand.u32 $0xFFFFFE00, v11;
	v4 =	vor.u32 v10, v4;
	v10 =	vand.u32 $0x7F, v13;
	[tilespmem:s18+$0x80] =	vst v3;
	s18 =	sadd.s32 $0x30, s17;
	v7 =	vld.idx.msk [tilespmem:v7+s30+$0x0], $0xffff  }
0x306: {  	s23 =	simm.s32 $0x100;
	s25 =	simm.s32 $0x80;
	v3 =	vor.u32 v10, v11;
	v10 =	vld.idx.msk [tilespmem:v9+s30+$0x0], $0xffff;
	s22 =	sor.u32 $0x100, s18  }
0x307: {  	s4 =	sor.u32 s7, s24;
	s24 =	simm.s32 $0x40;
	v8 =	vor.u32 $0x80, v5;
	s1 =	sand.u32 $0x1E00, s23;
	v6 =	vld.idx.msk [tilespmem:v6+s30+$0x0], $0xffff;
	[tilespmem:s22+$0x15000] =	vst v12  }
0x308: {  	s8 =	sand.u32 $0x40, s25;
	s21 =	sadd.s32 $0x15000, s1;
	[tilespmem:s4+$0x0] =	vst v14;
	v14 =	vld [tilespmem:s24+$0x0]  }
0x309: {  	s26 =	sand.u32 $0x780, s25;
	s1 =	sor.u32 s9, s21;
	s9 =	sor.u32 $0x30, s8;
	v11 =	vld.idx.msk [tilespmem:v0+s30+$0x0], $0xffff  }
0x30a: {  	s7 =	sor.u32 s9, s26;
	v0 =	vor.u32 $0x80, v9;
	v12 =	vld.idx.msk [tilespmem:v4+s30+$0x0], $0xffff  }
0x30b: {  	v1 =	vor.u32 $0x180, v1;
	v16 =	vld [tilespmem:s7+$0x0]  }
0x30c: {  	s10 =	sor.u32 $0x10, s8;
	s22 =	sadd.s32 $0x10, s17;
	v8 =	vld.idx.msk [tilespmem:v8+s30+$0x0], $0xffff  }
0x30d: {  	s24 =	sor.u32 s10, s26;
	s23 =	sor.u32 $0x100, s22;
	v13 =	vld.idx.msk [tilespmem:v3+s30+$0x0], $0xffff;
	[tilespmem:s1+$0x0] =	vst v10;
	v10 =	vor.u32 $0x80, v4  }
0x30e: {  	v15 =	vor.u32 $0x80, v3;
	[tilespmem:s23+$0x15000] =	vst v6;
	v6 =	vld [tilespmem:s24+$0x0]  }
0x30f: {  	v17 =	vor.u32 $0x100, v5;
	s7 =	sor.u32 $0x20, s8;
	v0 =	vld.idx.msk [tilespmem:v0+s30+$0x0], $0xffff  }
0x310: {  	v19 =	vor.u32 $0x100, v9;
	s19 =	sor.u32 s19, s21;
	s6 =	sor.u32 s7, s26;
	v18 =	vld.idx.msk [tilespmem:v1+s30+$0x0], $0xffff;
	v1 =	vshll.u32 v14, $0x2  }
0x311: {  	v2 =	vor.u32 $0x180, v2;
	s20 =	sor.u32 s20, s21;
	v20 =	vld [tilespmem:s6+$0x0];
	v14 =	vand.u32 $0x7F, v14;
	v1 =	vand.u32 $0xFFFFFE00, v1;
	[tilespmem:s19+$0x0] =	vst v12  }
0x312: {  	v12 =	vor.u32 v14, v1;
	v1 =	vld.idx.msk [tilespmem:v10+s30+$0x0], $0xffff;
	[tilespmem:s20+$0x0] =	vst v13  }
0x313: {  	s6 =	sadd.s32 $0x20, s17;
	v14 =	vor.u32 $0x100, v3;
	[tilespmem:s4+$0x80] =	vst v8;
	v8 =	vshll.u32 v16, $0x2;
	v10 =	vor.u32 $0x100, v4;
	v15 =	vld.idx.msk [tilespmem:v15+s30+$0x0], $0xffff  }
0x314: {  	p1 =	por !p1, !p1;
	s24 =	sor.u32 $0x100, s6;
	v21 =	vld.idx.msk [tilespmem:v17+s30+$0x0], $0xffff;
	v13 =	vand.u32 $0x7F, v16;
	v8 =	vand.u32 $0xFFFFFE00, v8;
	[tilespmem:s1+$0x80] =	vst v0;
	v0 =	vshll.u32 v6, $0x2;
	s1 =	simm.s32 $0x1  }
0x315: {  	s25 =	sor.u32 $0x180, s18;
	[tilespmem:s24+$0x15000] =	vst v7;
	v7 =	vld.idx.msk [tilespmem:v19+s30+$0x0], $0xffff;
	v16 =	vand.u32 $0xFFFFFE00, v0;
	v0 =	vor.u32 v13, v8;
	s1 =	simm.s32 @!p1 $0x0  }
0x316: {  	[tilespmem:s25+$0x15000] =	vst v11;
	v8 =	vshll.u32 v20, $0x2;
	v19 =	vld.idx.msk [tilespmem:v2+s30+$0x0], $0xffff;
	v2 =	vand.u32 $0x7F, v6;
	v6 =	vor.u32 $0x180, v9;
	s1 =	sshll.u32 s1, $0x6  }
0x317: {  	s31 =	sor.u32 s11, s21;
	s26 =	sor.u32 $0x100, s17;
	v22 =	vld.idx.msk [tilespmem:v12+s30+$0x0], $0xffff;
	v8 =	vand.u32 $0xFFFFFE00, v8;
	v23 =	vor.u32 v2, v16;
	v2 =	vand.u32 $0x7F, v20;
	[tilespmem:s19+$0x80] =	vst v1;
	s1 =	sadd.s32 $0x100, s1  }
0x318: {  	s23 =	sor.u32 $0x180, s22;
	s6 =	sor.u32 $0x180, s6;
	v20 =	vor.u32 v2, v8;
	v13 =	vld.idx.msk [tilespmem:v10+s30+$0x0], $0xffff;
	[tilespmem:s20+$0x80] =	vst v15;
	s28 =	sadd.s32 $0x30, s1  }
0x319: {  	s25 =	sor.u32 $0x180, s17;
	s17 =	simm.s32 $0xC0;
	v3 =	vor.u32 $0x180, v3;
	[tilespmem:s23+$0x15000] =	vst v18;
	v14 =	vld.idx.msk [tilespmem:v14+s30+$0x0], $0xffff;
	s22 =	sor.u32 $0x100, s28  }
0x31a: {  	v4 =	vor.u32 $0x180, v4;
	v9 =	vor.u32 $0x80, v12;
	v1 =	vor.u32 $0x180, v5;
	s19 =	simm.s32 $0x200;
	s20 =	simm.s32 $0x8;
	s24 =	sadd.s32 $0x10, s1;
	v17 =	vld.idx.msk [tilespmem:v0+s30+$0x0], $0xffff;
	[tilespmem:s22+$0x15000] =	vst v7  }
0x31b: {  	v5 =	vor.u32 $0x100, v12;
	[tilespmem:s26+$0x15000] =	vst v21;
	v2 =	vor.u32 $0x180, v12;
	v10 =	vor.u32 $0x80, v23;
	s23 =	sadd.s32 $0x20, s1;
	s26 =	sor.u32 $0x100, s1;
	s18 =	sor.u32 $0x100, s24;
	v16 =	vld.idx.msk [tilespmem:v6+s30+$0x0], $0xffff  }
0x31c: {  	v11 =	vor.u32 $0x180, v23;
	v12 =	vor.u32 $0x80, v20;
	s29 =	sor.u32 $0x100, s23;
	s24 =	sor.u32 $0x180, s24;
	s11 =	sor.u32 $0x180, s23;
	[tilespmem:s6+$0x15000] =	vst v19;
	v19 =	vor.u32 $0x80, v0;
	v15 =	vld.idx.msk [tilespmem:v23+s30+$0x0], $0xffff  }
0x31d: {  	v8 =	vor.u32 $0x180, v20;
	s23 =	sor.u32 $0x180, s1;
	s1 =	simm.s32 $0x80;
	v7 =	vor.u32 $0x100, v20;
	[tilespmem:s31+$0x0] =	vst v22;
	s22 =	sand.u32 $0x1E00, s19;
	v6 =	vor.u32 $0x100, v23;
	v18 =	vld.idx.msk [tilespmem:v20+s30+$0x0], $0xffff  }
.LBB2_21:
0x31e: {  	s4 =	sand.u32 $0x780, s17;
	v20 =	vld [tilespmem:s1+$0x0];
	s1 =	sadd.s32 $0x15000, s22;
	[tilespmem:s18+$0x15000] =	vst v13;
	s21 =	smov.u32 s25  }
0x31f: {  	s6 =	sand.u32 $0x40, s17;
	s20 =	sadd.s32 $0x4, s20;
	s18 =	sor.u32 s9, s1;
	v13 =	vld.idx.msk [tilespmem:v9+s30+$0x0], $0xffff;
	[tilespmem:s29+$0x15000] =	vst v14  }
0x320: {  	s22 =	sor.u32 $0x180, s28;
	s9 =	sor.u32 $0x30, s6;
	p2 =	slt.u32 s20, $0x7C;
	[tilespmem:s18+$0x0] =	vst v17;
	v14 =	vld.idx.msk [tilespmem:v4+s30+$0x0], $0xffff;
	v4 =	vmov v11  }
0x321: {  	s25 =	sor.u32 $0x10, s6;
	s28 =	sor.u32 $0x20, s6;
	s29 =	sor.u32 s9, s4;
	v11 =	vld.idx.msk [tilespmem:v19+s30+$0x0], $0xffff;
	[tilespmem:s22+$0x15000] =	vst v16  }
0x322: {  	s22 =	sor.u32 s25, s4;
	s4 =	sor.u32 s28, s4;
	v16 =	vld [tilespmem:s29+$0x0];
	s29 =	sor.u32 s8, s1  }
0x323: {  	s8 =	smov.u32 s6;
	v17 =	vld [tilespmem:s22+$0x0];
	v9 =	vand.u32 $0x7F, v20;
	v19 =	vshll.u32 v20, $0x2;
	s22 =	sor.u32 s10, s1;
	s1 =	sor.u32 s7, s1;
	v20 =	vor.u32 $0x100, v0  }
0x324: {  	s10 =	smov.u32 s25;
	s7 =	smov.u32 s28;
	s25 =	smov.u32 s23;
	v21 =	vld [tilespmem:s4+$0x0];
	v19 =	vand.u32 $0xFFFFFE00, v19;
	[tilespmem:s22+$0x0] =	vst v15  }
0x325: {  	v15 =	vor.u32 v9, v19;
	v10 =	vld.idx.msk [tilespmem:v10+s30+$0x0], $0xffff;
	[tilespmem:s1+$0x0] =	vst v18  }
0x326: {  	v9 =	vor.u32 $0x80, v15;
	v18 =	vor.u32 $0x100, v15;
	v19 =	vor.u32 $0x180, v15;
	v12 =	vld.idx.msk [tilespmem:v12+s30+$0x0], $0xffff;
	[tilespmem:s31+$0x80] =	vst v13;
	s31 =	smov.u32 s29  }
0x327: {  	p1 =	por !p1, !p1;
	s4 =	simm.s32 $0x1;
	v13 =	vshll.u32 v16, $0x2;
	[tilespmem:s18+$0x80] =	vst v11;
	v22 =	vld.idx.msk [tilespmem:v5+s30+$0x0], $0xffff;
	v5 =	vmov v18  }
0x328: {  	s4 =	simm.s32 @!p1 $0x0;
	v16 =	vand.u32 $0x7F, v16;
	v11 =	vshll.u32 v17, $0x2;
	v13 =	vand.u32 $0xFFFFFE00, v13;
	v18 =	vld.idx.msk [tilespmem:v20+s30+$0x0], $0xffff;
	[tilespmem:s24+$0x15000] =	vst v14  }
0x329: {  	s4 =	sshll.u32 s4, $0x6;
	v11 =	vand.u32 $0xFFFFFE00, v11;
	v14 =	vshll.u32 v21, $0x2;
	v16 =	vor.u32 v16, v13;
	v20 =	vld.idx.msk [tilespmem:v3+s30+$0x0], $0xffff;
	v3 =	vmovc v8  }
0x32a: {  	s4 =	sadd.s32 s4, s19;
	v8 =	vand.u32 $0x7F, v17;
	v13 =	vand.u32 $0xFFFFFE00, v14;
	v23 =	vld.idx.msk [tilespmem:v15+s30+$0x0], $0xffff;
	v15 =	vor.u32 $0x180, v0;
	v0 =	vmovc v16  }
0x32b: {  	s6 =	sadd.s32 $0x10, s4;
	v24 =	vor.u32 v8, v11;
	v8 =	vand.u32 $0x7F, v21;
	[tilespmem:s22+$0x80] =	vst v10;
	v21 =	vld.idx.msk [tilespmem:v1+s30+$0x0], $0xffff;
	v1 =	vmovc v2;
	v2 =	vmov v19  }
0x32c: {  	s28 =	sadd.s32 $0x30, s4;
	s18 =	sor.u32 $0x100, s6;
	v10 =	vor.u32 $0x80, v24;
	v25 =	vor.u32 v8, v13;
	v13 =	vld.idx.msk [tilespmem:v6+s30+$0x0], $0xffff;
	v6 =	vor.u32 $0x100, v24;
	[tilespmem:s1+$0x80] =	vst v12;
	s1 =	sadd.s32 $0x20, s4  }
.Ltmp16:
0x32d: {  	v11 =	vor.u32 $0x180, v24;
	s22 =	sor.u32 $0x100, s28;
	v12 =	vor.u32 $0x80, v25;
	v14 =	vld.idx.msk [tilespmem:v7+s30+$0x0], $0xffff;
	v7 =	vor.u32 $0x100, v25;
	s29 =	sor.u32 $0x100, s1;
	[tilespmem:s26+$0x15000] =	vst v22;
	(pc) =	sbr.rel @p2 .LBB2_21-.Ltmp16, $4  }
0x32e: {  	s24 =	sor.u32 $0x180, s6;
	v8 =	vor.u32 $0x180, v25;
	s26 =	sor.u32 $0x100, s4;
	s1 =	sor.u32 $0x180, s1;
	v17 =	vld.idx.msk [tilespmem:v16+s30+$0x0], $0xffff;
	[tilespmem:s22+$0x15000] =	vst v18  }
0x32f: {  	s23 =	sor.u32 $0x180, s4;
	v16 =	vld.idx.msk [tilespmem:v15+s30+$0x0], $0xffff;
	[tilespmem:s11+$0x15000] =	vst v20;
	s11 =	smov.u32 s1  }
0x330: {  	s19 =	sadd.s32 $0x100, s19;
	v19 =	vor.u32 $0x80, v0;
	v15 =	vld.idx.msk [tilespmem:v24+s30+$0x0], $0xffff;
	[tilespmem:s31+$0x0] =	vst v23  }
0x331: {  	s17 =	sadd.s32 $0x40, s17;
	s22 =	sand.u32 $0x1E00, s19;
	s1 =	sshra.s32 s19, $0x2;
	v18 =	vld.idx.msk [tilespmem:v25+s30+$0x0], $0xffff;
	[tilespmem:s21+$0x15000] =	vst v21  }
0x332: {  	v20 =	vld [tilespmem:s1+$0x0];
	_ =	sdelay $0x4  }
0x333: {  	v21 =	vshll.u32 v20, $0x2  }
0x334: {  	v20 =	vand.u32 $0x7F, v20;
	v21 =	vand.u32 $0xFFFFFE00, v21  }
0x335: {  	v20 =	vor.u32 v20, v21;
	_ =	sdelay $0x3  }
0x336: {  	s17 =	sadd.s32 $0x15000, s22;
	[tilespmem:s18+$0x15000] =	vst v13;
	v9 =	vld.idx.msk [tilespmem:v9+s30+$0x0], $0xffff  }
0x337: {  	[tilespmem:s29+$0x15000] =	vst v14;
	s4 =	sor.u32 s9, s17;
	v13 =	vld.idx.msk [tilespmem:v20+s30+$0x0], $0xffff  }
0x338: {  	s7 =	sor.u32 s7, s17;
	v4 =	vld.idx.msk [tilespmem:v4+s30+$0x0], $0xffff;
	[tilespmem:s4+$0x0] =	vst v17;
	v14 =	vor.u32 $0x80, v20  }
0x339: {  	s6 =	sor.u32 s10, s17;
	v17 =	vld.idx.msk [tilespmem:v19+s30+$0x0], $0xffff;
	[tilespmem:s7+$0x0] =	vst v18  }
0x33a: {  	[tilespmem:s6+$0x0] =	vst v15;
	v12 =	vld.idx.msk [tilespmem:v12+s30+$0x0], $0xffff  }
0x33b: {  	s1 =	sor.u32 s8, s17;
	v10 =	vld.idx.msk [tilespmem:v10+s30+$0x0], $0xffff;
	[tilespmem:s31+$0x80] =	vst v9  }
0x33c: {  	[tilespmem:s1+$0x0] =	vst v13  }
0x33d: {  	v15 =	vor.u32 $0x100, v0;
	[tilespmem:s24+$0x15000] =	vst v4;
	v9 =	vld.idx.msk [tilespmem:v14+s30+$0x0], $0xffff  }
0x33e: {  	v5 =	vld.idx.msk [tilespmem:v5+s30+$0x0], $0xffff;
	[tilespmem:s4+$0x80] =	vst v17;
	v13 =	vor.u32 $0x100, v20  }
0x33f: {  	p1 =	por !p1, !p1;
	v3 =	vld.idx.msk [tilespmem:v3+s30+$0x0], $0xffff;
	s4 =	simm.s32 $0x1;
	[tilespmem:s7+$0x80] =	vst v12  }
0x340: {  	s20 =	sor.u32 $0x180, s28;
	s4 =	simm.s32 @!p1 $0x0;
	[tilespmem:s6+$0x80] =	vst v10;
	v4 =	vld.idx.msk [tilespmem:v7+s30+$0x0], $0xffff  }
0x341: {  	[tilespmem:s20+$0x15000] =	vst v16;
	s4 =	sshll.u32 s4, $0x6;
	v6 =	vld.idx.msk [tilespmem:v6+s30+$0x0], $0xffff  }
0x342: {  	s4 =	sadd.s32 s4, s19;
	v14 =	vld.idx.msk [tilespmem:v15+s30+$0x0], $0xffff;
	[tilespmem:s1+$0x80] =	vst v9  }
0x343: {  	v0 =	vor.u32 $0x180, v0;
	[tilespmem:s26+$0x15000] =	vst v5;
	s26 =	sadd.s32 $0x20, s4;
	v5 =	vld.idx.msk [tilespmem:v13+s30+$0x0], $0xffff  }
0x344: {  	v1 =	vld.idx.msk [tilespmem:v1+s30+$0x0], $0xffff;
	[tilespmem:s11+$0x15000] =	vst v3;
	v7 =	vor.u32 $0x180, v20;
	s22 =	sadd.s32 $0x10, s4;
	s29 =	sor.u32 $0x100, s26  }
0x345: {  	s21 =	sadd.s32 $0x30, s4;
	v2 =	vld.idx.msk [tilespmem:v2+s30+$0x0], $0xffff;
	s28 =	sor.u32 $0x100, s22;
	[tilespmem:s29+$0x15000] =	vst v4  }
0x346: {  	s24 =	sor.u32 $0x100, s21;
	[tilespmem:s28+$0x15000] =	vst v6;
	v3 =	vld.idx.msk [tilespmem:v8+s30+$0x0], $0xffff  }
0x347: {  	s31 =	sor.u32 $0x100, s4;
	v4 =	vld.idx.msk [tilespmem:v11+s30+$0x0], $0xffff;
	[tilespmem:s24+$0x15000] =	vst v14  }
0x348: {  	v0 =	vld.idx.msk [tilespmem:v0+s30+$0x0], $0xffff;
	[tilespmem:s31+$0x15000] =	vst v5  }
0x349: {  	[tilespmem:s25+$0x15000] =	vst v1;
	v1 =	vld.idx.msk [tilespmem:v7+s30+$0x0], $0xffff  }
0x34a: {  	s8 =	sor.u32 $0x180, s26;
	[tilespmem:s23+$0x15000] =	vst v2  }
0x34b: {  	[tilespmem:s8+$0x15000] =	vst v3;
	s1 =	sor.u32 $0x180, s22  }
0x34c: {  	s6 =	sor.u32 $0x180, s21;
	[tilespmem:s1+$0x15000] =	vst v4  }
0x34d: {  	s10 =	sshrl.u32 s5, $0x3;
	s9 =	sor.u32 $0x180, s4;
	s26 =	rddreg [dreg:$0x2];
	[tilespmem:s6+$0x15000] =	vst v0  }
0x34e: {  	s17 =	simm.s32 $0x15000;
	s11 =	sadd.s32 s26, s10;
	s1 =	simm.s32 @p0 $0x8;
	[tilespmem:s9+$0x15000] =	vst v1  }
0x34f: {  	[hbm4b:s11+s12] =	stream.strided.scatter [tilespmem:s17], [sflag:$0x7], $0x2000, s13, s12, $0x38;
	[tilespmem:$0x19000] =	vst v63  }
0x350: {  	_ =	swait.ge @p0 [sflag:s1], $0x2000  }
0x351: {  	[sflag:s1] =	ssyncset.done @p0 $0x0  }
0x352: {  	s18 =	simm.s32 $0x0;
	[sflag:s1] =	ssyncadd.s32 @p0 $0xFFFFE000  }
0x353: {  	v0 =	vld [tilespmem:s18+$0x830]  }
0x354: {  	v2 =	vld [tilespmem:s18+$0x820];
	_ =	sdelay $0x1  }
0x355: {  	v1 =	vld [tilespmem:s18+$0x810];
	_ =	sdelay $0x1  }
0x356: {  	v3 =	vshll.u32 v0, $0x2  }
0x357: {  	v0 =	vand.u32 $0x7F, v0;
	v4 =	vshll.u32 v2, $0x2;
	v3 =	vand.u32 $0xFFFFFE00, v3  }
0x358: {  	v2 =	vand.u32 $0x7F, v2;
	v4 =	vand.u32 $0xFFFFFE00, v4;
	v0 =	vor.u32 v0, v3  }
0x359: {  	v3 =	vshll.u32 v1, $0x2;
	v2 =	vor.u32 v2, v4  }
0x35a: {  	s19 =	simm.s32 $0x0;
	v1 =	vand.u32 $0x7F, v1;
	v3 =	vand.u32 $0xFFFFFE00, v3  }
0x35b: {  	s20 =	sand.u32 $0x7C0, s19;
	v1 =	vor.u32 v1, v3  }
0x35c: {  	v5 =	vld [tilespmem:s20+$0x800]  }
0x35d: {  	v3 =	vld.idx.msk [tilespmem:v0+s30+$0x0], $0xffff  }
0x35e: {  	v4 =	vor.u32 $0x80, v0;
	v8 =	vld.idx.msk [tilespmem:v2+s30+$0x0], $0xffff  }
0x35f: {  	s21 =	sand.u32 $0x40, s19;
	s1 =	sand.u32 $0x1E00, s19;
	v9 =	vor.u32 $0x80, v2  }
0x360: {  	s23 =	simm.s32 $0x40;
	s1 =	sor.u32 s21, s1;
	v6 =	vld.idx.msk [tilespmem:v1+s30+$0x0], $0xffff  }
0x361: {  	v10 =	vld [tilespmem:s23+$0x810];
	s22 =	sadd.s32 $0x17000, s1;
	v7 =	vor.u32 $0x80, v1  }
0x362: {  	v11 =	vshll.u32 v5, $0x2;
	[tilespmem:s22+$0x30] =	vst v3;
	v3 =	vld [tilespmem:s23+$0x830]  }
0x363: {  	v5 =	vand.u32 $0x7F, v5;
	v11 =	vand.u32 $0xFFFFFE00, v11;
	[tilespmem:s22+$0x20] =	vst v8;
	v4 =	vld.idx.msk [tilespmem:v4+s30+$0x0], $0xffff  }
0x364: {  	v5 =	vor.u32 v5, v11;
	v9 =	vld.idx.msk [tilespmem:v9+s30+$0x0], $0xffff  }
0x365: {  	[tilespmem:s22+$0x10] =	vst v6;
	v6 =	vld [tilespmem:s23+$0x820]  }
0x366: {  	v12 =	vor.u32 $0x100, v0;
	v7 =	vld.idx.msk [tilespmem:v7+s30+$0x0], $0xffff  }
0x367: {  	v8 =	vor.u32 $0x100, v1  }
0x368: {  	v13 =	vor.u32 $0x100, v2  }
0x369: {  	s10 =	simm.s32 $0x80;
	v0 =	vor.u32 $0x180, v0;
	v14 =	vld.idx.msk [tilespmem:v5+s30+$0x0], $0xffff;
	v11 =	vshll.u32 v3, $0x2;
	v3 =	vand.u32 $0x7F, v3;
	[tilespmem:s22+$0xB0] =	vst v4  }
0x36a: {  	s4 =	simm.s32 $0x1;
	p0 =	por $0x0, $0x0;
	v17 =	vld [tilespmem:s10+$0x830];
	v4 =	vand.u32 $0xFFFFFE00, v11;
	v11 =	vshll.u32 v10, $0x2;
	[tilespmem:s22+$0xA0] =	vst v9;
	v9 =	vor.u32 $0x80, v5  }
0x36b: {  	s4 =	simm.s32 @!p0 $0x0;
	v12 =	vld.idx.msk [tilespmem:v12+s30+$0x0], $0xffff;
	v3 =	vor.u32 v3, v4;
	v4 =	vand.u32 $0xFFFFFE00, v11;
	v11 =	vshll.u32 v6, $0x2;
	[tilespmem:s22+$0x90] =	vst v7  }
0x36c: {  	s29 =	simm.s32 $0x40;
	s4 =	sshll.u32 s4, $0x6;
	v10 =	vand.u32 $0x7F, v10;
	v6 =	vand.u32 $0x7F, v6;
	v7 =	vand.u32 $0xFFFFFE00, v11;
	v8 =	vld.idx.msk [tilespmem:v8+s30+$0x0], $0xffff  }
0x36d: {  	s6 =	sand.u32 $0x7C0, s29;
	s24 =	sadd.s32 $0x0, s4;
	v4 =	vor.u32 v10, v4;
	v6 =	vor.u32 v6, v7;
	v7 =	vld.idx.msk [tilespmem:v13+s30+$0x0], $0xffff  }
0x36e: {  	s4 =	sadd.s32 $0x30, s24;
	[tilespmem:s1+$0x17000] =	vst v14;
	v13 =	vld [tilespmem:s6+$0x800]  }
0x36f: {  	s25 =	sor.u32 $0x100, s4;
	v9 =	vld.idx.msk [tilespmem:v9+s30+$0x0], $0xffff  }
0x370: {  	v16 =	vor.u32 $0x100, v5;
	v10 =	vld.idx.msk [tilespmem:v3+s30+$0x0], $0xffff;
	[tilespmem:s25+$0x17000] =	vst v12  }
0x371: {  	s28 =	simm.s32 $0x100;
	s11 =	sadd.s32 $0x10, s24;
	v11 =	vld.idx.msk [tilespmem:v0+s30+$0x0], $0xffff;
	v0 =	vor.u32 $0x80, v3  }
0x372: {  	s5 =	sand.u32 $0x1E00, s28;
	s31 =	sand.u32 $0x40, s29;
	s19 =	sor.u32 $0x100, s11;
	v1 =	vor.u32 $0x180, v1;
	v12 =	vld.idx.msk [tilespmem:v4+s30+$0x0], $0xffff  }
0x373: {  	s9 =	sor.u32 s31, s5;
	v14 =	vld.idx.msk [tilespmem:v6+s30+$0x0], $0xffff;
	[tilespmem:s19+$0x17000] =	vst v8  }
0x374: {  	s5 =	sadd.s32 $0x17000, s9;
	v18 =	vld [tilespmem:s10+$0x810];
	s17 =	sadd.s32 $0x20, s24;
	v15 =	vor.u32 $0x80, v4;
	[tilespmem:s22+$0x80] =	vst v9  }
0x375: {  	s20 =	sor.u32 $0x100, s17;
	[tilespmem:s5+$0x30] =	vst v10;
	v10 =	vor.u32 $0x80, v6;
	v16 =	vld.idx.msk [tilespmem:v16+s30+$0x0], $0xffff  }
0x376: {  	v19 =	vshll.u32 v13, $0x2;
	[tilespmem:s20+$0x17000] =	vst v7;
	v0 =	vld.idx.msk [tilespmem:v0+s30+$0x0], $0xffff  }
0x377: {  	s8 =	simm.s32 $0x1;
	p0 =	por !p0, !p0;
	v61 =	vor.u32 $0x100, v3;
	v19 =	vand.u32 $0xFFFFFE00, v19;
	v1 =	vld.idx.msk [tilespmem:v1+s30+$0x0], $0xffff;
	[tilespmem:s5+$0x10] =	vst v12;
	v12 =	vand.u32 $0x7F, v13  }
0x378: {  	s8 =	simm.s32 @!p0 $0x0;
	s4 =	sor.u32 $0x180, s4;
	v13 =	vld [tilespmem:s10+$0x820];
	[tilespmem:s5+$0x20] =	vst v14;
	v14 =	vor.u32 v12, v19  }
0x379: {  	s21 =	sshll.u32 s8, $0x6;
	v2 =	vor.u32 $0x180, v2;
	s20 =	simm.s32 $0x80;
	s22 =	sor.u32 $0x100, s24;
	[tilespmem:s4+$0x17000] =	vst v11;
	v12 =	vld.idx.msk [tilespmem:v15+s30+$0x0], $0xffff  }
0x37a: {  	v8 =	vand.u32 $0x7F, v17;
	s4 =	sadd.s32 $0x100, s21;
	s21 =	sand.u32 $0x7C0, s20;
	v19 =	vshll.u32 v17, $0x2;
	v9 =	vld.idx.msk [tilespmem:v10+s30+$0x0], $0xffff;
	v10 =	vor.u32 $0x100, v4;
	[tilespmem:s22+$0x17000] =	vst v16  }
0x37b: {  	v15 =	vor.u32 $0x100, v6;
	v17 =	vand.u32 $0xFFFFFE00, v19;
	v16 =	vld [tilespmem:s21+$0x800];
	[tilespmem:s5+$0xB0] =	vst v0;
	v0 =	vshll.u32 v18, $0x2  }
0x37c: {  	v19 =	vld.idx.msk [tilespmem:v61+s30+$0x0], $0xffff;
	v7 =	vand.u32 $0xFFFFFE00, v0;
	v0 =	vor.u32 v8, v17  }
0x37d: {  	v3 =	vor.u32 $0x180, v3;
	v11 =	vand.u32 $0x7F, v18;
	v8 =	vshll.u32 v13, $0x2;
	v17 =	vld.idx.msk [tilespmem:v14+s30+$0x0], $0xffff  }
0x37e: {  	v18 =	vld.idx.msk [tilespmem:v2+s30+$0x0], $0xffff;
	[tilespmem:s5+$0x90] =	vst v12;
	v8 =	vand.u32 $0xFFFFFE00, v8;
	v7 =	vor.u32 v11, v7;
	v11 =	vand.u32 $0x7F, v13  }
0x37f: {  	s1 =	sor.u32 $0x180, s11;
	s18 =	sadd.s32 $0x30, s4;
	v8 =	vor.u32 v11, v8;
	v10 =	vld.idx.msk [tilespmem:v10+s30+$0x0], $0xffff;
	[tilespmem:s5+$0xA0] =	vst v9  }
0x380: {  	s8 =	simm.s32 $0x200;
	s23 =	sor.u32 $0x100, s18;
	v62 =	vor.u32 $0x80, v14;
	[tilespmem:s1+$0x17000] =	vst v1;
	v15 =	vld.idx.msk [tilespmem:v15+s30+$0x0], $0xffff  }
0x381: {  	s7 =	sor.u32 $0x180, s24;
	s29 =	sand.u32 $0x1E00, s8;
	v63 =	vld.idx.msk [tilespmem:v0+s30+$0x0], $0xffff;
	[tilespmem:s23+$0x17000] =	vst v19;
	v19 =	vor.u32 $0x180, v5  }
0x382: {  	s6 =	sor.u32 $0x180, s17;
	s19 =	simm.s32 $0x8;
	s24 =	sadd.s32 $0x10, s4;
	[tilespmem:s9+$0x17000] =	vst v17;
	v17 =	vor.u32 $0x80, v0;
	v11 =	vld.idx.msk [tilespmem:v3+s30+$0x0], $0xffff  }
0x383: {  	s28 =	sand.u32 $0x40, s20;
	s25 =	sadd.s32 $0x20, s4;
	s17 =	sor.u32 $0x100, s24;
	v1 =	vor.u32 $0x180, v14;
	[tilespmem:s6+$0x17000] =	vst v18;
	v12 =	vld.idx.msk [tilespmem:v7+s30+$0x0], $0xffff  }
0x384: {  	s11 =	sor.u32 $0x100, s4;
	s31 =	sor.u32 $0x100, s25;
	v2 =	vor.u32 $0x180, v6;
	v6 =	vor.u32 $0x180, v7;
	v9 =	vor.u32 $0x80, v7;
	s23 =	sor.u32 s28, s29;
	v13 =	vld.idx.msk [tilespmem:v8+s30+$0x0], $0xffff;
	[tilespmem:s17+$0x17000] =	vst v10  }
0x385: {  	s10 =	sor.u32 $0x180, s24;
	s18 =	sor.u32 $0x180, s18;
	v5 =	vor.u32 $0x100, v14;
	v3 =	vor.u32 $0x180, v4;
	v4 =	vor.u32 $0x100, v7;
	s24 =	sadd.s32 $0x17000, s23;
	v14 =	vld.idx.msk [tilespmem:v62+s30+$0x0], $0xffff;
	[tilespmem:s31+$0x17000] =	vst v15  }
0x386: {  	s21 =	simm.s32 $0x300;
	s9 =	sor.u32 $0x180, s25;
	v7 =	vor.u32 $0x100, v8;
	v10 =	vor.u32 $0x80, v8;
	v8 =	vor.u32 $0x180, v8;
	s17 =	sor.u32 $0x180, s4;
	[tilespmem:s24+$0x30] =	vst v63;
	v15 =	vld.idx.msk [tilespmem:v19+s30+$0x0], $0xffff  }
.LBB2_23:
0x387: {  	s1 =	sshra.s32 s21, $0x2;
	s19 =	sadd.s32 $0x4, s19;
	v17 =	vld.idx.msk [tilespmem:v17+s30+$0x0], $0xffff;
	[tilespmem:s18+$0x17000] =	vst v11  }
0x388: {  	v11 =	vld [tilespmem:s1+$0x830];
	p1 =	slt.u32 s19, $0x7C;
	[tilespmem:s24+$0x10] =	vst v12  }
0x389: {  	v18 =	vand.u32 $0x7F, v16;
	v16 =	vshll.u32 v16, $0x2;
	v12 =	vld [tilespmem:s1+$0x810];
	[tilespmem:s24+$0x20] =	vst v13;
	v13 =	vor.u32 $0x100, v0  }
0x38a: {  	v16 =	vand.u32 $0xFFFFFE00, v16;
	v19 =	vld [tilespmem:s1+$0x820]  }
0x38b: {  	v16 =	vor.u32 v18, v16;
	v9 =	vld.idx.msk [tilespmem:v9+s30+$0x0], $0xffff;
	[tilespmem:s5+$0x80] =	vst v14;
	s5 =	smov.u32 s24  }
0x38c: {  	v18 =	vor.u32 $0x100, v16;
	v20 =	vor.u32 $0x180, v16;
	v14 =	vor.u32 $0x80, v16;
	v10 =	vld.idx.msk [tilespmem:v10+s30+$0x0], $0xffff;
	[tilespmem:s7+$0x17000] =	vst v15;
	s7 =	smov.u32 s17  }
0x38d: {  	v15 =	vshll.u32 v11, $0x2;
	[tilespmem:s5+$0xB0] =	vst v17;
	v17 =	vld.idx.msk [tilespmem:v5+s30+$0x0], $0xffff;
	v5 =	vmov v18  }
0x38e: {  	p0 =	por !p0, !p0;
	s1 =	simm.s32 $0x1;
	v11 =	vand.u32 $0x7F, v11;
	v18 =	vshll.u32 v12, $0x2;
	v15 =	vand.u32 $0xFFFFFE00, v15;
	v13 =	vld.idx.msk [tilespmem:v13+s30+$0x0], $0xffff  }
0x38f: {  	s1 =	simm.s32 @!p0 $0x0;
	v18 =	vand.u32 $0xFFFFFE00, v18;
	v21 =	vshll.u32 v19, $0x2;
	v11 =	vor.u32 v11, v15;
	v15 =	vld.idx.msk [tilespmem:v3+s30+$0x0], $0xffff;
	v3 =	vmovc v6  }
0x390: {  	s1 =	sshll.u32 s1, $0x6;
	v6 =	vand.u32 $0x7F, v12;
	v12 =	vand.u32 $0xFFFFFE00, v21;
	v16 =	vld.idx.msk [tilespmem:v16+s30+$0x0], $0xffff;
	v21 =	vor.u32 $0x180, v0;
	v0 =	vmovc v11  }
0x391: {  	s1 =	sadd.s32 s1, s8;
	s8 =	smov.u32 s21;
	v18 =	vor.u32 v6, v18;
	v6 =	vand.u32 $0x7F, v19;
	[tilespmem:s5+$0x90] =	vst v9;
	v19 =	vld.idx.msk [tilespmem:v2+s30+$0x0], $0xffff;
	v2 =	vmov v8  }
0x392: {  	s4 =	sadd.s32 $0x10, s1;
	s6 =	sadd.s32 $0x20, s1;
	s18 =	sadd.s32 $0x30, s1;
	v9 =	vor.u32 $0x80, v18;
	v22 =	vor.u32 v6, v12;
	v23 =	vld.idx.msk [tilespmem:v4+s30+$0x0], $0xffff;
	v4 =	vor.u32 $0x100, v18;
	[tilespmem:s5+$0xA0] =	vst v10  }
0x393: {  	s22 =	sor.u32 $0x100, s4;
	s25 =	sor.u32 $0x100, s6;
	s17 =	sor.u32 $0x100, s18;
	v6 =	vor.u32 $0x180, v18;
	v10 =	vor.u32 $0x80, v22;
	v24 =	vld.idx.msk [tilespmem:v7+s30+$0x0], $0xffff;
	v7 =	vor.u32 $0x100, v22;
	[tilespmem:s11+$0x17000] =	vst v17  }
0x394: {  	s4 =	sor.u32 $0x180, s4;
	s6 =	sor.u32 $0x180, s6;
	v8 =	vor.u32 $0x180, v22;
	s11 =	sor.u32 $0x100, s1;
	v25 =	vld.idx.msk [tilespmem:v11+s30+$0x0], $0xffff;
	[tilespmem:s17+$0x17000] =	vst v13  }
0x395: {  	s17 =	sor.u32 $0x180, s1;
	v11 =	vld.idx.msk [tilespmem:v21+s30+$0x0], $0xffff;
	[tilespmem:s10+$0x17000] =	vst v15;
	s10 =	smov.u32 s4  }
.Ltmp17:
0x396: {  	s20 =	sadd.s32 $0x40, s20;
	v17 =	vor.u32 $0x80, v0;
	v12 =	vld.idx.msk [tilespmem:v18+s30+$0x0], $0xffff;
	[tilespmem:s23+$0x17000] =	vst v16;
	(pc) =	sbr.rel @p1 .LBB2_23-.Ltmp17, $4  }
0x397: {  	s1 =	sand.u32 $0x40, s20;
	s4 =	sand.u32 $0x7C0, s20;
	s23 =	sand.u32 $0x1E00, s21;
	v13 =	vld.idx.msk [tilespmem:v22+s30+$0x0], $0xffff;
	[tilespmem:s9+$0x17000] =	vst v19  }
0x398: {  	s23 =	sor.u32 s1, s23;
	s9 =	smov.u32 s6;
	v16 =	vld [tilespmem:s4+$0x800];
	[tilespmem:s22+$0x17000] =	vst v23  }
0x399: {  	s24 =	sadd.s32 $0x17000, s23;
	v14 =	vld.idx.msk [tilespmem:v14+s30+$0x0], $0xffff;
	[tilespmem:s25+$0x17000] =	vst v24  }
0x39a: {  	s18 =	sor.u32 $0x180, s18;
	s21 =	sadd.s32 $0x100, s21;
	[tilespmem:s24+$0x30] =	vst v25;
	v15 =	vld.idx.msk [tilespmem:v1+s30+$0x0], $0xffff;
	v1 =	vmov v20  }
.Ltmp18:
0x39b: {  	_ = 	snop;
	(pc) =	sbr.rel .LBB2_24-.Ltmp18, $1  }
0x39c: {  	_ =	sdelay $0x3  }
.LBB2_27:
0x39d: {  	_ =	sfence.sel $0x180000  }
0x39e: {  	[bflag:$0x0] =	sbarrier.arrive $0xFFFF  }
0x39f: {  	_ =	strace $0x90000047  }
0x3a0: {  	s0 =	stileid.u32;
	[bflag:$0x2] =	sbarrier.arrive $0xFFFF  }
0x3a1: {  	p0 =	sne.s32 s0, $0x0;
	s0 =	rddreg [dreg:$0x3]  }
0x3a2: {  	s0 =	sadd.s32 @!p0 $0x100000, s0  }
0x3a3: {  	[sflag:s0] =	ssyncadd.tile.s32 @!p0 $0x1;
	_ =	shalt  }
.Lfunc_end2:
_tile_overlayer_lowered:
.L_overlay_start_2:
0x3a4: {  	(tag) =	ssettag $0x2  }
0x3a5: {  	s0 =	rddreg [dreg:$0x0];
	s2 =	stileid.u32  }
0x3a6: {  	s1 =	rddreg [dreg:$0x1];
	p0 =	sne.s32 s2, $0x0  }
0x3a7: {  	s3 =	rddreg [dreg:$0x2];
	[bflag:$0x3] =	sbarrier.arrive $0xFFFF;
	s2 =	simm.s32 @!p0 $0x1C09  }
0x3a8: {  	[timem:s3], [sflag:s2] =	dma.local @!p0 [hbm:s0], s1  }
0x3a9: {  	s0 =	simm.s32 @!p0 $0x9  }
0x3aa: {  	_ =	swait.ge @!p0 [sflag:s0], s1  }
0x3ab: {  	s1 =	ssub.s32 @!p0 $0x0, s1;
	[sflag:s0] =	ssyncset.done @!p0 $0x0  }
0x3ac: {  	[sflag:s0] =	ssyncadd.s32 @!p0 s1  }
0x3ad: {  	[bflag:$0x3] =	sbarrier.arrive $0xFFFF  }
0x3ae: {  	_ =	shalt  }

</sc_bundles>
